<compile_context>
chip_gen: v7x
topology: tpu7x:2x2x1
jax: 0.10.2.dev20260603
libtpu: 0.0.44.dev20260713+nightly
codegen_flags: <defaults>
</compile_context>

<pallas_src>
import functools

import jax
import jax.numpy as jnp
from jax import lax
from jax.experimental import pallas as pl
from jax.experimental.pallas import tpu as pltpu
from jax.experimental.pallas import tpu_sc as plsc

B = 4096
T = 50
D = 768
O = 1024
SUB = 256
SPT = D // SUB
NSUB = T * SPT
NPAD = 152
G1 = 104
G2 = NPAD - G1
NW = 32
BPW = B // NW
IDXW = BPW * NPAD


def _sc_segment_sum(sidx_flat, emb3):
    mesh = plsc.VectorSubcoreMesh(core_axis_name="c", subcore_axis_name="s")

    @functools.partial(
        pl.kernel,
        out_type=jax.ShapeDtypeStruct((B, D), jnp.float32),
        mesh=mesh,
        scratch_types=[
            pltpu.VMEM((IDXW,), jnp.int32),
            pltpu.VMEM((NPAD, SUB), jnp.float32),
            pltpu.VMEM((NPAD, SUB), jnp.float32),
            pltpu.VMEM((D,), jnp.float32),
            pltpu.SemaphoreType.DMA,
            pltpu.SemaphoreType.DMA,
        ],
    )
    def sc_kernel(sidx_hbm, emb_hbm, out_hbm, idx_v, rows0, rows1, stage,
                  sem0, sem1):
        wid = lax.axis_index("s") * 2 + lax.axis_index("c")
        rows = [rows0, rows1]
        sems = [sem0, sem1]
        base = wid * BPW

        pltpu.sync_copy(sidx_hbm.at[pl.ds(wid * IDXW, IDXW)], idx_v)

        def gather_copies(s, b):
            off = pl.multiple_of(b * NPAD, 8)
            return (
                pltpu.make_async_copy(
                    emb_hbm.at[idx_v.at[pl.ds(off, G1)]],
                    rows[s].at[pl.ds(0, G1)], sems[s]),
                pltpu.make_async_copy(
                    emb_hbm.at[idx_v.at[pl.ds(off + G1, G2)]],
                    rows[s].at[pl.ds(G1, G2)], sems[s]),
            )

        for s in range(2):
            for cp in gather_copies(s, s):
                cp.start()

        def step(g, carry):
            for s in range(2):
                b = g * 2 + s
                for cp in gather_copies(s, b):
                    cp.wait()

                for k in range(SPT):
                    def add_row(t, acc, k=k):
                        return tuple(
                            acc[v] + rows[s][t * SPT + k, pl.ds(v * 16, 16)]
                            for v in range(SUB // 16))

                    acc = lax.fori_loop(
                        0, T, add_row,
                        tuple(jnp.zeros((16,), jnp.float32)
                              for _ in range(SUB // 16)))
                    for v in range(SUB // 16):
                        stage[pl.ds(k * SUB + v * 16, 16)] = acc[v]

                @pl.when(b + 2 < BPW)
                def _():
                    for cp in gather_copies(s, b + 2):
                        cp.start()

                pltpu.sync_copy(stage, out_hbm.at[base + b])
            return carry

        lax.fori_loop(0, BPW // 2, step, 0)

    return sc_kernel(sidx_flat, emb3)


def _tc_proj_norm(zsum, W, b2d):
    blk = 512

    def tc_kernel(z_ref, w_ref, b_ref, o_ref):
        z = z_ref[...] * (1.0 / T)
        y = jnp.dot(z, w_ref[...], preferred_element_type=jnp.float32)
        y = y + b_ref[...]
        n = jnp.sqrt(jnp.sum(y * y, axis=1, keepdims=True))
        o_ref[...] = y / jnp.maximum(n, 1e-12)

    return pl.pallas_call(
        tc_kernel,
        grid=(B // blk,),
        in_specs=[
            pl.BlockSpec((blk, D), lambda i: (i, 0)),
            pl.BlockSpec((D, O), lambda i: (0, 0)),
            pl.BlockSpec((1, O), lambda i: (0, 0)),
        ],
        out_specs=pl.BlockSpec((blk, O), lambda i: (i, 0)),
        out_shape=jax.ShapeDtypeStruct((B, O), jnp.float32),
    )(zsum, W, b2d)


@jax.jit
def kernel(toks, emb, W, b):
    toks = toks.astype(jnp.int32)
    sidx = (toks[:, :, None] * SPT
            + jnp.arange(SPT, dtype=jnp.int32)).reshape(B, NSUB)
    sidx = jnp.pad(sidx, ((0, 0), (0, NPAD - NSUB)))
    emb3 = emb.reshape(D * 32000 // SUB, SUB)
    zsum = _sc_segment_sum(sidx.reshape(-1), emb3)
    return _tc_proj_norm(zsum, W, b.reshape(1, O))

# --- scband reference (transcript-rebuilt; emitter-appended) ---
"""Pipeline reference for scband-tiny-text-24455543783672 (READ-ONLY COPY).

The authoritative reference and input builder live on the scoring server;
editing this copy changes nothing except your own understanding.
"""

import jax, jax.numpy as jnp
import numpy as np


def setup_inputs(seed: int = 0) -> dict:
    key = jax.random.key(seed)
    k1, k2, k3, k4 = jax.random.split(key, 4)
    toks = jax.random.randint(k1, (4096, 50), 0, 32000, dtype=jnp.int64)
    emb = jax.random.normal(k2, (32000, 768), dtype=jnp.float32) * 0.02
    W = jax.random.normal(k3, (768, 1024), dtype=jnp.float32) * (1.0 / np.sqrt(768))
    b = jax.random.normal(k4, (1024,), dtype=jnp.float32) * 0.01
    return {"toks": toks, "emb": emb, "W": W, "b": b}


def reference(toks, emb, W, b):
    # z = self.emb(toks).mean(1)
    z = jnp.take(emb, toks, axis=0).mean(axis=1)  # [B, 768]
    # y = self.proj(z)
    y = z @ W + b  # [B, 1024]
    # F.normalize(y, dim=-1): y / max(||y||_2, eps)
    n = jnp.linalg.norm(y, axis=-1, keepdims=True)
    return y / jnp.maximum(n, 1e-12)

if __name__ == "__main__":
    import jax
    _d = setup_inputs()
    print(jax.jit(kernel)(*tuple(_d.values())))

</pallas_src>

<mosaic_0001>
#map = affine_map<(d0, d1) -> (0)>
#map1 = affine_map<(d0, d1) -> (0, 0)>
module attributes {stable_mosaic.version = 14 : i64} {
  func.func @sc_kernel(%arg0: i32, %arg1: i32, %arg2: memref<622592xi32, #tpu.memory_space<hbm>>, %arg3: memref<96000x256xf32, #tpu.memory_space<hbm>>, %arg4: memref<4096x768xf32, #tpu.memory_space<hbm>>, %arg5: memref<19456xi32, #tpu.memory_space<vmem>>, %arg6: memref<152x256xf32, #tpu.memory_space<vmem>>, %arg7: memref<152x256xf32, #tpu.memory_space<vmem>>, %arg8: memref<768xf32, #tpu.memory_space<vmem>>, %arg9: memref<!tpu.dma_semaphore, #tpu.memory_space<semaphore_mem>>, %arg10: memref<!tpu.dma_semaphore, #tpu.memory_space<semaphore_mem>>) attributes {dimension_semantics = [#tpu.dimension_semantics<core_parallel>, #tpu.dimension_semantics<subcore_parallel>], iteration_bounds = array<i64: 2, 16>, scalar_prefetch = 0 : i64, scratch_operands = 6 : i64, tpu.core_type = #tpu.core_type<sc_vector_subcore>, window_params = [{transform_indices = #map}, {transform_indices = #map1}, {transform_indices = #map1}]} {
    %mul3A = arith.constant 2 : i32
    %mul3A_0 = arith.muli %arg1, %mul3A : i32
    %add3A = arith.addi %mul3A_0, %arg0 : i32
    %mul3A_1 = arith.constant 128 : i32
    %mul3A_2 = arith.muli %add3A, %mul3A_1 : i32
    %mul3A_3 = arith.constant 19456 : i32
    %mul3A_4 = arith.muli %add3A, %mul3A_3 : i32
    "tpu.region"() ({
      %run_scoped3A = tpu.sem_alloc : memref<!tpu.dma_semaphore, #tpu.memory_space<semaphore_mem>>
      %dma_start3A_44 = tpu.memref_slice %arg2[%mul3A_4] : memref<622592xi32, #tpu.memory_space<hbm>> -> memref<19456xi32, #tpu.memory_space<hbm>>
      %dma_start3A_45 = tpu.memref_slice %arg2[%mul3A_4] : memref<622592xi32, #tpu.memory_space<hbm>> -> memref<19456xi32, #tpu.memory_space<hbm>>
      tpu.enqueue_dma source(%dma_start3A_45 : memref<19456xi32, #tpu.memory_space<hbm>>) target(%arg5 : memref<19456xi32, #tpu.memory_space<vmem>>) target_semaphore(%run_scoped3A : memref<!tpu.dma_semaphore, #tpu.memory_space<semaphore_mem>>)
      %dma_wait3A = tpu.memref_slice %arg2[%mul3A_4] : memref<622592xi32, #tpu.memory_space<hbm>> -> memref<19456xi32, #tpu.memory_space<hbm>>
      %dma_wait3A_46 = tpu.memref_slice %arg2[%mul3A_4] : memref<622592xi32, #tpu.memory_space<hbm>> -> memref<19456xi32, #tpu.memory_space<hbm>>
      tpu.wait_dma2 semaphore(%run_scoped3A : memref<!tpu.dma_semaphore, #tpu.memory_space<semaphore_mem>>) src(%dma_wait3A_46 : memref<19456xi32, #tpu.memory_space<hbm>>) dst(%arg5 : memref<19456xi32, #tpu.memory_space<vmem>>)
      tpu.yield
    }) : () -> ()
    %multiple_of3A = arith.constant 0 : i32
    %multiple_of3A_5 = tpu.assume_multiple %multiple_of3A, 8 : i32
    %add3A_6 = arith.constant 104 : i32
    %add3A_7 = arith.addi %multiple_of3A_5, %add3A_6 : i32
    %dma_start3A = arith.constant 0 : i32
    %dma_start3A_8 = arith.constant 0 : i32
    %dma_start3A_9 = tpu.memref_slice %arg6[%dma_start3A, %dma_start3A_8] : memref<152x256xf32, #tpu.memory_space<vmem>> -> memref<104x256xf32, #tpu.memory_space<vmem>>
    %dma_start3A_10 = tpu.memref_slice %arg5[%multiple_of3A_5] : memref<19456xi32, #tpu.memory_space<vmem>> -> memref<104xi32, #tpu.memory_space<vmem>>
    %dma_start3A_11 = arith.constant 0 : i32
    %dma_start3A_12 = arith.constant 0 : i32
    %dma_start3A_13 = tpu.memref_slice %arg3[%dma_start3A_11, %dma_start3A_12] : memref<96000x256xf32, #tpu.memory_space<hbm>> -> memref<96000x256xf32, #tpu.memory_space<hbm>>
    tpu.enqueue_indirect_dma source(%dma_start3A_13 : memref<96000x256xf32, #tpu.memory_space<hbm>>) target(%dma_start3A_9 : memref<104x256xf32, #tpu.memory_space<vmem>>) offsets(%dma_start3A_10 : memref<104xi32, #tpu.memory_space<vmem>>) semaphore(%arg9 : memref<!tpu.dma_semaphore, #tpu.memory_space<semaphore_mem>>)
    %dma_start3A_14 = arith.constant 104 : i32
    %dma_start3A_15 = arith.constant 0 : i32
    %dma_start3A_16 = tpu.memref_slice %arg6[%dma_start3A_14, %dma_start3A_15] : memref<152x256xf32, #tpu.memory_space<vmem>> -> memref<48x256xf32, #tpu.memory_space<vmem>>
    %dma_start3A_17 = tpu.memref_slice %arg5[%add3A_7] : memref<19456xi32, #tpu.memory_space<vmem>> -> memref<48xi32, #tpu.memory_space<vmem>>
    %dma_start3A_18 = arith.constant 0 : i32
    %dma_start3A_19 = arith.constant 0 : i32
    %dma_start3A_20 = tpu.memref_slice %arg3[%dma_start3A_18, %dma_start3A_19] : memref<96000x256xf32, #tpu.memory_space<hbm>> -> memref<96000x256xf32, #tpu.memory_space<hbm>>
    tpu.enqueue_indirect_dma source(%dma_start3A_20 : memref<96000x256xf32, #tpu.memory_space<hbm>>) target(%dma_start3A_16 : memref<48x256xf32, #tpu.memory_space<vmem>>) offsets(%dma_start3A_17 : memref<48xi32, #tpu.memory_space<vmem>>) semaphore(%arg9 : memref<!tpu.dma_semaphore, #tpu.memory_space<semaphore_mem>>)
    %multiple_of3A_21 = arith.constant 152 : i32
    %multiple_of3A_22 = tpu.assume_multiple %multiple_of3A_21, 8 : i32
    %add3A_23 = arith.constant 104 : i32
    %add3A_24 = arith.addi %multiple_of3A_22, %add3A_23 : i32
    %dma_start3A_25 = arith.constant 0 : i32
    %dma_start3A_26 = arith.constant 0 : i32
    %dma_start3A_27 = tpu.memref_slice %arg7[%dma_start3A_25, %dma_start3A_26] : memref<152x256xf32, #tpu.memory_space<vmem>> -> memref<104x256xf32, #tpu.memory_space<vmem>>
    %dma_start3A_28 = tpu.memref_slice %arg5[%multiple_of3A_22] : memref<19456xi32, #tpu.memory_space<vmem>> -> memref<104xi32, #tpu.memory_space<vmem>>
    %dma_start3A_29 = arith.constant 0 : i32
    %dma_start3A_30 = arith.constant 0 : i32
    %dma_start3A_31 = tpu.memref_slice %arg3[%dma_start3A_29, %dma_start3A_30] : memref<96000x256xf32, #tpu.memory_space<hbm>> -> memref<96000x256xf32, #tpu.memory_space<hbm>>
    tpu.enqueue_indirect_dma source(%dma_start3A_31 : memref<96000x256xf32, #tpu.memory_space<hbm>>) target(%dma_start3A_27 : memref<104x256xf32, #tpu.memory_space<vmem>>) offsets(%dma_start3A_28 : memref<104xi32, #tpu.memory_space<vmem>>) semaphore(%arg10 : memref<!tpu.dma_semaphore, #tpu.memory_space<semaphore_mem>>)
    %dma_start3A_32 = arith.constant 104 : i32
    %dma_start3A_33 = arith.constant 0 : i32
    %dma_start3A_34 = tpu.memref_slice %arg7[%dma_start3A_32, %dma_start3A_33] : memref<152x256xf32, #tpu.memory_space<vmem>> -> memref<48x256xf32, #tpu.memory_space<vmem>>
    %dma_start3A_35 = tpu.memref_slice %arg5[%add3A_24] : memref<19456xi32, #tpu.memory_space<vmem>> -> memref<48xi32, #tpu.memory_space<vmem>>
    %dma_start3A_36 = arith.constant 0 : i32
    %dma_start3A_37 = arith.constant 0 : i32
    %dma_start3A_38 = tpu.memref_slice %arg3[%dma_start3A_36, %dma_start3A_37] : memref<96000x256xf32, #tpu.memory_space<hbm>> -> memref<96000x256xf32, #tpu.memory_space<hbm>>
    tpu.enqueue_indirect_dma source(%dma_start3A_38 : memref<96000x256xf32, #tpu.memory_space<hbm>>) target(%dma_start3A_34 : memref<48x256xf32, #tpu.memory_space<vmem>>) offsets(%dma_start3A_35 : memref<48xi32, #tpu.memory_space<vmem>>) semaphore(%arg10 : memref<!tpu.dma_semaphore, #tpu.memory_space<semaphore_mem>>)
    %scan3A = arith.constant 0 : i32
    %scan3A_39 = arith.constant 0 : i32
    %scan3A_40 = arith.constant 64 : i32
    %scan3A_41 = arith.addi %scan3A_39, %scan3A_40 : i32
    %scan3A_42 = arith.constant 1 : i32
    scf.for %scan3A_44 = %scan3A_39 to %scan3A_41 step %scan3A_42  : i32 {
      %mul3A_45 = arith.constant 2 : i32
      %mul3A_46 = arith.muli %scan3A_44, %mul3A_45 : i32
      %add3A_47 = arith.constant 0 : i32
      %add3A_48 = arith.addi %mul3A_46, %add3A_47 : i32
      %mul3A_49 = arith.constant 152 : i32
      %mul3A_50 = arith.muli %add3A_48, %mul3A_49 : i32
      %multiple_of3A_51 = tpu.assume_multiple %mul3A_50, 8 : i32
      %add3A_52 = arith.constant 104 : i32
      %add3A_53 = arith.addi %multiple_of3A_51, %add3A_52 : i32
      %dma_wait3A = arith.constant 0 : i32
      %dma_wait3A_54 = arith.constant 0 : i32
      %dma_wait3A_55 = tpu.memref_slice %arg6[%dma_wait3A, %dma_wait3A_54] : memref<152x256xf32, #tpu.memory_space<vmem>> -> memref<104x256xf32, #tpu.memory_space<vmem>>
      %dma_wait3A_56 = tpu.memref_slice %arg5[%multiple_of3A_51] : memref<19456xi32, #tpu.memory_space<vmem>> -> memref<104xi32, #tpu.memory_space<vmem>>
      %dma_wait3A_57 = arith.constant 0 : i32
      %dma_wait3A_58 = arith.constant 0 : i32
      %dma_wait3A_59 = tpu.memref_slice %arg3[%dma_wait3A_57, %dma_wait3A_58] : memref<96000x256xf32, #tpu.memory_space<hbm>> -> memref<96000x256xf32, #tpu.memory_space<hbm>>
      tpu.wait_indirect_dma semaphore(%arg9 : memref<!tpu.dma_semaphore, #tpu.memory_space<semaphore_mem>>) src(%dma_wait3A_59 : memref<96000x256xf32, #tpu.memory_space<hbm>>) dst(%dma_wait3A_55 : memref<104x256xf32, #tpu.memory_space<vmem>>)
      %dma_wait3A_60 = arith.constant 104 : i32
      %dma_wait3A_61 = arith.constant 0 : i32
      %dma_wait3A_62 = tpu.memref_slice %arg6[%dma_wait3A_60, %dma_wait3A_61] : memref<152x256xf32, #tpu.memory_space<vmem>> -> memref<48x256xf32, #tpu.memory_space<vmem>>
      %dma_wait3A_63 = tpu.memref_slice %arg5[%add3A_53] : memref<19456xi32, #tpu.memory_space<vmem>> -> memref<48xi32, #tpu.memory_space<vmem>>
      %dma_wait3A_64 = arith.constant 0 : i32
      %dma_wait3A_65 = arith.constant 0 : i32
      %dma_wait3A_66 = tpu.memref_slice %arg3[%dma_wait3A_64, %dma_wait3A_65] : memref<96000x256xf32, #tpu.memory_space<hbm>> -> memref<96000x256xf32, #tpu.memory_space<hbm>>
      tpu.wait_indirect_dma semaphore(%arg9 : memref<!tpu.dma_semaphore, #tpu.memory_space<semaphore_mem>>) src(%dma_wait3A_66 : memref<96000x256xf32, #tpu.memory_space<hbm>>) dst(%dma_wait3A_62 : memref<48x256xf32, #tpu.memory_space<vmem>>)
      %broadcast_in_dim3A = arith.constant 0.000000e+00 : f32
      %broadcast_in_dim3A_67 = vector.broadcast %broadcast_in_dim3A : f32 to vector<16xf32>
      %broadcast_in_dim3A_68 = arith.constant 0.000000e+00 : f32
      %broadcast_in_dim3A_69 = vector.broadcast %broadcast_in_dim3A_68 : f32 to vector<16xf32>
      %broadcast_in_dim3A_70 = arith.constant 0.000000e+00 : f32
      %broadcast_in_dim3A_71 = vector.broadcast %broadcast_in_dim3A_70 : f32 to vector<16xf32>
      %broadcast_in_dim3A_72 = arith.constant 0.000000e+00 : f32
      %broadcast_in_dim3A_73 = vector.broadcast %broadcast_in_dim3A_72 : f32 to vector<16xf32>
      %broadcast_in_dim3A_74 = arith.constant 0.000000e+00 : f32
      %broadcast_in_dim3A_75 = vector.broadcast %broadcast_in_dim3A_74 : f32 to vector<16xf32>
      %broadcast_in_dim3A_76 = arith.constant 0.000000e+00 : f32
      %broadcast_in_dim3A_77 = vector.broadcast %broadcast_in_dim3A_76 : f32 to vector<16xf32>
      %broadcast_in_dim3A_78 = arith.constant 0.000000e+00 : f32
      %broadcast_in_dim3A_79 = vector.broadcast %broadcast_in_dim3A_78 : f32 to vector<16xf32>
      %broadcast_in_dim3A_80 = arith.constant 0.000000e+00 : f32
      %broadcast_in_dim3A_81 = vector.broadcast %broadcast_in_dim3A_80 : f32 to vector<16xf32>
      %broadcast_in_dim3A_82 = arith.constant 0.000000e+00 : f32
      %broadcast_in_dim3A_83 = vector.broadcast %broadcast_in_dim3A_82 : f32 to vector<16xf32>
      %broadcast_in_dim3A_84 = arith.constant 0.000000e+00 : f32
      %broadcast_in_dim3A_85 = vector.broadcast %broadcast_in_dim3A_84 : f32 to vector<16xf32>
      %broadcast_in_dim3A_86 = arith.constant 0.000000e+00 : f32
      %broadcast_in_dim3A_87 = vector.broadcast %broadcast_in_dim3A_86 : f32 to vector<16xf32>
      %broadcast_in_dim3A_88 = arith.constant 0.000000e+00 : f32
      %broadcast_in_dim3A_89 = vector.broadcast %broadcast_in_dim3A_88 : f32 to vector<16xf32>
      %broadcast_in_dim3A_90 = arith.constant 0.000000e+00 : f32
      %broadcast_in_dim3A_91 = vector.broadcast %broadcast_in_dim3A_90 : f32 to vector<16xf32>
      %broadcast_in_dim3A_92 = arith.constant 0.000000e+00 : f32
      %broadcast_in_dim3A_93 = vector.broadcast %broadcast_in_dim3A_92 : f32 to vector<16xf32>
      %broadcast_in_dim3A_94 = arith.constant 0.000000e+00 : f32
      %broadcast_in_dim3A_95 = vector.broadcast %broadcast_in_dim3A_94 : f32 to vector<16xf32>
      %broadcast_in_dim3A_96 = arith.constant 0.000000e+00 : f32
      %broadcast_in_dim3A_97 = vector.broadcast %broadcast_in_dim3A_96 : f32 to vector<16xf32>
      %scan3A_98 = arith.constant 0 : i32
      %scan3A_99 = arith.constant 50 : i32
      %scan3A_100 = arith.addi %scan3A_98, %scan3A_99 : i32
      %scan3A_101 = arith.constant 1 : i32
      %scan3A_102:16 = scf.for %scan3A_713 = %scan3A_98 to %scan3A_100 step %scan3A_101 iter_args(%scan3A_714 = %broadcast_in_dim3A_67, %scan3A_715 = %broadcast_in_dim3A_69, %scan3A_716 = %broadcast_in_dim3A_71, %scan3A_717 = %broadcast_in_dim3A_73, %scan3A_718 = %broadcast_in_dim3A_75, %scan3A_719 = %broadcast_in_dim3A_77, %scan3A_720 = %broadcast_in_dim3A_79, %scan3A_721 = %broadcast_in_dim3A_81, %scan3A_722 = %broadcast_in_dim3A_83, %scan3A_723 = %broadcast_in_dim3A_85, %scan3A_724 = %broadcast_in_dim3A_87, %scan3A_725 = %broadcast_in_dim3A_89, %scan3A_726 = %broadcast_in_dim3A_91, %scan3A_727 = %broadcast_in_dim3A_93, %scan3A_728 = %broadcast_in_dim3A_95, %scan3A_729 = %broadcast_in_dim3A_97) -> (vector<16xf32>, vector<16xf32>, vector<16xf32>, vector<16xf32>, vector<16xf32>, vector<16xf32>, vector<16xf32>, vector<16xf32>, vector<16xf32>, vector<16xf32>, vector<16xf32>, vector<16xf32>, vector<16xf32>, vector<16xf32>, vector<16xf32>, vector<16xf32>)  : i32 {
        %mul3A_730 = arith.constant 3 : i32
        %mul3A_731 = arith.muli %scan3A_713, %mul3A_730 : i32
        %add3A_732 = arith.constant 0 : i32
        %add3A_733 = arith.addi %mul3A_731, %add3A_732 : i32
        %get3A = arith.index_cast %add3A_733 : i32 to index
        %get3A_734 = arith.constant 0 : index
        %get3A_735 = tpu.vector_load %arg6[%get3A, %get3A_734] {strides = array<i32>} : memref<152x256xf32, #tpu.memory_space<vmem>>, vector<1x16xf32>,
        %get3A_736 = vector.shape_cast %get3A_735 : vector<1x16xf32> to vector<16xf32>
        %add3A_737 = arith.addf %scan3A_714, %get3A_736 : vector<16xf32>
        %mul3A_738 = arith.constant 3 : i32
        %mul3A_739 = arith.muli %scan3A_713, %mul3A_738 : i32
        %add3A_740 = arith.constant 0 : i32
        %add3A_741 = arith.addi %mul3A_739, %add3A_740 : i32
        %get3A_742 = arith.index_cast %add3A_741 : i32 to index
        %get3A_743 = arith.constant 16 : index
        %get3A_744 = tpu.vector_load %arg6[%get3A_742, %get3A_743] {strides = array<i32>} : memref<152x256xf32, #tpu.memory_space<vmem>>, vector<1x16xf32>,
        %get3A_745 = vector.shape_cast %get3A_744 : vector<1x16xf32> to vector<16xf32>
        %add3A_746 = arith.addf %scan3A_715, %get3A_745 : vector<16xf32>
        %mul3A_747 = arith.constant 3 : i32
        %mul3A_748 = arith.muli %scan3A_713, %mul3A_747 : i32
        %add3A_749 = arith.constant 0 : i32
        %add3A_750 = arith.addi %mul3A_748, %add3A_749 : i32
        %get3A_751 = arith.index_cast %add3A_750 : i32 to index
        %get3A_752 = arith.constant 32 : index
        %get3A_753 = tpu.vector_load %arg6[%get3A_751, %get3A_752] {strides = array<i32>} : memref<152x256xf32, #tpu.memory_space<vmem>>, vector<1x16xf32>,
        %get3A_754 = vector.shape_cast %get3A_753 : vector<1x16xf32> to vector<16xf32>
        %add3A_755 = arith.addf %scan3A_716, %get3A_754 : vector<16xf32>
        %mul3A_756 = arith.constant 3 : i32
        %mul3A_757 = arith.muli %scan3A_713, %mul3A_756 : i32
        %add3A_758 = arith.constant 0 : i32
        %add3A_759 = arith.addi %mul3A_757, %add3A_758 : i32
        %get3A_760 = arith.index_cast %add3A_759 : i32 to index
        %get3A_761 = arith.constant 48 : index
        %get3A_762 = tpu.vector_load %arg6[%get3A_760, %get3A_761] {strides = array<i32>} : memref<152x256xf32, #tpu.memory_space<vmem>>, vector<1x16xf32>,
        %get3A_763 = vector.shape_cast %get3A_762 : vector<1x16xf32> to vector<16xf32>
        %add3A_764 = arith.addf %scan3A_717, %get3A_763 : vector<16xf32>
        %mul3A_765 = arith.constant 3 : i32
        %mul3A_766 = arith.muli %scan3A_713, %mul3A_765 : i32
        %add3A_767 = arith.constant 0 : i32
        %add3A_768 = arith.addi %mul3A_766, %add3A_767 : i32
        %get3A_769 = arith.index_cast %add3A_768 : i32 to index
        %get3A_770 = arith.constant 64 : index
        %get3A_771 = tpu.vector_load %arg6[%get3A_769, %get3A_770] {strides = array<i32>} : memref<152x256xf32, #tpu.memory_space<vmem>>, vector<1x16xf32>,
        %get3A_772 = vector.shape_cast %get3A_771 : vector<1x16xf32> to vector<16xf32>
        %add3A_773 = arith.addf %scan3A_718, %get3A_772 : vector<16xf32>
        %mul3A_774 = arith.constant 3 : i32
        %mul3A_775 = arith.muli %scan3A_713, %mul3A_774 : i32
        %add3A_776 = arith.constant 0 : i32
        %add3A_777 = arith.addi %mul3A_775, %add3A_776 : i32
        %get3A_778 = arith.index_cast %add3A_777 : i32 to index
        %get3A_779 = arith.constant 80 : index
        %get3A_780 = tpu.vector_load %arg6[%get3A_778, %get3A_779] {strides = array<i32>} : memref<152x256xf32, #tpu.memory_space<vmem>>, vector<1x16xf32>,
        %get3A_781 = vector.shape_cast %get3A_780 : vector<1x16xf32> to vector<16xf32>
        %add3A_782 = arith.addf %scan3A_719, %get3A_781 : vector<16xf32>
        %mul3A_783 = arith.constant 3 : i32
        %mul3A_784 = arith.muli %scan3A_713, %mul3A_783 : i32
        %add3A_785 = arith.constant 0 : i32
        %add3A_786 = arith.addi %mul3A_784, %add3A_785 : i32
        %get3A_787 = arith.index_cast %add3A_786 : i32 to index
        %get3A_788 = arith.constant 96 : index
        %get3A_789 = tpu.vector_load %arg6[%get3A_787, %get3A_788] {strides = array<i32>} : memref<152x256xf32, #tpu.memory_space<vmem>>, vector<1x16xf32>,
        %get3A_790 = vector.shape_cast %get3A_789 : vector<1x16xf32> to vector<16xf32>
        %add3A_791 = arith.addf %scan3A_720, %get3A_790 : vector<16xf32>
        %mul3A_792 = arith.constant 3 : i32
        %mul3A_793 = arith.muli %scan3A_713, %mul3A_792 : i32
        %add3A_794 = arith.constant 0 : i32
        %add3A_795 = arith.addi %mul3A_793, %add3A_794 : i32
        %get3A_796 = arith.index_cast %add3A_795 : i32 to index
        %get3A_797 = arith.constant 112 : index
        %get3A_798 = tpu.vector_load %arg6[%get3A_796, %get3A_797] {strides = array<i32>} : memref<152x256xf32, #tpu.memory_space<vmem>>, vector<1x16xf32>,
        %get3A_799 = vector.shape_cast %get3A_798 : vector<1x16xf32> to vector<16xf32>
        %add3A_800 = arith.addf %scan3A_721, %get3A_799 : vector<16xf32>
        %mul3A_801 = arith.constant 3 : i32
        %mul3A_802 = arith.muli %scan3A_713, %mul3A_801 : i32
        %add3A_803 = arith.constant 0 : i32
        %add3A_804 = arith.addi %mul3A_802, %add3A_803 : i32
        %get3A_805 = arith.index_cast %add3A_804 : i32 to index
        %get3A_806 = arith.constant 128 : index
        %get3A_807 = tpu.vector_load %arg6[%get3A_805, %get3A_806] {strides = array<i32>} : memref<152x256xf32, #tpu.memory_space<vmem>>, vector<1x16xf32>,
        %get3A_808 = vector.shape_cast %get3A_807 : vector<1x16xf32> to vector<16xf32>
        %add3A_809 = arith.addf %scan3A_722, %get3A_808 : vector<16xf32>
        %mul3A_810 = arith.constant 3 : i32
        %mul3A_811 = arith.muli %scan3A_713, %mul3A_810 : i32
        %add3A_812 = arith.constant 0 : i32
        %add3A_813 = arith.addi %mul3A_811, %add3A_812 : i32
        %get3A_814 = arith.index_cast %add3A_813 : i32 to index
        %get3A_815 = arith.constant 144 : index
        %get3A_816 = tpu.vector_load %arg6[%get3A_814, %get3A_815] {strides = array<i32>} : memref<152x256xf32, #tpu.memory_space<vmem>>, vector<1x16xf32>,
        %get3A_817 = vector.shape_cast %get3A_816 : vector<1x16xf32> to vector<16xf32>
        %add3A_818 = arith.addf %scan3A_723, %get3A_817 : vector<16xf32>
        %mul3A_819 = arith.constant 3 : i32
        %mul3A_820 = arith.muli %scan3A_713, %mul3A_819 : i32
        %add3A_821 = arith.constant 0 : i32
        %add3A_822 = arith.addi %mul3A_820, %add3A_821 : i32
        %get3A_823 = arith.index_cast %add3A_822 : i32 to index
        %get3A_824 = arith.constant 160 : index
        %get3A_825 = tpu.vector_load %arg6[%get3A_823, %get3A_824] {strides = array<i32>} : memref<152x256xf32, #tpu.memory_space<vmem>>, vector<1x16xf32>,
        %get3A_826 = vector.shape_cast %get3A_825 : vector<1x16xf32> to vector<16xf32>
        %add3A_827 = arith.addf %scan3A_724, %get3A_826 : vector<16xf32>
        %mul3A_828 = arith.constant 3 : i32
        %mul3A_829 = arith.muli %scan3A_713, %mul3A_828 : i32
        %add3A_830 = arith.constant 0 : i32
        %add3A_831 = arith.addi %mul3A_829, %add3A_830 : i32
        %get3A_832 = arith.index_cast %add3A_831 : i32 to index
        %get3A_833 = arith.constant 176 : index
        %get3A_834 = tpu.vector_load %arg6[%get3A_832, %get3A_833] {strides = array<i32>} : memref<152x256xf32, #tpu.memory_space<vmem>>, vector<1x16xf32>,
        %get3A_835 = vector.shape_cast %get3A_834 : vector<1x16xf32> to vector<16xf32>
        %add3A_836 = arith.addf %scan3A_725, %get3A_835 : vector<16xf32>
        %mul3A_837 = arith.constant 3 : i32
        %mul3A_838 = arith.muli %scan3A_713, %mul3A_837 : i32
        %add3A_839 = arith.constant 0 : i32
        %add3A_840 = arith.addi %mul3A_838, %add3A_839 : i32
        %get3A_841 = arith.index_cast %add3A_840 : i32 to index
        %get3A_842 = arith.constant 192 : index
        %get3A_843 = tpu.vector_load %arg6[%get3A_841, %get3A_842] {strides = array<i32>} : memref<152x256xf32, #tpu.memory_space<vmem>>, vector<1x16xf32>,
        %get3A_844 = vector.shape_cast %get3A_843 : vector<1x16xf32> to vector<16xf32>
        %add3A_845 = arith.addf %scan3A_726, %get3A_844 : vector<16xf32>
        %mul3A_846 = arith.constant 3 : i32
        %mul3A_847 = arith.muli %scan3A_713, %mul3A_846 : i32
        %add3A_848 = arith.constant 0 : i32
        %add3A_849 = arith.addi %mul3A_847, %add3A_848 : i32
        %get3A_850 = arith.index_cast %add3A_849 : i32 to index
        %get3A_851 = arith.constant 208 : index
        %get3A_852 = tpu.vector_load %arg6[%get3A_850, %get3A_851] {strides = array<i32>} : memref<152x256xf32, #tpu.memory_space<vmem>>, vector<1x16xf32>,
        %get3A_853 = vector.shape_cast %get3A_852 : vector<1x16xf32> to vector<16xf32>
        %add3A_854 = arith.addf %scan3A_727, %get3A_853 : vector<16xf32>
        %mul3A_855 = arith.constant 3 : i32
        %mul3A_856 = arith.muli %scan3A_713, %mul3A_855 : i32
        %add3A_857 = arith.constant 0 : i32
        %add3A_858 = arith.addi %mul3A_856, %add3A_857 : i32
        %get3A_859 = arith.index_cast %add3A_858 : i32 to index
        %get3A_860 = arith.constant 224 : index
        %get3A_861 = tpu.vector_load %arg6[%get3A_859, %get3A_860] {strides = array<i32>} : memref<152x256xf32, #tpu.memory_space<vmem>>, vector<1x16xf32>,
        %get3A_862 = vector.shape_cast %get3A_861 : vector<1x16xf32> to vector<16xf32>
        %add3A_863 = arith.addf %scan3A_728, %get3A_862 : vector<16xf32>
        %mul3A_864 = arith.constant 3 : i32
        %mul3A_865 = arith.muli %scan3A_713, %mul3A_864 : i32
        %add3A_866 = arith.constant 0 : i32
        %add3A_867 = arith.addi %mul3A_865, %add3A_866 : i32
        %get3A_868 = arith.index_cast %add3A_867 : i32 to index
        %get3A_869 = arith.constant 240 : index
        %get3A_870 = tpu.vector_load %arg6[%get3A_868, %get3A_869] {strides = array<i32>} : memref<152x256xf32, #tpu.memory_space<vmem>>, vector<1x16xf32>,
        %get3A_871 = vector.shape_cast %get3A_870 : vector<1x16xf32> to vector<16xf32>
        %add3A_872 = arith.addf %scan3A_729, %get3A_871 : vector<16xf32>
        scf.yield %add3A_737, %add3A_746, %add3A_755, %add3A_764, %add3A_773, %add3A_782, %add3A_791, %add3A_800, %add3A_809, %add3A_818, %add3A_827, %add3A_836, %add3A_845, %add3A_854, %add3A_863, %add3A_872 : vector<16xf32>, vector<16xf32>, vector<16xf32>, vector<16xf32>, vector<16xf32>, vector<16xf32>, vector<16xf32>, vector<16xf32>, vector<16xf32>, vector<16xf32>, vector<16xf32>, vector<16xf32>, vector<16xf32>, vector<16xf32>, vector<16xf32>, vector<16xf32>
      }
      %scan3A_103 = arith.constant 50 : i32
      %swap3A = arith.constant 0 : index
      %swap3A_104 = tpu.vector_load %arg8[%swap3A] {strides = array<i32>} : memref<768xf32, #tpu.memory_space<vmem>>, vector<16xf32>,
      %swap3A_105 = vector.shape_cast %swap3A_104 : vector<16xf32> to vector<16xf32>
      %swap3A_106 = vector.shape_cast %scan3A_102#0 : vector<16xf32> to vector<16xf32>
      tpu.vector_store %arg8[%swap3A], %swap3A_106 {strides = array<i32>} : memref<768xf32, #tpu.memory_space<vmem>>, vector<16xf32>,
      %swap3A_107 = arith.constant 16 : index
      %swap3A_108 = tpu.vector_load %arg8[%swap3A_107] {strides = array<i32>} : memref<768xf32, #tpu.memory_space<vmem>>, vector<16xf32>,
      %swap3A_109 = vector.shape_cast %swap3A_108 : vector<16xf32> to vector<16xf32>
      %swap3A_110 = vector.shape_cast %scan3A_102#1 : vector<16xf32> to vector<16xf32>
      tpu.vector_store %arg8[%swap3A_107], %swap3A_110 {strides = array<i32>} : memref<768xf32, #tpu.memory_space<vmem>>, vector<16xf32>,
      %swap3A_111 = arith.constant 32 : index
      %swap3A_112 = tpu.vector_load %arg8[%swap3A_111] {strides = array<i32>} : memref<768xf32, #tpu.memory_space<vmem>>, vector<16xf32>,
      %swap3A_113 = vector.shape_cast %swap3A_112 : vector<16xf32> to vector<16xf32>
      %swap3A_114 = vector.shape_cast %scan3A_102#2 : vector<16xf32> to vector<16xf32>
      tpu.vector_store %arg8[%swap3A_111], %swap3A_114 {strides = array<i32>} : memref<768xf32, #tpu.memory_space<vmem>>, vector<16xf32>,
      %swap3A_115 = arith.constant 48 : index
      %swap3A_116 = tpu.vector_load %arg8[%swap3A_115] {strides = array<i32>} : memref<768xf32, #tpu.memory_space<vmem>>, vector<16xf32>,
      %swap3A_117 = vector.shape_cast %swap3A_116 : vector<16xf32> to vector<16xf32>
      %swap3A_118 = vector.shape_cast %scan3A_102#3 : vector<16xf32> to vector<16xf32>
      tpu.vector_store %arg8[%swap3A_115], %swap3A_118 {strides = array<i32>} : memref<768xf32, #tpu.memory_space<vmem>>, vector<16xf32>,
      %swap3A_119 = arith.constant 64 : index
      %swap3A_120 = tpu.vector_load %arg8[%swap3A_119] {strides = array<i32>} : memref<768xf32, #tpu.memory_space<vmem>>, vector<16xf32>,
      %swap3A_121 = vector.shape_cast %swap3A_120 : vector<16xf32> to vector<16xf32>
      %swap3A_122 = vector.shape_cast %scan3A_102#4 : vector<16xf32> to vector<16xf32>
      tpu.vector_store %arg8[%swap3A_119], %swap3A_122 {strides = array<i32>} : memref<768xf32, #tpu.memory_space<vmem>>, vector<16xf32>,
      %swap3A_123 = arith.constant 80 : index
      %swap3A_124 = tpu.vector_load %arg8[%swap3A_123] {strides = array<i32>} : memref<768xf32, #tpu.memory_space<vmem>>, vector<16xf32>,
      %swap3A_125 = vector.shape_cast %swap3A_124 : vector<16xf32> to vector<16xf32>
      %swap3A_126 = vector.shape_cast %scan3A_102#5 : vector<16xf32> to vector<16xf32>
      tpu.vector_store %arg8[%swap3A_123], %swap3A_126 {strides = array<i32>} : memref<768xf32, #tpu.memory_space<vmem>>, vector<16xf32>,
      %swap3A_127 = arith.constant 96 : index
      %swap3A_128 = tpu.vector_load %arg8[%swap3A_127] {strides = array<i32>} : memref<768xf32, #tpu.memory_space<vmem>>, vector<16xf32>,
      %swap3A_129 = vector.shape_cast %swap3A_128 : vector<16xf32> to vector<16xf32>
      %swap3A_130 = vector.shape_cast %scan3A_102#6 : vector<16xf32> to vector<16xf32>
      tpu.vector_store %arg8[%swap3A_127], %swap3A_130 {strides = array<i32>} : memref<768xf32, #tpu.memory_space<vmem>>, vector<16xf32>,
      %swap3A_131 = arith.constant 112 : index
      %swap3A_132 = tpu.vector_load %arg8[%swap3A_131] {strides = array<i32>} : memref<768xf32, #tpu.memory_space<vmem>>, vector<16xf32>,
      %swap3A_133 = vector.shape_cast %swap3A_132 : vector<16xf32> to vector<16xf32>
      %swap3A_134 = vector.shape_cast %scan3A_102#7 : vector<16xf32> to vector<16xf32>
      tpu.vector_store %arg8[%swap3A_131], %swap3A_134 {strides = array<i32>} : memref<768xf32, #tpu.memory_space<vmem>>, vector<16xf32>,
      %swap3A_135 = arith.constant 128 : index
      %swap3A_136 = tpu.vector_load %arg8[%swap3A_135] {strides = array<i32>} : memref<768xf32, #tpu.memory_space<vmem>>, vector<16xf32>,
      %swap3A_137 = vector.shape_cast %swap3A_136 : vector<16xf32> to vector<16xf32>
      %swap3A_138 = vector.shape_cast %scan3A_102#8 : vector<16xf32> to vector<16xf32>
      tpu.vector_store %arg8[%swap3A_135], %swap3A_138 {strides = array<i32>} : memref<768xf32, #tpu.memory_space<vmem>>, vector<16xf32>,
      %swap3A_139 = arith.constant 144 : index
      %swap3A_140 = tpu.vector_load %arg8[%swap3A_139] {strides = array<i32>} : memref<768xf32, #tpu.memory_space<vmem>>, vector<16xf32>,
      %swap3A_141 = vector.shape_cast %swap3A_140 : vector<16xf32> to vector<16xf32>
      %swap3A_142 = vector.shape_cast %scan3A_102#9 : vector<16xf32> to vector<16xf32>
      tpu.vector_store %arg8[%swap3A_139], %swap3A_142 {strides = array<i32>} : memref<768xf32, #tpu.memory_space<vmem>>, vector<16xf32>,
      %swap3A_143 = arith.constant 160 : index
      %swap3A_144 = tpu.vector_load %arg8[%swap3A_143] {strides = array<i32>} : memref<768xf32, #tpu.memory_space<vmem>>, vector<16xf32>,
      %swap3A_145 = vector.shape_cast %swap3A_144 : vector<16xf32> to vector<16xf32>
      %swap3A_146 = vector.shape_cast %scan3A_102#10 : vector<16xf32> to vector<16xf32>
      tpu.vector_store %arg8[%swap3A_143], %swap3A_146 {strides = array<i32>} : memref<768xf32, #tpu.memory_space<vmem>>, vector<16xf32>,
      %swap3A_147 = arith.constant 176 : index
      %swap3A_148 = tpu.vector_load %arg8[%swap3A_147] {strides = array<i32>} : memref<768xf32, #tpu.memory_space<vmem>>, vector<16xf32>,
      %swap3A_149 = vector.shape_cast %swap3A_148 : vector<16xf32> to vector<16xf32>
      %swap3A_150 = vector.shape_cast %scan3A_102#11 : vector<16xf32> to vector<16xf32>
      tpu.vector_store %arg8[%swap3A_147], %swap3A_150 {strides = array<i32>} : memref<768xf32, #tpu.memory_space<vmem>>, vector<16xf32>,
      %swap3A_151 = arith.constant 192 : index
      %swap3A_152 = tpu.vector_load %arg8[%swap3A_151] {strides = array<i32>} : memref<768xf32, #tpu.memory_space<vmem>>, vector<16xf32>,
      %swap3A_153 = vector.shape_cast %swap3A_152 : vector<16xf32> to vector<16xf32>
      %swap3A_154 = vector.shape_cast %scan3A_102#12 : vector<16xf32> to vector<16xf32>
      tpu.vector_store %arg8[%swap3A_151], %swap3A_154 {strides = array<i32>} : memref<768xf32, #tpu.memory_space<vmem>>, vector<16xf32>,
      %swap3A_155 = arith.constant 208 : index
      %swap3A_156 = tpu.vector_load %arg8[%swap3A_155] {strides = array<i32>} : memref<768xf32, #tpu.memory_space<vmem>>, vector<16xf32>,
      %swap3A_157 = vector.shape_cast %swap3A_156 : vector<16xf32> to vector<16xf32>
      %swap3A_158 = vector.shape_cast %scan3A_102#13 : vector<16xf32> to vector<16xf32>
      tpu.vector_store %arg8[%swap3A_155], %swap3A_158 {strides = array<i32>} : memref<768xf32, #tpu.memory_space<vmem>>, vector<16xf32>,
      %swap3A_159 = arith.constant 224 : index
      %swap3A_160 = tpu.vector_load %arg8[%swap3A_159] {strides = array<i32>} : memref<768xf32, #tpu.memory_space<vmem>>, vector<16xf32>,
      %swap3A_161 = vector.shape_cast %swap3A_160 : vector<16xf32> to vector<16xf32>
      %swap3A_162 = vector.shape_cast %scan3A_102#14 : vector<16xf32> to vector<16xf32>
      tpu.vector_store %arg8[%swap3A_159], %swap3A_162 {strides = array<i32>} : memref<768xf32, #tpu.memory_space<vmem>>, vector<16xf32>,
      %swap3A_163 = arith.constant 240 : index
      %swap3A_164 = tpu.vector_load %arg8[%swap3A_163] {strides = array<i32>} : memref<768xf32, #tpu.memory_space<vmem>>, vector<16xf32>,
      %swap3A_165 = vector.shape_cast %swap3A_164 : vector<16xf32> to vector<16xf32>
      %swap3A_166 = vector.shape_cast %scan3A_102#15 : vector<16xf32> to vector<16xf32>
      tpu.vector_store %arg8[%swap3A_163], %swap3A_166 {strides = array<i32>} : memref<768xf32, #tpu.memory_space<vmem>>, vector<16xf32>,
      %broadcast_in_dim3A_167 = arith.constant 0.000000e+00 : f32
      %broadcast_in_dim3A_168 = vector.broadcast %broadcast_in_dim3A_167 : f32 to vector<16xf32>
      %broadcast_in_dim3A_169 = arith.constant 0.000000e+00 : f32
      %broadcast_in_dim3A_170 = vector.broadcast %broadcast_in_dim3A_169 : f32 to vector<16xf32>
      %broadcast_in_dim3A_171 = arith.constant 0.000000e+00 : f32
      %broadcast_in_dim3A_172 = vector.broadcast %broadcast_in_dim3A_171 : f32 to vector<16xf32>
      %broadcast_in_dim3A_173 = arith.constant 0.000000e+00 : f32
      %broadcast_in_dim3A_174 = vector.broadcast %broadcast_in_dim3A_173 : f32 to vector<16xf32>
      %broadcast_in_dim3A_175 = arith.constant 0.000000e+00 : f32
      %broadcast_in_dim3A_176 = vector.broadcast %broadcast_in_dim3A_175 : f32 to vector<16xf32>
      %broadcast_in_dim3A_177 = arith.constant 0.000000e+00 : f32
      %broadcast_in_dim3A_178 = vector.broadcast %broadcast_in_dim3A_177 : f32 to vector<16xf32>
      %broadcast_in_dim3A_179 = arith.constant 0.000000e+00 : f32
      %broadcast_in_dim3A_180 = vector.broadcast %broadcast_in_dim3A_179 : f32 to vector<16xf32>
      %broadcast_in_dim3A_181 = arith.constant 0.000000e+00 : f32
      %broadcast_in_dim3A_182 = vector.broadcast %broadcast_in_dim3A_181 : f32 to vector<16xf32>
      %broadcast_in_dim3A_183 = arith.constant 0.000000e+00 : f32
      %broadcast_in_dim3A_184 = vector.broadcast %broadcast_in_dim3A_183 : f32 to vector<16xf32>
      %broadcast_in_dim3A_185 = arith.constant 0.000000e+00 : f32
      %broadcast_in_dim3A_186 = vector.broadcast %broadcast_in_dim3A_185 : f32 to vector<16xf32>
      %broadcast_in_dim3A_187 = arith.constant 0.000000e+00 : f32
      %broadcast_in_dim3A_188 = vector.broadcast %broadcast_in_dim3A_187 : f32 to vector<16xf32>
      %broadcast_in_dim3A_189 = arith.constant 0.000000e+00 : f32
      %broadcast_in_dim3A_190 = vector.broadcast %broadcast_in_dim3A_189 : f32 to vector<16xf32>
      %broadcast_in_dim3A_191 = arith.constant 0.000000e+00 : f32
      %broadcast_in_dim3A_192 = vector.broadcast %broadcast_in_dim3A_191 : f32 to vector<16xf32>
      %broadcast_in_dim3A_193 = arith.constant 0.000000e+00 : f32
      %broadcast_in_dim3A_194 = vector.broadcast %broadcast_in_dim3A_193 : f32 to vector<16xf32>
      %broadcast_in_dim3A_195 = arith.constant 0.000000e+00 : f32
      %broadcast_in_dim3A_196 = vector.broadcast %broadcast_in_dim3A_195 : f32 to vector<16xf32>
      %broadcast_in_dim3A_197 = arith.constant 0.000000e+00 : f32
      %broadcast_in_dim3A_198 = vector.broadcast %broadcast_in_dim3A_197 : f32 to vector<16xf32>
      %scan3A_199 = arith.constant 0 : i32
      %scan3A_200 = arith.constant 50 : i32
      %scan3A_201 = arith.addi %scan3A_199, %scan3A_200 : i32
      %scan3A_202 = arith.constant 1 : i32
      %scan3A_203:16 = scf.for %scan3A_713 = %scan3A_199 to %scan3A_201 step %scan3A_202 iter_args(%scan3A_714 = %broadcast_in_dim3A_168, %scan3A_715 = %broadcast_in_dim3A_170, %scan3A_716 = %broadcast_in_dim3A_172, %scan3A_717 = %broadcast_in_dim3A_174, %scan3A_718 = %broadcast_in_dim3A_176, %scan3A_719 = %broadcast_in_dim3A_178, %scan3A_720 = %broadcast_in_dim3A_180, %scan3A_721 = %broadcast_in_dim3A_182, %scan3A_722 = %broadcast_in_dim3A_184, %scan3A_723 = %broadcast_in_dim3A_186, %scan3A_724 = %broadcast_in_dim3A_188, %scan3A_725 = %broadcast_in_dim3A_190, %scan3A_726 = %broadcast_in_dim3A_192, %scan3A_727 = %broadcast_in_dim3A_194, %scan3A_728 = %broadcast_in_dim3A_196, %scan3A_729 = %broadcast_in_dim3A_198) -> (vector<16xf32>, vector<16xf32>, vector<16xf32>, vector<16xf32>, vector<16xf32>, vector<16xf32>, vector<16xf32>, vector<16xf32>, vector<16xf32>, vector<16xf32>, vector<16xf32>, vector<16xf32>, vector<16xf32>, vector<16xf32>, vector<16xf32>, vector<16xf32>)  : i32 {
        %mul3A_730 = arith.constant 3 : i32
        %mul3A_731 = arith.muli %scan3A_713, %mul3A_730 : i32
        %add3A_732 = arith.constant 1 : i32
        %add3A_733 = arith.addi %mul3A_731, %add3A_732 : i32
        %get3A = arith.index_cast %add3A_733 : i32 to index
        %get3A_734 = arith.constant 0 : index
        %get3A_735 = tpu.vector_load %arg6[%get3A, %get3A_734] {strides = array<i32>} : memref<152x256xf32, #tpu.memory_space<vmem>>, vector<1x16xf32>,
        %get3A_736 = vector.shape_cast %get3A_735 : vector<1x16xf32> to vector<16xf32>
        %add3A_737 = arith.addf %scan3A_714, %get3A_736 : vector<16xf32>
        %mul3A_738 = arith.constant 3 : i32
        %mul3A_739 = arith.muli %scan3A_713, %mul3A_738 : i32
        %add3A_740 = arith.constant 1 : i32
        %add3A_741 = arith.addi %mul3A_739, %add3A_740 : i32
        %get3A_742 = arith.index_cast %add3A_741 : i32 to index
        %get3A_743 = arith.constant 16 : index
        %get3A_744 = tpu.vector_load %arg6[%get3A_742, %get3A_743] {strides = array<i32>} : memref<152x256xf32, #tpu.memory_space<vmem>>, vector<1x16xf32>,
        %get3A_745 = vector.shape_cast %get3A_744 : vector<1x16xf32> to vector<16xf32>
        %add3A_746 = arith.addf %scan3A_715, %get3A_745 : vector<16xf32>
        %mul3A_747 = arith.constant 3 : i32
        %mul3A_748 = arith.muli %scan3A_713, %mul3A_747 : i32
        %add3A_749 = arith.constant 1 : i32
        %add3A_750 = arith.addi %mul3A_748, %add3A_749 : i32
        %get3A_751 = arith.index_cast %add3A_750 : i32 to index
        %get3A_752 = arith.constant 32 : index
        %get3A_753 = tpu.vector_load %arg6[%get3A_751, %get3A_752] {strides = array<i32>} : memref<152x256xf32, #tpu.memory_space<vmem>>, vector<1x16xf32>,
        %get3A_754 = vector.shape_cast %get3A_753 : vector<1x16xf32> to vector<16xf32>
        %add3A_755 = arith.addf %scan3A_716, %get3A_754 : vector<16xf32>
        %mul3A_756 = arith.constant 3 : i32
        %mul3A_757 = arith.muli %scan3A_713, %mul3A_756 : i32
        %add3A_758 = arith.constant 1 : i32
        %add3A_759 = arith.addi %mul3A_757, %add3A_758 : i32
        %get3A_760 = arith.index_cast %add3A_759 : i32 to index
        %get3A_761 = arith.constant 48 : index
        %get3A_762 = tpu.vector_load %arg6[%get3A_760, %get3A_761] {strides = array<i32>} : memref<152x256xf32, #tpu.memory_space<vmem>>, vector<1x16xf32>,
        %get3A_763 = vector.shape_cast %get3A_762 : vector<1x16xf32> to vector<16xf32>
        %add3A_764 = arith.addf %scan3A_717, %get3A_763 : vector<16xf32>
        %mul3A_765 = arith.constant 3 : i32
        %mul3A_766 = arith.muli %scan3A_713, %mul3A_765 : i32
        %add3A_767 = arith.constant 1 : i32
        %add3A_768 = arith.addi %mul3A_766, %add3A_767 : i32
        %get3A_769 = arith.index_cast %add3A_768 : i32 to index
        %get3A_770 = arith.constant 64 : index
        %get3A_771 = tpu.vector_load %arg6[%get3A_769, %get3A_770] {strides = array<i32>} : memref<152x256xf32, #tpu.memory_space<vmem>>, vector<1x16xf32>,
        %get3A_772 = vector.shape_cast %get3A_771 : vector<1x16xf32> to vector<16xf32>
        %add3A_773 = arith.addf %scan3A_718, %get3A_772 : vector<16xf32>
        %mul3A_774 = arith.constant 3 : i32
        %mul3A_775 = arith.muli %scan3A_713, %mul3A_774 : i32
        %add3A_776 = arith.constant 1 : i32
        %add3A_777 = arith.addi %mul3A_775, %add3A_776 : i32
        %get3A_778 = arith.index_cast %add3A_777 : i32 to index
        %get3A_779 = arith.constant 80 : index
        %get3A_780 = tpu.vector_load %arg6[%get3A_778, %get3A_779] {strides = array<i32>} : memref<152x256xf32, #tpu.memory_space<vmem>>, vector<1x16xf32>,
        %get3A_781 = vector.shape_cast %get3A_780 : vector<1x16xf32> to vector<16xf32>
        %add3A_782 = arith.addf %scan3A_719, %get3A_781 : vector<16xf32>
        %mul3A_783 = arith.constant 3 : i32
        %mul3A_784 = arith.muli %scan3A_713, %mul3A_783 : i32
        %add3A_785 = arith.constant 1 : i32
        %add3A_786 = arith.addi %mul3A_784, %add3A_785 : i32
        %get3A_787 = arith.index_cast %add3A_786 : i32 to index
        %get3A_788 = arith.constant 96 : index
        %get3A_789 = tpu.vector_load %arg6[%get3A_787, %get3A_788] {strides = array<i32>} : memref<152x256xf32, #tpu.memory_space<vmem>>, vector<1x16xf32>,
        %get3A_790 = vector.shape_cast %get3A_789 : vector<1x16xf32> to vector<16xf32>
        %add3A_791 = arith.addf %scan3A_720, %get3A_790 : vector<16xf32>
        %mul3A_792 = arith.constant 3 : i32
        %mul3A_793 = arith.muli %scan3A_713, %mul3A_792 : i32
        %add3A_794 = arith.constant 1 : i32
        %add3A_795 = arith.addi %mul3A_793, %add3A_794 : i32
        %get3A_796 = arith.index_cast %add3A_795 : i32 to index
        %get3A_797 = arith.constant 112 : index
        %get3A_798 = tpu.vector_load %arg6[%get3A_796, %get3A_797] {strides = array<i32>} : memref<152x256xf32, #tpu.memory_space<vmem>>, vector<1x16xf32>,
        %get3A_799 = vector.shape_cast %get3A_798 : vector<1x16xf32> to vector<16xf32>
        %add3A_800 = arith.addf %scan3A_721, %get3A_799 : vector<16xf32>
        %mul3A_801 = arith.constant 3 : i32
        %mul3A_802 = arith.muli %scan3A_713, %mul3A_801 : i32
        %add3A_803 = arith.constant 1 : i32
        %add3A_804 = arith.addi %mul3A_802, %add3A_803 : i32
        %get3A_805 = arith.index_cast %add3A_804 : i32 to index
        %get3A_806 = arith.constant 128 : index
        %get3A_807 = tpu.vector_load %arg6[%get3A_805, %get3A_806] {strides = array<i32>} : memref<152x256xf32, #tpu.memory_space<vmem>>, vector<1x16xf32>,
        %get3A_808 = vector.shape_cast %get3A_807 : vector<1x16xf32> to vector<16xf32>
        %add3A_809 = arith.addf %scan3A_722, %get3A_808 : vector<16xf32>
        %mul3A_810 = arith.constant 3 : i32
        %mul3A_811 = arith.muli %scan3A_713, %mul3A_810 : i32
        %add3A_812 = arith.constant 1 : i32
        %add3A_813 = arith.addi %mul3A_811, %add3A_812 : i32
        %get3A_814 = arith.index_cast %add3A_813 : i32 to index
        %get3A_815 = arith.constant 144 : index
        %get3A_816 = tpu.vector_load %arg6[%get3A_814, %get3A_815] {strides = array<i32>} : memref<152x256xf32, #tpu.memory_space<vmem>>, vector<1x16xf32>,
        %get3A_817 = vector.shape_cast %get3A_816 : vector<1x16xf32> to vector<16xf32>
        %add3A_818 = arith.addf %scan3A_723, %get3A_817 : vector<16xf32>
        %mul3A_819 = arith.constant 3 : i32
        %mul3A_820 = arith.muli %scan3A_713, %mul3A_819 : i32
        %add3A_821 = arith.constant 1 : i32
        %add3A_822 = arith.addi %mul3A_820, %add3A_821 : i32
        %get3A_823 = arith.index_cast %add3A_822 : i32 to index
        %get3A_824 = arith.constant 160 : index
        %get3A_825 = tpu.vector_load %arg6[%get3A_823, %get3A_824] {strides = array<i32>} : memref<152x256xf32, #tpu.memory_space<vmem>>, vector<1x16xf32>,
        %get3A_826 = vector.shape_cast %get3A_825 : vector<1x16xf32> to vector<16xf32>
        %add3A_827 = arith.addf %scan3A_724, %get3A_826 : vector<16xf32>
        %mul3A_828 = arith.constant 3 : i32
        %mul3A_829 = arith.muli %scan3A_713, %mul3A_828 : i32
        %add3A_830 = arith.constant 1 : i32
        %add3A_831 = arith.addi %mul3A_829, %add3A_830 : i32
        %get3A_832 = arith.index_cast %add3A_831 : i32 to index
        %get3A_833 = arith.constant 176 : index
        %get3A_834 = tpu.vector_load %arg6[%get3A_832, %get3A_833] {strides = array<i32>} : memref<152x256xf32, #tpu.memory_space<vmem>>, vector<1x16xf32>,
        %get3A_835 = vector.shape_cast %get3A_834 : vector<1x16xf32> to vector<16xf32>
        %add3A_836 = arith.addf %scan3A_725, %get3A_835 : vector<16xf32>
        %mul3A_837 = arith.constant 3 : i32
        %mul3A_838 = arith.muli %scan3A_713, %mul3A_837 : i32
        %add3A_839 = arith.constant 1 : i32
        %add3A_840 = arith.addi %mul3A_838, %add3A_839 : i32
        %get3A_841 = arith.index_cast %add3A_840 : i32 to index
        %get3A_842 = arith.constant 192 : index
        %get3A_843 = tpu.vector_load %arg6[%get3A_841, %get3A_842] {strides = array<i32>} : memref<152x256xf32, #tpu.memory_space<vmem>>, vector<1x16xf32>,
        %get3A_844 = vector.shape_cast %get3A_843 : vector<1x16xf32> to vector<16xf32>
        %add3A_845 = arith.addf %scan3A_726, %get3A_844 : vector<16xf32>
        %mul3A_846 = arith.constant 3 : i32
        %mul3A_847 = arith.muli %scan3A_713, %mul3A_846 : i32
        %add3A_848 = arith.constant 1 : i32
        %add3A_849 = arith.addi %mul3A_847, %add3A_848 : i32
        %get3A_850 = arith.index_cast %add3A_849 : i32 to index
        %get3A_851 = arith.constant 208 : index
        %get3A_852 = tpu.vector_load %arg6[%get3A_850, %get3A_851] {strides = array<i32>} : memref<152x256xf32, #tpu.memory_space<vmem>>, vector<1x16xf32>,
        %get3A_853 = vector.shape_cast %get3A_852 : vector<1x16xf32> to vector<16xf32>
        %add3A_854 = arith.addf %scan3A_727, %get3A_853 : vector<16xf32>
        %mul3A_855 = arith.constant 3 : i32
        %mul3A_856 = arith.muli %scan3A_713, %mul3A_855 : i32
        %add3A_857 = arith.constant 1 : i32
        %add3A_858 = arith.addi %mul3A_856, %add3A_857 : i32
        %get3A_859 = arith.index_cast %add3A_858 : i32 to index
        %get3A_860 = arith.constant 224 : index
        %get3A_861 = tpu.vector_load %arg6[%get3A_859, %get3A_860] {strides = array<i32>} : memref<152x256xf32, #tpu.memory_space<vmem>>, vector<1x16xf32>,
        %get3A_862 = vector.shape_cast %get3A_861 : vector<1x16xf32> to vector<16xf32>
        %add3A_863 = arith.addf %scan3A_728, %get3A_862 : vector<16xf32>
        %mul3A_864 = arith.constant 3 : i32
        %mul3A_865 = arith.muli %scan3A_713, %mul3A_864 : i32
        %add3A_866 = arith.constant 1 : i32
        %add3A_867 = arith.addi %mul3A_865, %add3A_866 : i32
        %get3A_868 = arith.index_cast %add3A_867 : i32 to index
        %get3A_869 = arith.constant 240 : index
        %get3A_870 = tpu.vector_load %arg6[%get3A_868, %get3A_869] {strides = array<i32>} : memref<152x256xf32, #tpu.memory_space<vmem>>, vector<1x16xf32>,
        %get3A_871 = vector.shape_cast %get3A_870 : vector<1x16xf32> to vector<16xf32>
        %add3A_872 = arith.addf %scan3A_729, %get3A_871 : vector<16xf32>
        scf.yield %add3A_737, %add3A_746, %add3A_755, %add3A_764, %add3A_773, %add3A_782, %add3A_791, %add3A_800, %add3A_809, %add3A_818, %add3A_827, %add3A_836, %add3A_845, %add3A_854, %add3A_863, %add3A_872 : vector<16xf32>, vector<16xf32>, vector<16xf32>, vector<16xf32>, vector<16xf32>, vector<16xf32>, vector<16xf32>, vector<16xf32>, vector<16xf32>, vector<16xf32>, vector<16xf32>, vector<16xf32>, vector<16xf32>, vector<16xf32>, vector<16xf32>, vector<16xf32>
      }
      %scan3A_204 = arith.constant 50 : i32
      %swap3A_205 = arith.constant 256 : index
      %swap3A_206 = tpu.vector_load %arg8[%swap3A_205] {strides = array<i32>} : memref<768xf32, #tpu.memory_space<vmem>>, vector<16xf32>,
      %swap3A_207 = vector.shape_cast %swap3A_206 : vector<16xf32> to vector<16xf32>
      %swap3A_208 = vector.shape_cast %scan3A_203#0 : vector<16xf32> to vector<16xf32>
      tpu.vector_store %arg8[%swap3A_205], %swap3A_208 {strides = array<i32>} : memref<768xf32, #tpu.memory_space<vmem>>, vector<16xf32>,
      %swap3A_209 = arith.constant 272 : index
      %swap3A_210 = tpu.vector_load %arg8[%swap3A_209] {strides = array<i32>} : memref<768xf32, #tpu.memory_space<vmem>>, vector<16xf32>,
      %swap3A_211 = vector.shape_cast %swap3A_210 : vector<16xf32> to vector<16xf32>
      %swap3A_212 = vector.shape_cast %scan3A_203#1 : vector<16xf32> to vector<16xf32>
      tpu.vector_store %arg8[%swap3A_209], %swap3A_212 {strides = array<i32>} : memref<768xf32, #tpu.memory_space<vmem>>, vector<16xf32>,
      %swap3A_213 = arith.constant 288 : index
      %swap3A_214 = tpu.vector_load %arg8[%swap3A_213] {strides = array<i32>} : memref<768xf32, #tpu.memory_space<vmem>>, vector<16xf32>,
      %swap3A_215 = vector.shape_cast %swap3A_214 : vector<16xf32> to vector<16xf32>
      %swap3A_216 = vector.shape_cast %scan3A_203#2 : vector<16xf32> to vector<16xf32>
      tpu.vector_store %arg8[%swap3A_213], %swap3A_216 {strides = array<i32>} : memref<768xf32, #tpu.memory_space<vmem>>, vector<16xf32>,
      %swap3A_217 = arith.constant 304 : index
      %swap3A_218 = tpu.vector_load %arg8[%swap3A_217] {strides = array<i32>} : memref<768xf32, #tpu.memory_space<vmem>>, vector<16xf32>,
      %swap3A_219 = vector.shape_cast %swap3A_218 : vector<16xf32> to vector<16xf32>
      %swap3A_220 = vector.shape_cast %scan3A_203#3 : vector<16xf32> to vector<16xf32>
      tpu.vector_store %arg8[%swap3A_217], %swap3A_220 {strides = array<i32>} : memref<768xf32, #tpu.memory_space<vmem>>, vector<16xf32>,
      %swap3A_221 = arith.constant 320 : index
      %swap3A_222 = tpu.vector_load %arg8[%swap3A_221] {strides = array<i32>} : memref<768xf32, #tpu.memory_space<vmem>>, vector<16xf32>,
      %swap3A_223 = vector.shape_cast %swap3A_222 : vector<16xf32> to vector<16xf32>
      %swap3A_224 = vector.shape_cast %scan3A_203#4 : vector<16xf32> to vector<16xf32>
      tpu.vector_store %arg8[%swap3A_221], %swap3A_224 {strides = array<i32>} : memref<768xf32, #tpu.memory_space<vmem>>, vector<16xf32>,
      %swap3A_225 = arith.constant 336 : index
      %swap3A_226 = tpu.vector_load %arg8[%swap3A_225] {strides = array<i32>} : memref<768xf32, #tpu.memory_space<vmem>>, vector<16xf32>,
      %swap3A_227 = vector.shape_cast %swap3A_226 : vector<16xf32> to vector<16xf32>
      %swap3A_228 = vector.shape_cast %scan3A_203#5 : vector<16xf32> to vector<16xf32>
      tpu.vector_store %arg8[%swap3A_225], %swap3A_228 {strides = array<i32>} : memref<768xf32, #tpu.memory_space<vmem>>, vector<16xf32>,
      %swap3A_229 = arith.constant 352 : index
      %swap3A_230 = tpu.vector_load %arg8[%swap3A_229] {strides = array<i32>} : memref<768xf32, #tpu.memory_space<vmem>>, vector<16xf32>,
      %swap3A_231 = vector.shape_cast %swap3A_230 : vector<16xf32> to vector<16xf32>
      %swap3A_232 = vector.shape_cast %scan3A_203#6 : vector<16xf32> to vector<16xf32>
      tpu.vector_store %arg8[%swap3A_229], %swap3A_232 {strides = array<i32>} : memref<768xf32, #tpu.memory_space<vmem>>, vector<16xf32>,
      %swap3A_233 = arith.constant 368 : index
      %swap3A_234 = tpu.vector_load %arg8[%swap3A_233] {strides = array<i32>} : memref<768xf32, #tpu.memory_space<vmem>>, vector<16xf32>,
      %swap3A_235 = vector.shape_cast %swap3A_234 : vector<16xf32> to vector<16xf32>
      %swap3A_236 = vector.shape_cast %scan3A_203#7 : vector<16xf32> to vector<16xf32>
      tpu.vector_store %arg8[%swap3A_233], %swap3A_236 {strides = array<i32>} : memref<768xf32, #tpu.memory_space<vmem>>, vector<16xf32>,
      %swap3A_237 = arith.constant 384 : index
      %swap3A_238 = tpu.vector_load %arg8[%swap3A_237] {strides = array<i32>} : memref<768xf32, #tpu.memory_space<vmem>>, vector<16xf32>,
      %swap3A_239 = vector.shape_cast %swap3A_238 : vector<16xf32> to vector<16xf32>
      %swap3A_240 = vector.shape_cast %scan3A_203#8 : vector<16xf32> to vector<16xf32>
      tpu.vector_store %arg8[%swap3A_237], %swap3A_240 {strides = array<i32>} : memref<768xf32, #tpu.memory_space<vmem>>, vector<16xf32>,
      %swap3A_241 = arith.constant 400 : index
      %swap3A_242 = tpu.vector_load %arg8[%swap3A_241] {strides = array<i32>} : memref<768xf32, #tpu.memory_space<vmem>>, vector<16xf32>,
      %swap3A_243 = vector.shape_cast %swap3A_242 : vector<16xf32> to vector<16xf32>
      %swap3A_244 = vector.shape_cast %scan3A_203#9 : vector<16xf32> to vector<16xf32>
      tpu.vector_store %arg8[%swap3A_241], %swap3A_244 {strides = array<i32>} : memref<768xf32, #tpu.memory_space<vmem>>, vector<16xf32>,
      %swap3A_245 = arith.constant 416 : index
      %swap3A_246 = tpu.vector_load %arg8[%swap3A_245] {strides = array<i32>} : memref<768xf32, #tpu.memory_space<vmem>>, vector<16xf32>,
      %swap3A_247 = vector.shape_cast %swap3A_246 : vector<16xf32> to vector<16xf32>
      %swap3A_248 = vector.shape_cast %scan3A_203#10 : vector<16xf32> to vector<16xf32>
      tpu.vector_store %arg8[%swap3A_245], %swap3A_248 {strides = array<i32>} : memref<768xf32, #tpu.memory_space<vmem>>, vector<16xf32>,
      %swap3A_249 = arith.constant 432 : index
      %swap3A_250 = tpu.vector_load %arg8[%swap3A_249] {strides = array<i32>} : memref<768xf32, #tpu.memory_space<vmem>>, vector<16xf32>,
      %swap3A_251 = vector.shape_cast %swap3A_250 : vector<16xf32> to vector<16xf32>
      %swap3A_252 = vector.shape_cast %scan3A_203#11 : vector<16xf32> to vector<16xf32>
      tpu.vector_store %arg8[%swap3A_249], %swap3A_252 {strides = array<i32>} : memref<768xf32, #tpu.memory_space<vmem>>, vector<16xf32>,
      %swap3A_253 = arith.constant 448 : index
      %swap3A_254 = tpu.vector_load %arg8[%swap3A_253] {strides = array<i32>} : memref<768xf32, #tpu.memory_space<vmem>>, vector<16xf32>,
      %swap3A_255 = vector.shape_cast %swap3A_254 : vector<16xf32> to vector<16xf32>
      %swap3A_256 = vector.shape_cast %scan3A_203#12 : vector<16xf32> to vector<16xf32>
      tpu.vector_store %arg8[%swap3A_253], %swap3A_256 {strides = array<i32>} : memref<768xf32, #tpu.memory_space<vmem>>, vector<16xf32>,
      %swap3A_257 = arith.constant 464 : index
      %swap3A_258 = tpu.vector_load %arg8[%swap3A_257] {strides = array<i32>} : memref<768xf32, #tpu.memory_space<vmem>>, vector<16xf32>,
      %swap3A_259 = vector.shape_cast %swap3A_258 : vector<16xf32> to vector<16xf32>
      %swap3A_260 = vector.shape_cast %scan3A_203#13 : vector<16xf32> to vector<16xf32>
      tpu.vector_store %arg8[%swap3A_257], %swap3A_260 {strides = array<i32>} : memref<768xf32, #tpu.memory_space<vmem>>, vector<16xf32>,
      %swap3A_261 = arith.constant 480 : index
      %swap3A_262 = tpu.vector_load %arg8[%swap3A_261] {strides = array<i32>} : memref<768xf32, #tpu.memory_space<vmem>>, vector<16xf32>,
      %swap3A_263 = vector.shape_cast %swap3A_262 : vector<16xf32> to vector<16xf32>
      %swap3A_264 = vector.shape_cast %scan3A_203#14 : vector<16xf32> to vector<16xf32>
      tpu.vector_store %arg8[%swap3A_261], %swap3A_264 {strides = array<i32>} : memref<768xf32, #tpu.memory_space<vmem>>, vector<16xf32>,
      %swap3A_265 = arith.constant 496 : index
      %swap3A_266 = tpu.vector_load %arg8[%swap3A_265] {strides = array<i32>} : memref<768xf32, #tpu.memory_space<vmem>>, vector<16xf32>,
      %swap3A_267 = vector.shape_cast %swap3A_266 : vector<16xf32> to vector<16xf32>
      %swap3A_268 = vector.shape_cast %scan3A_203#15 : vector<16xf32> to vector<16xf32>
      tpu.vector_store %arg8[%swap3A_265], %swap3A_268 {strides = array<i32>} : memref<768xf32, #tpu.memory_space<vmem>>, vector<16xf32>,
      %broadcast_in_dim3A_269 = arith.constant 0.000000e+00 : f32
      %broadcast_in_dim3A_270 = vector.broadcast %broadcast_in_dim3A_269 : f32 to vector<16xf32>
      %broadcast_in_dim3A_271 = arith.constant 0.000000e+00 : f32
      %broadcast_in_dim3A_272 = vector.broadcast %broadcast_in_dim3A_271 : f32 to vector<16xf32>
      %broadcast_in_dim3A_273 = arith.constant 0.000000e+00 : f32
      %broadcast_in_dim3A_274 = vector.broadcast %broadcast_in_dim3A_273 : f32 to vector<16xf32>
      %broadcast_in_dim3A_275 = arith.constant 0.000000e+00 : f32
      %broadcast_in_dim3A_276 = vector.broadcast %broadcast_in_dim3A_275 : f32 to vector<16xf32>
      %broadcast_in_dim3A_277 = arith.constant 0.000000e+00 : f32
      %broadcast_in_dim3A_278 = vector.broadcast %broadcast_in_dim3A_277 : f32 to vector<16xf32>
      %broadcast_in_dim3A_279 = arith.constant 0.000000e+00 : f32
      %broadcast_in_dim3A_280 = vector.broadcast %broadcast_in_dim3A_279 : f32 to vector<16xf32>
      %broadcast_in_dim3A_281 = arith.constant 0.000000e+00 : f32
      %broadcast_in_dim3A_282 = vector.broadcast %broadcast_in_dim3A_281 : f32 to vector<16xf32>
      %broadcast_in_dim3A_283 = arith.constant 0.000000e+00 : f32
      %broadcast_in_dim3A_284 = vector.broadcast %broadcast_in_dim3A_283 : f32 to vector<16xf32>
      %broadcast_in_dim3A_285 = arith.constant 0.000000e+00 : f32
      %broadcast_in_dim3A_286 = vector.broadcast %broadcast_in_dim3A_285 : f32 to vector<16xf32>
      %broadcast_in_dim3A_287 = arith.constant 0.000000e+00 : f32
      %broadcast_in_dim3A_288 = vector.broadcast %broadcast_in_dim3A_287 : f32 to vector<16xf32>
      %broadcast_in_dim3A_289 = arith.constant 0.000000e+00 : f32
      %broadcast_in_dim3A_290 = vector.broadcast %broadcast_in_dim3A_289 : f32 to vector<16xf32>
      %broadcast_in_dim3A_291 = arith.constant 0.000000e+00 : f32
      %broadcast_in_dim3A_292 = vector.broadcast %broadcast_in_dim3A_291 : f32 to vector<16xf32>
      %broadcast_in_dim3A_293 = arith.constant 0.000000e+00 : f32
      %broadcast_in_dim3A_294 = vector.broadcast %broadcast_in_dim3A_293 : f32 to vector<16xf32>
      %broadcast_in_dim3A_295 = arith.constant 0.000000e+00 : f32
      %broadcast_in_dim3A_296 = vector.broadcast %broadcast_in_dim3A_295 : f32 to vector<16xf32>
      %broadcast_in_dim3A_297 = arith.constant 0.000000e+00 : f32
      %broadcast_in_dim3A_298 = vector.broadcast %broadcast_in_dim3A_297 : f32 to vector<16xf32>
      %broadcast_in_dim3A_299 = arith.constant 0.000000e+00 : f32
      %broadcast_in_dim3A_300 = vector.broadcast %broadcast_in_dim3A_299 : f32 to vector<16xf32>
      %scan3A_301 = arith.constant 0 : i32
      %scan3A_302 = arith.constant 50 : i32
      %scan3A_303 = arith.addi %scan3A_301, %scan3A_302 : i32
      %scan3A_304 = arith.constant 1 : i32
      %scan3A_305:16 = scf.for %scan3A_713 = %scan3A_301 to %scan3A_303 step %scan3A_304 iter_args(%scan3A_714 = %broadcast_in_dim3A_270, %scan3A_715 = %broadcast_in_dim3A_272, %scan3A_716 = %broadcast_in_dim3A_274, %scan3A_717 = %broadcast_in_dim3A_276, %scan3A_718 = %broadcast_in_dim3A_278, %scan3A_719 = %broadcast_in_dim3A_280, %scan3A_720 = %broadcast_in_dim3A_282, %scan3A_721 = %broadcast_in_dim3A_284, %scan3A_722 = %broadcast_in_dim3A_286, %scan3A_723 = %broadcast_in_dim3A_288, %scan3A_724 = %broadcast_in_dim3A_290, %scan3A_725 = %broadcast_in_dim3A_292, %scan3A_726 = %broadcast_in_dim3A_294, %scan3A_727 = %broadcast_in_dim3A_296, %scan3A_728 = %broadcast_in_dim3A_298, %scan3A_729 = %broadcast_in_dim3A_300) -> (vector<16xf32>, vector<16xf32>, vector<16xf32>, vector<16xf32>, vector<16xf32>, vector<16xf32>, vector<16xf32>, vector<16xf32>, vector<16xf32>, vector<16xf32>, vector<16xf32>, vector<16xf32>, vector<16xf32>, vector<16xf32>, vector<16xf32>, vector<16xf32>)  : i32 {
        %mul3A_730 = arith.constant 3 : i32
        %mul3A_731 = arith.muli %scan3A_713, %mul3A_730 : i32
        %add3A_732 = arith.constant 2 : i32
        %add3A_733 = arith.addi %mul3A_731, %add3A_732 : i32
        %get3A = arith.index_cast %add3A_733 : i32 to index
        %get3A_734 = arith.constant 0 : index
        %get3A_735 = tpu.vector_load %arg6[%get3A, %get3A_734] {strides = array<i32>} : memref<152x256xf32, #tpu.memory_space<vmem>>, vector<1x16xf32>,
        %get3A_736 = vector.shape_cast %get3A_735 : vector<1x16xf32> to vector<16xf32>
        %add3A_737 = arith.addf %scan3A_714, %get3A_736 : vector<16xf32>
        %mul3A_738 = arith.constant 3 : i32
        %mul3A_739 = arith.muli %scan3A_713, %mul3A_738 : i32
        %add3A_740 = arith.constant 2 : i32
        %add3A_741 = arith.addi %mul3A_739, %add3A_740 : i32
        %get3A_742 = arith.index_cast %add3A_741 : i32 to index
        %get3A_743 = arith.constant 16 : index
        %get3A_744 = tpu.vector_load %arg6[%get3A_742, %get3A_743] {strides = array<i32>} : memref<152x256xf32, #tpu.memory_space<vmem>>, vector<1x16xf32>,
        %get3A_745 = vector.shape_cast %get3A_744 : vector<1x16xf32> to vector<16xf32>
        %add3A_746 = arith.addf %scan3A_715, %get3A_745 : vector<16xf32>
        %mul3A_747 = arith.constant 3 : i32
        %mul3A_748 = arith.muli %scan3A_713, %mul3A_747 : i32
        %add3A_749 = arith.constant 2 : i32
        %add3A_750 = arith.addi %mul3A_748, %add3A_749 : i32
        %get3A_751 = arith.index_cast %add3A_750 : i32 to index
        %get3A_752 = arith.constant 32 : index
        %get3A_753 = tpu.vector_load %arg6[%get3A_751, %get3A_752] {strides = array<i32>} : memref<152x256xf32, #tpu.memory_space<vmem>>, vector<1x16xf32>,
        %get3A_754 = vector.shape_cast %get3A_753 : vector<1x16xf32> to vector<16xf32>
        %add3A_755 = arith.addf %scan3A_716, %get3A_754 : vector<16xf32>
        %mul3A_756 = arith.constant 3 : i32
        %mul3A_757 = arith.muli %scan3A_713, %mul3A_756 : i32
        %add3A_758 = arith.constant 2 : i32
        %add3A_759 = arith.addi %mul3A_757, %add3A_758 : i32
        %get3A_760 = arith.index_cast %add3A_759 : i32 to index
        %get3A_761 = arith.constant 48 : index
        %get3A_762 = tpu.vector_load %arg6[%get3A_760, %get3A_761] {strides = array<i32>} : memref<152x256xf32, #tpu.memory_space<vmem>>, vector<1x16xf32>,
        %get3A_763 = vector.shape_cast %get3A_762 : vector<1x16xf32> to vector<16xf32>
        %add3A_764 = arith.addf %scan3A_717, %get3A_763 : vector<16xf32>
        %mul3A_765 = arith.constant 3 : i32
        %mul3A_766 = arith.muli %scan3A_713, %mul3A_765 : i32
        %add3A_767 = arith.constant 2 : i32
        %add3A_768 = arith.addi %mul3A_766, %add3A_767 : i32
        %get3A_769 = arith.index_cast %add3A_768 : i32 to index
        %get3A_770 = arith.constant 64 : index
        %get3A_771 = tpu.vector_load %arg6[%get3A_769, %get3A_770] {strides = array<i32>} : memref<152x256xf32, #tpu.memory_space<vmem>>, vector<1x16xf32>,
        %get3A_772 = vector.shape_cast %get3A_771 : vector<1x16xf32> to vector<16xf32>
        %add3A_773 = arith.addf %scan3A_718, %get3A_772 : vector<16xf32>
        %mul3A_774 = arith.constant 3 : i32
        %mul3A_775 = arith.muli %scan3A_713, %mul3A_774 : i32
        %add3A_776 = arith.constant 2 : i32
        %add3A_777 = arith.addi %mul3A_775, %add3A_776 : i32
        %get3A_778 = arith.index_cast %add3A_777 : i32 to index
        %get3A_779 = arith.constant 80 : index
        %get3A_780 = tpu.vector_load %arg6[%get3A_778, %get3A_779] {strides = array<i32>} : memref<152x256xf32, #tpu.memory_space<vmem>>, vector<1x16xf32>,
        %get3A_781 = vector.shape_cast %get3A_780 : vector<1x16xf32> to vector<16xf32>
        %add3A_782 = arith.addf %scan3A_719, %get3A_781 : vector<16xf32>
        %mul3A_783 = arith.constant 3 : i32
        %mul3A_784 = arith.muli %scan3A_713, %mul3A_783 : i32
        %add3A_785 = arith.constant 2 : i32
        %add3A_786 = arith.addi %mul3A_784, %add3A_785 : i32
        %get3A_787 = arith.index_cast %add3A_786 : i32 to index
        %get3A_788 = arith.constant 96 : index
        %get3A_789 = tpu.vector_load %arg6[%get3A_787, %get3A_788] {strides = array<i32>} : memref<152x256xf32, #tpu.memory_space<vmem>>, vector<1x16xf32>,
        %get3A_790 = vector.shape_cast %get3A_789 : vector<1x16xf32> to vector<16xf32>
        %add3A_791 = arith.addf %scan3A_720, %get3A_790 : vector<16xf32>
        %mul3A_792 = arith.constant 3 : i32
        %mul3A_793 = arith.muli %scan3A_713, %mul3A_792 : i32
        %add3A_794 = arith.constant 2 : i32
        %add3A_795 = arith.addi %mul3A_793, %add3A_794 : i32
        %get3A_796 = arith.index_cast %add3A_795 : i32 to index
        %get3A_797 = arith.constant 112 : index
        %get3A_798 = tpu.vector_load %arg6[%get3A_796, %get3A_797] {strides = array<i32>} : memref<152x256xf32, #tpu.memory_space<vmem>>, vector<1x16xf32>,
        %get3A_799 = vector.shape_cast %get3A_798 : vector<1x16xf32> to vector<16xf32>
        %add3A_800 = arith.addf %scan3A_721, %get3A_799 : vector<16xf32>
        %mul3A_801 = arith.constant 3 : i32
        %mul3A_802 = arith.muli %scan3A_713, %mul3A_801 : i32
        %add3A_803 = arith.constant 2 : i32
        %add3A_804 = arith.addi %mul3A_802, %add3A_803 : i32
        %get3A_805 = arith.index_cast %add3A_804 : i32 to index
        %get3A_806 = arith.constant 128 : index
        %get3A_807 = tpu.vector_load %arg6[%get3A_805, %get3A_806] {strides = array<i32>} : memref<152x256xf32, #tpu.memory_space<vmem>>, vector<1x16xf32>,
        %get3A_808 = vector.shape_cast %get3A_807 : vector<1x16xf32> to vector<16xf32>
        %add3A_809 = arith.addf %scan3A_722, %get3A_808 : vector<16xf32>
        %mul3A_810 = arith.constant 3 : i32
        %mul3A_811 = arith.muli %scan3A_713, %mul3A_810 : i32
        %add3A_812 = arith.constant 2 : i32
        %add3A_813 = arith.addi %mul3A_811, %add3A_812 : i32
        %get3A_814 = arith.index_cast %add3A_813 : i32 to index
        %get3A_815 = arith.constant 144 : index
        %get3A_816 = tpu.vector_load %arg6[%get3A_814, %get3A_815] {strides = array<i32>} : memref<152x256xf32, #tpu.memory_space<vmem>>, vector<1x16xf32>,
        %get3A_817 = vector.shape_cast %get3A_816 : vector<1x16xf32> to vector<16xf32>
        %add3A_818 = arith.addf %scan3A_723, %get3A_817 : vector<16xf32>
        %mul3A_819 = arith.constant 3 : i32
        %mul3A_820 = arith.muli %scan3A_713, %mul3A_819 : i32
        %add3A_821 = arith.constant 2 : i32
        %add3A_822 = arith.addi %mul3A_820, %add3A_821 : i32
        %get3A_823 = arith.index_cast %add3A_822 : i32 to index
        %get3A_824 = arith.constant 160 : index
        %get3A_825 = tpu.vector_load %arg6[%get3A_823, %get3A_824] {strides = array<i32>} : memref<152x256xf32, #tpu.memory_space<vmem>>, vector<1x16xf32>,
        %get3A_826 = vector.shape_cast %get3A_825 : vector<1x16xf32> to vector<16xf32>
        %add3A_827 = arith.addf %scan3A_724, %get3A_826 : vector<16xf32>
        %mul3A_828 = arith.constant 3 : i32
        %mul3A_829 = arith.muli %scan3A_713, %mul3A_828 : i32
        %add3A_830 = arith.constant 2 : i32
        %add3A_831 = arith.addi %mul3A_829, %add3A_830 : i32
        %get3A_832 = arith.index_cast %add3A_831 : i32 to index
        %get3A_833 = arith.constant 176 : index
        %get3A_834 = tpu.vector_load %arg6[%get3A_832, %get3A_833] {strides = array<i32>} : memref<152x256xf32, #tpu.memory_space<vmem>>, vector<1x16xf32>,
        %get3A_835 = vector.shape_cast %get3A_834 : vector<1x16xf32> to vector<16xf32>
        %add3A_836 = arith.addf %scan3A_725, %get3A_835 : vector<16xf32>
        %mul3A_837 = arith.constant 3 : i32
        %mul3A_838 = arith.muli %scan3A_713, %mul3A_837 : i32
        %add3A_839 = arith.constant 2 : i32
        %add3A_840 = arith.addi %mul3A_838, %add3A_839 : i32
        %get3A_841 = arith.index_cast %add3A_840 : i32 to index
        %get3A_842 = arith.constant 192 : index
        %get3A_843 = tpu.vector_load %arg6[%get3A_841, %get3A_842] {strides = array<i32>} : memref<152x256xf32, #tpu.memory_space<vmem>>, vector<1x16xf32>,
        %get3A_844 = vector.shape_cast %get3A_843 : vector<1x16xf32> to vector<16xf32>
        %add3A_845 = arith.addf %scan3A_726, %get3A_844 : vector<16xf32>
        %mul3A_846 = arith.constant 3 : i32
        %mul3A_847 = arith.muli %scan3A_713, %mul3A_846 : i32
        %add3A_848 = arith.constant 2 : i32
        %add3A_849 = arith.addi %mul3A_847, %add3A_848 : i32
        %get3A_850 = arith.index_cast %add3A_849 : i32 to index
        %get3A_851 = arith.constant 208 : index
        %get3A_852 = tpu.vector_load %arg6[%get3A_850, %get3A_851] {strides = array<i32>} : memref<152x256xf32, #tpu.memory_space<vmem>>, vector<1x16xf32>,
        %get3A_853 = vector.shape_cast %get3A_852 : vector<1x16xf32> to vector<16xf32>
        %add3A_854 = arith.addf %scan3A_727, %get3A_853 : vector<16xf32>
        %mul3A_855 = arith.constant 3 : i32
        %mul3A_856 = arith.muli %scan3A_713, %mul3A_855 : i32
        %add3A_857 = arith.constant 2 : i32
        %add3A_858 = arith.addi %mul3A_856, %add3A_857 : i32
        %get3A_859 = arith.index_cast %add3A_858 : i32 to index
        %get3A_860 = arith.constant 224 : index
        %get3A_861 = tpu.vector_load %arg6[%get3A_859, %get3A_860] {strides = array<i32>} : memref<152x256xf32, #tpu.memory_space<vmem>>, vector<1x16xf32>,
        %get3A_862 = vector.shape_cast %get3A_861 : vector<1x16xf32> to vector<16xf32>
        %add3A_863 = arith.addf %scan3A_728, %get3A_862 : vector<16xf32>
        %mul3A_864 = arith.constant 3 : i32
        %mul3A_865 = arith.muli %scan3A_713, %mul3A_864 : i32
        %add3A_866 = arith.constant 2 : i32
        %add3A_867 = arith.addi %mul3A_865, %add3A_866 : i32
        %get3A_868 = arith.index_cast %add3A_867 : i32 to index
        %get3A_869 = arith.constant 240 : index
        %get3A_870 = tpu.vector_load %arg6[%get3A_868, %get3A_869] {strides = array<i32>} : memref<152x256xf32, #tpu.memory_space<vmem>>, vector<1x16xf32>,
        %get3A_871 = vector.shape_cast %get3A_870 : vector<1x16xf32> to vector<16xf32>
        %add3A_872 = arith.addf %scan3A_729, %get3A_871 : vector<16xf32>
        scf.yield %add3A_737, %add3A_746, %add3A_755, %add3A_764, %add3A_773, %add3A_782, %add3A_791, %add3A_800, %add3A_809, %add3A_818, %add3A_827, %add3A_836, %add3A_845, %add3A_854, %add3A_863, %add3A_872 : vector<16xf32>, vector<16xf32>, vector<16xf32>, vector<16xf32>, vector<16xf32>, vector<16xf32>, vector<16xf32>, vector<16xf32>, vector<16xf32>, vector<16xf32>, vector<16xf32>, vector<16xf32>, vector<16xf32>, vector<16xf32>, vector<16xf32>, vector<16xf32>
      }
      %scan3A_306 = arith.constant 50 : i32
      %swap3A_307 = arith.constant 512 : index
      %swap3A_308 = tpu.vector_load %arg8[%swap3A_307] {strides = array<i32>} : memref<768xf32, #tpu.memory_space<vmem>>, vector<16xf32>,
      %swap3A_309 = vector.shape_cast %swap3A_308 : vector<16xf32> to vector<16xf32>
      %swap3A_310 = vector.shape_cast %scan3A_305#0 : vector<16xf32> to vector<16xf32>
      tpu.vector_store %arg8[%swap3A_307], %swap3A_310 {strides = array<i32>} : memref<768xf32, #tpu.memory_space<vmem>>, vector<16xf32>,
      %swap3A_311 = arith.constant 528 : index
      %swap3A_312 = tpu.vector_load %arg8[%swap3A_311] {strides = array<i32>} : memref<768xf32, #tpu.memory_space<vmem>>, vector<16xf32>,
      %swap3A_313 = vector.shape_cast %swap3A_312 : vector<16xf32> to vector<16xf32>
      %swap3A_314 = vector.shape_cast %scan3A_305#1 : vector<16xf32> to vector<16xf32>
      tpu.vector_store %arg8[%swap3A_311], %swap3A_314 {strides = array<i32>} : memref<768xf32, #tpu.memory_space<vmem>>, vector<16xf32>,
      %swap3A_315 = arith.constant 544 : index
      %swap3A_316 = tpu.vector_load %arg8[%swap3A_315] {strides = array<i32>} : memref<768xf32, #tpu.memory_space<vmem>>, vector<16xf32>,
      %swap3A_317 = vector.shape_cast %swap3A_316 : vector<16xf32> to vector<16xf32>
      %swap3A_318 = vector.shape_cast %scan3A_305#2 : vector<16xf32> to vector<16xf32>
      tpu.vector_store %arg8[%swap3A_315], %swap3A_318 {strides = array<i32>} : memref<768xf32, #tpu.memory_space<vmem>>, vector<16xf32>,
      %swap3A_319 = arith.constant 560 : index
      %swap3A_320 = tpu.vector_load %arg8[%swap3A_319] {strides = array<i32>} : memref<768xf32, #tpu.memory_space<vmem>>, vector<16xf32>,
      %swap3A_321 = vector.shape_cast %swap3A_320 : vector<16xf32> to vector<16xf32>
      %swap3A_322 = vector.shape_cast %scan3A_305#3 : vector<16xf32> to vector<16xf32>
      tpu.vector_store %arg8[%swap3A_319], %swap3A_322 {strides = array<i32>} : memref<768xf32, #tpu.memory_space<vmem>>, vector<16xf32>,
      %swap3A_323 = arith.constant 576 : index
      %swap3A_324 = tpu.vector_load %arg8[%swap3A_323] {strides = array<i32>} : memref<768xf32, #tpu.memory_space<vmem>>, vector<16xf32>,
      %swap3A_325 = vector.shape_cast %swap3A_324 : vector<16xf32> to vector<16xf32>
      %swap3A_326 = vector.shape_cast %scan3A_305#4 : vector<16xf32> to vector<16xf32>
      tpu.vector_store %arg8[%swap3A_323], %swap3A_326 {strides = array<i32>} : memref<768xf32, #tpu.memory_space<vmem>>, vector<16xf32>,
      %swap3A_327 = arith.constant 592 : index
      %swap3A_328 = tpu.vector_load %arg8[%swap3A_327] {strides = array<i32>} : memref<768xf32, #tpu.memory_space<vmem>>, vector<16xf32>,
      %swap3A_329 = vector.shape_cast %swap3A_328 : vector<16xf32> to vector<16xf32>
      %swap3A_330 = vector.shape_cast %scan3A_305#5 : vector<16xf32> to vector<16xf32>
      tpu.vector_store %arg8[%swap3A_327], %swap3A_330 {strides = array<i32>} : memref<768xf32, #tpu.memory_space<vmem>>, vector<16xf32>,
      %swap3A_331 = arith.constant 608 : index
      %swap3A_332 = tpu.vector_load %arg8[%swap3A_331] {strides = array<i32>} : memref<768xf32, #tpu.memory_space<vmem>>, vector<16xf32>,
      %swap3A_333 = vector.shape_cast %swap3A_332 : vector<16xf32> to vector<16xf32>
      %swap3A_334 = vector.shape_cast %scan3A_305#6 : vector<16xf32> to vector<16xf32>
      tpu.vector_store %arg8[%swap3A_331], %swap3A_334 {strides = array<i32>} : memref<768xf32, #tpu.memory_space<vmem>>, vector<16xf32>,
      %swap3A_335 = arith.constant 624 : index
      %swap3A_336 = tpu.vector_load %arg8[%swap3A_335] {strides = array<i32>} : memref<768xf32, #tpu.memory_space<vmem>>, vector<16xf32>,
      %swap3A_337 = vector.shape_cast %swap3A_336 : vector<16xf32> to vector<16xf32>
      %swap3A_338 = vector.shape_cast %scan3A_305#7 : vector<16xf32> to vector<16xf32>
      tpu.vector_store %arg8[%swap3A_335], %swap3A_338 {strides = array<i32>} : memref<768xf32, #tpu.memory_space<vmem>>, vector<16xf32>,
      %swap3A_339 = arith.constant 640 : index
      %swap3A_340 = tpu.vector_load %arg8[%swap3A_339] {strides = array<i32>} : memref<768xf32, #tpu.memory_space<vmem>>, vector<16xf32>,
      %swap3A_341 = vector.shape_cast %swap3A_340 : vector<16xf32> to vector<16xf32>
      %swap3A_342 = vector.shape_cast %scan3A_305#8 : vector<16xf32> to vector<16xf32>
      tpu.vector_store %arg8[%swap3A_339], %swap3A_342 {strides = array<i32>} : memref<768xf32, #tpu.memory_space<vmem>>, vector<16xf32>,
      %swap3A_343 = arith.constant 656 : index
      %swap3A_344 = tpu.vector_load %arg8[%swap3A_343] {strides = array<i32>} : memref<768xf32, #tpu.memory_space<vmem>>, vector<16xf32>,
      %swap3A_345 = vector.shape_cast %swap3A_344 : vector<16xf32> to vector<16xf32>
      %swap3A_346 = vector.shape_cast %scan3A_305#9 : vector<16xf32> to vector<16xf32>
      tpu.vector_store %arg8[%swap3A_343], %swap3A_346 {strides = array<i32>} : memref<768xf32, #tpu.memory_space<vmem>>, vector<16xf32>,
      %swap3A_347 = arith.constant 672 : index
      %swap3A_348 = tpu.vector_load %arg8[%swap3A_347] {strides = array<i32>} : memref<768xf32, #tpu.memory_space<vmem>>, vector<16xf32>,
      %swap3A_349 = vector.shape_cast %swap3A_348 : vector<16xf32> to vector<16xf32>
      %swap3A_350 = vector.shape_cast %scan3A_305#10 : vector<16xf32> to vector<16xf32>
      tpu.vector_store %arg8[%swap3A_347], %swap3A_350 {strides = array<i32>} : memref<768xf32, #tpu.memory_space<vmem>>, vector<16xf32>,
      %swap3A_351 = arith.constant 688 : index
      %swap3A_352 = tpu.vector_load %arg8[%swap3A_351] {strides = array<i32>} : memref<768xf32, #tpu.memory_space<vmem>>, vector<16xf32>,
      %swap3A_353 = vector.shape_cast %swap3A_352 : vector<16xf32> to vector<16xf32>
      %swap3A_354 = vector.shape_cast %scan3A_305#11 : vector<16xf32> to vector<16xf32>
      tpu.vector_store %arg8[%swap3A_351], %swap3A_354 {strides = array<i32>} : memref<768xf32, #tpu.memory_space<vmem>>, vector<16xf32>,
      %swap3A_355 = arith.constant 704 : index
      %swap3A_356 = tpu.vector_load %arg8[%swap3A_355] {strides = array<i32>} : memref<768xf32, #tpu.memory_space<vmem>>, vector<16xf32>,
      %swap3A_357 = vector.shape_cast %swap3A_356 : vector<16xf32> to vector<16xf32>
      %swap3A_358 = vector.shape_cast %scan3A_305#12 : vector<16xf32> to vector<16xf32>
      tpu.vector_store %arg8[%swap3A_355], %swap3A_358 {strides = array<i32>} : memref<768xf32, #tpu.memory_space<vmem>>, vector<16xf32>,
      %swap3A_359 = arith.constant 720 : index
      %swap3A_360 = tpu.vector_load %arg8[%swap3A_359] {strides = array<i32>} : memref<768xf32, #tpu.memory_space<vmem>>, vector<16xf32>,
      %swap3A_361 = vector.shape_cast %swap3A_360 : vector<16xf32> to vector<16xf32>
      %swap3A_362 = vector.shape_cast %scan3A_305#13 : vector<16xf32> to vector<16xf32>
      tpu.vector_store %arg8[%swap3A_359], %swap3A_362 {strides = array<i32>} : memref<768xf32, #tpu.memory_space<vmem>>, vector<16xf32>,
      %swap3A_363 = arith.constant 736 : index
      %swap3A_364 = tpu.vector_load %arg8[%swap3A_363] {strides = array<i32>} : memref<768xf32, #tpu.memory_space<vmem>>, vector<16xf32>,
      %swap3A_365 = vector.shape_cast %swap3A_364 : vector<16xf32> to vector<16xf32>
      %swap3A_366 = vector.shape_cast %scan3A_305#14 : vector<16xf32> to vector<16xf32>
      tpu.vector_store %arg8[%swap3A_363], %swap3A_366 {strides = array<i32>} : memref<768xf32, #tpu.memory_space<vmem>>, vector<16xf32>,
      %swap3A_367 = arith.constant 752 : index
      %swap3A_368 = tpu.vector_load %arg8[%swap3A_367] {strides = array<i32>} : memref<768xf32, #tpu.memory_space<vmem>>, vector<16xf32>,
      %swap3A_369 = vector.shape_cast %swap3A_368 : vector<16xf32> to vector<16xf32>
      %swap3A_370 = vector.shape_cast %scan3A_305#15 : vector<16xf32> to vector<16xf32>
      tpu.vector_store %arg8[%swap3A_367], %swap3A_370 {strides = array<i32>} : memref<768xf32, #tpu.memory_space<vmem>>, vector<16xf32>,
      %add3A_371 = arith.constant 2 : i32
      %add3A_372 = arith.addi %add3A_48, %add3A_371 : i32
      %lt3A = arith.constant 128 : i32
      %lt3A_373 = arith.cmpi slt, %add3A_372, %lt3A : i32
      %convert_element_type3A = arith.extui %lt3A_373 : i1 to i32
      %cond3A = arith.constant 0 : i32
      %cond3A_374 = arith.cmpi ne, %convert_element_type3A, %cond3A : i32
      scf.if %cond3A_374 {
        %add3A_713 = arith.constant 2 : i32
        %add3A_714 = arith.addi %add3A_48, %add3A_713 : i32
        %mul3A_715 = arith.constant 152 : i32
        %mul3A_716 = arith.muli %add3A_714, %mul3A_715 : i32
        %multiple_of3A_717 = tpu.assume_multiple %mul3A_716, 8 : i32
        %add3A_718 = arith.constant 104 : i32
        %add3A_719 = arith.addi %multiple_of3A_717, %add3A_718 : i32
        %dma_start3A_720 = arith.constant 0 : i32
        %dma_start3A_721 = arith.constant 0 : i32
        %dma_start3A_722 = tpu.memref_slice %arg6[%dma_start3A_720, %dma_start3A_721] : memref<152x256xf32, #tpu.memory_space<vmem>> -> memref<104x256xf32, #tpu.memory_space<vmem>>
        %dma_start3A_723 = tpu.memref_slice %arg5[%multiple_of3A_717] : memref<19456xi32, #tpu.memory_space<vmem>> -> memref<104xi32, #tpu.memory_space<vmem>>
        %dma_start3A_724 = arith.constant 0 : i32
        %dma_start3A_725 = arith.constant 0 : i32
        %dma_start3A_726 = tpu.memref_slice %arg3[%dma_start3A_724, %dma_start3A_725] : memref<96000x256xf32, #tpu.memory_space<hbm>> -> memref<96000x256xf32, #tpu.memory_space<hbm>>
        tpu.enqueue_indirect_dma source(%dma_start3A_726 : memref<96000x256xf32, #tpu.memory_space<hbm>>) target(%dma_start3A_722 : memref<104x256xf32, #tpu.memory_space<vmem>>) offsets(%dma_start3A_723 : memref<104xi32, #tpu.memory_space<vmem>>) semaphore(%arg9 : memref<!tpu.dma_semaphore, #tpu.memory_space<semaphore_mem>>)
        %dma_start3A_727 = arith.constant 104 : i32
        %dma_start3A_728 = arith.constant 0 : i32
        %dma_start3A_729 = tpu.memref_slice %arg6[%dma_start3A_727, %dma_start3A_728] : memref<152x256xf32, #tpu.memory_space<vmem>> -> memref<48x256xf32, #tpu.memory_space<vmem>>
        %dma_start3A_730 = tpu.memref_slice %arg5[%add3A_719] : memref<19456xi32, #tpu.memory_space<vmem>> -> memref<48xi32, #tpu.memory_space<vmem>>
        %dma_start3A_731 = arith.constant 0 : i32
        %dma_start3A_732 = arith.constant 0 : i32
        %dma_start3A_733 = tpu.memref_slice %arg3[%dma_start3A_731, %dma_start3A_732] : memref<96000x256xf32, #tpu.memory_space<hbm>> -> memref<96000x256xf32, #tpu.memory_space<hbm>>
        tpu.enqueue_indirect_dma source(%dma_start3A_733 : memref<96000x256xf32, #tpu.memory_space<hbm>>) target(%dma_start3A_729 : memref<48x256xf32, #tpu.memory_space<vmem>>) offsets(%dma_start3A_730 : memref<48xi32, #tpu.memory_space<vmem>>) semaphore(%arg9 : memref<!tpu.dma_semaphore, #tpu.memory_space<semaphore_mem>>)
      } else {
      }
      %add3A_375 = arith.addi %mul3A_2, %add3A_48 : i32
      "tpu.region"() ({
        %run_scoped3A = tpu.sem_alloc : memref<!tpu.dma_semaphore, #tpu.memory_space<semaphore_mem>>
        %dma_start3A_713 = arith.constant 0 : i32
        %dma_start3A_714 = tpu.memref_slice %arg4[%add3A_375, %dma_start3A_713] : memref<4096x768xf32, #tpu.memory_space<hbm>> -> memref<1x768xf32, #tpu.memory_space<hbm>>
        %dma_start3A_715 = tpu.memref_squeeze %dma_start3A_714 : memref<1x768xf32, #tpu.memory_space<hbm>> -> memref<768xf32, #tpu.memory_space<hbm>>
        %dma_start3A_716 = arith.constant 0 : i32
        %dma_start3A_717 = tpu.memref_slice %arg4[%add3A_375, %dma_start3A_716] : memref<4096x768xf32, #tpu.memory_space<hbm>> -> memref<1x768xf32, #tpu.memory_space<hbm>>
        %dma_start3A_718 = tpu.memref_squeeze %dma_start3A_717 : memref<1x768xf32, #tpu.memory_space<hbm>> -> memref<768xf32, #tpu.memory_space<hbm>>
        tpu.enqueue_dma source(%arg8 : memref<768xf32, #tpu.memory_space<vmem>>) target(%dma_start3A_718 : memref<768xf32, #tpu.memory_space<hbm>>) target_semaphore(%run_scoped3A : memref<!tpu.dma_semaphore, #tpu.memory_space<semaphore_mem>>)
        %dma_wait3A_719 = arith.constant 0 : i32
        %dma_wait3A_720 = tpu.memref_slice %arg4[%add3A_375, %dma_wait3A_719] : memref<4096x768xf32, #tpu.memory_space<hbm>> -> memref<1x768xf32, #tpu.memory_space<hbm>>
        %dma_wait3A_721 = tpu.memref_squeeze %dma_wait3A_720 : memref<1x768xf32, #tpu.memory_space<hbm>> -> memref<768xf32, #tpu.memory_space<hbm>>
        %dma_wait3A_722 = arith.constant 0 : i32
        %dma_wait3A_723 = tpu.memref_slice %arg4[%add3A_375, %dma_wait3A_722] : memref<4096x768xf32, #tpu.memory_space<hbm>> -> memref<1x768xf32, #tpu.memory_space<hbm>>
        %dma_wait3A_724 = tpu.memref_squeeze %dma_wait3A_723 : memref<1x768xf32, #tpu.memory_space<hbm>> -> memref<768xf32, #tpu.memory_space<hbm>>
        tpu.wait_dma2 semaphore(%run_scoped3A : memref<!tpu.dma_semaphore, #tpu.memory_space<semaphore_mem>>) src(%arg8 : memref<768xf32, #tpu.memory_space<vmem>>) dst(%dma_wait3A_724 : memref<768xf32, #tpu.memory_space<hbm>>)
        tpu.yield
      }) : () -> ()
      %mul3A_376 = arith.constant 2 : i32
      %mul3A_377 = arith.muli %scan3A_44, %mul3A_376 : i32
      %add3A_378 = arith.constant 1 : i32
      %add3A_379 = arith.addi %mul3A_377, %add3A_378 : i32
      %mul3A_380 = arith.constant 152 : i32
      %mul3A_381 = arith.muli %add3A_379, %mul3A_380 : i32
      %multiple_of3A_382 = tpu.assume_multiple %mul3A_381, 8 : i32
      %add3A_383 = arith.constant 104 : i32
      %add3A_384 = arith.addi %multiple_of3A_382, %add3A_383 : i32
      %dma_wait3A_385 = arith.constant 0 : i32
      %dma_wait3A_386 = arith.constant 0 : i32
      %dma_wait3A_387 = tpu.memref_slice %arg7[%dma_wait3A_385, %dma_wait3A_386] : memref<152x256xf32, #tpu.memory_space<vmem>> -> memref<104x256xf32, #tpu.memory_space<vmem>>
      %dma_wait3A_388 = tpu.memref_slice %arg5[%multiple_of3A_382] : memref<19456xi32, #tpu.memory_space<vmem>> -> memref<104xi32, #tpu.memory_space<vmem>>
      %dma_wait3A_389 = arith.constant 0 : i32
      %dma_wait3A_390 = arith.constant 0 : i32
      %dma_wait3A_391 = tpu.memref_slice %arg3[%dma_wait3A_389, %dma_wait3A_390] : memref<96000x256xf32, #tpu.memory_space<hbm>> -> memref<96000x256xf32, #tpu.memory_space<hbm>>
      tpu.wait_indirect_dma semaphore(%arg10 : memref<!tpu.dma_semaphore, #tpu.memory_space<semaphore_mem>>) src(%dma_wait3A_391 : memref<96000x256xf32, #tpu.memory_space<hbm>>) dst(%dma_wait3A_387 : memref<104x256xf32, #tpu.memory_space<vmem>>)
      %dma_wait3A_392 = arith.constant 104 : i32
      %dma_wait3A_393 = arith.constant 0 : i32
      %dma_wait3A_394 = tpu.memref_slice %arg7[%dma_wait3A_392, %dma_wait3A_393] : memref<152x256xf32, #tpu.memory_space<vmem>> -> memref<48x256xf32, #tpu.memory_space<vmem>>
      %dma_wait3A_395 = tpu.memref_slice %arg5[%add3A_384] : memref<19456xi32, #tpu.memory_space<vmem>> -> memref<48xi32, #tpu.memory_space<vmem>>
      %dma_wait3A_396 = arith.constant 0 : i32
      %dma_wait3A_397 = arith.constant 0 : i32
      %dma_wait3A_398 = tpu.memref_slice %arg3[%dma_wait3A_396, %dma_wait3A_397] : memref<96000x256xf32, #tpu.memory_space<hbm>> -> memref<96000x256xf32, #tpu.memory_space<hbm>>
      tpu.wait_indirect_dma semaphore(%arg10 : memref<!tpu.dma_semaphore, #tpu.memory_space<semaphore_mem>>) src(%dma_wait3A_398 : memref<96000x256xf32, #tpu.memory_space<hbm>>) dst(%dma_wait3A_394 : memref<48x256xf32, #tpu.memory_space<vmem>>)
      %broadcast_in_dim3A_399 = arith.constant 0.000000e+00 : f32
      %broadcast_in_dim3A_400 = vector.broadcast %broadcast_in_dim3A_399 : f32 to vector<16xf32>
      %broadcast_in_dim3A_401 = arith.constant 0.000000e+00 : f32
      %broadcast_in_dim3A_402 = vector.broadcast %broadcast_in_dim3A_401 : f32 to vector<16xf32>
      %broadcast_in_dim3A_403 = arith.constant 0.000000e+00 : f32
      %broadcast_in_dim3A_404 = vector.broadcast %broadcast_in_dim3A_403 : f32 to vector<16xf32>
      %broadcast_in_dim3A_405 = arith.constant 0.000000e+00 : f32
      %broadcast_in_dim3A_406 = vector.broadcast %broadcast_in_dim3A_405 : f32 to vector<16xf32>
      %broadcast_in_dim3A_407 = arith.constant 0.000000e+00 : f32
      %broadcast_in_dim3A_408 = vector.broadcast %broadcast_in_dim3A_407 : f32 to vector<16xf32>
      %broadcast_in_dim3A_409 = arith.constant 0.000000e+00 : f32
      %broadcast_in_dim3A_410 = vector.broadcast %broadcast_in_dim3A_409 : f32 to vector<16xf32>
      %broadcast_in_dim3A_411 = arith.constant 0.000000e+00 : f32
      %broadcast_in_dim3A_412 = vector.broadcast %broadcast_in_dim3A_411 : f32 to vector<16xf32>
      %broadcast_in_dim3A_413 = arith.constant 0.000000e+00 : f32
      %broadcast_in_dim3A_414 = vector.broadcast %broadcast_in_dim3A_413 : f32 to vector<16xf32>
      %broadcast_in_dim3A_415 = arith.constant 0.000000e+00 : f32
      %broadcast_in_dim3A_416 = vector.broadcast %broadcast_in_dim3A_415 : f32 to vector<16xf32>
      %broadcast_in_dim3A_417 = arith.constant 0.000000e+00 : f32
      %broadcast_in_dim3A_418 = vector.broadcast %broadcast_in_dim3A_417 : f32 to vector<16xf32>
      %broadcast_in_dim3A_419 = arith.constant 0.000000e+00 : f32
      %broadcast_in_dim3A_420 = vector.broadcast %broadcast_in_dim3A_419 : f32 to vector<16xf32>
      %broadcast_in_dim3A_421 = arith.constant 0.000000e+00 : f32
      %broadcast_in_dim3A_422 = vector.broadcast %broadcast_in_dim3A_421 : f32 to vector<16xf32>
      %broadcast_in_dim3A_423 = arith.constant 0.000000e+00 : f32
      %broadcast_in_dim3A_424 = vector.broadcast %broadcast_in_dim3A_423 : f32 to vector<16xf32>
      %broadcast_in_dim3A_425 = arith.constant 0.000000e+00 : f32
      %broadcast_in_dim3A_426 = vector.broadcast %broadcast_in_dim3A_425 : f32 to vector<16xf32>
      %broadcast_in_dim3A_427 = arith.constant 0.000000e+00 : f32
      %broadcast_in_dim3A_428 = vector.broadcast %broadcast_in_dim3A_427 : f32 to vector<16xf32>
      %broadcast_in_dim3A_429 = arith.constant 0.000000e+00 : f32
      %broadcast_in_dim3A_430 = vector.broadcast %broadcast_in_dim3A_429 : f32 to vector<16xf32>
      %scan3A_431 = arith.constant 0 : i32
      %scan3A_432 = arith.constant 50 : i32
      %scan3A_433 = arith.addi %scan3A_431, %scan3A_432 : i32
      %scan3A_434 = arith.constant 1 : i32
      %scan3A_435:16 = scf.for %scan3A_713 = %scan3A_431 to %scan3A_433 step %scan3A_434 iter_args(%scan3A_714 = %broadcast_in_dim3A_400, %scan3A_715 = %broadcast_in_dim3A_402, %scan3A_716 = %broadcast_in_dim3A_404, %scan3A_717 = %broadcast_in_dim3A_406, %scan3A_718 = %broadcast_in_dim3A_408, %scan3A_719 = %broadcast_in_dim3A_410, %scan3A_720 = %broadcast_in_dim3A_412, %scan3A_721 = %broadcast_in_dim3A_414, %scan3A_722 = %broadcast_in_dim3A_416, %scan3A_723 = %broadcast_in_dim3A_418, %scan3A_724 = %broadcast_in_dim3A_420, %scan3A_725 = %broadcast_in_dim3A_422, %scan3A_726 = %broadcast_in_dim3A_424, %scan3A_727 = %broadcast_in_dim3A_426, %scan3A_728 = %broadcast_in_dim3A_428, %scan3A_729 = %broadcast_in_dim3A_430) -> (vector<16xf32>, vector<16xf32>, vector<16xf32>, vector<16xf32>, vector<16xf32>, vector<16xf32>, vector<16xf32>, vector<16xf32>, vector<16xf32>, vector<16xf32>, vector<16xf32>, vector<16xf32>, vector<16xf32>, vector<16xf32>, vector<16xf32>, vector<16xf32>)  : i32 {
        %mul3A_730 = arith.constant 3 : i32
        %mul3A_731 = arith.muli %scan3A_713, %mul3A_730 : i32
        %add3A_732 = arith.constant 0 : i32
        %add3A_733 = arith.addi %mul3A_731, %add3A_732 : i32
        %get3A = arith.index_cast %add3A_733 : i32 to index
        %get3A_734 = arith.constant 0 : index
        %get3A_735 = tpu.vector_load %arg7[%get3A, %get3A_734] {strides = array<i32>} : memref<152x256xf32, #tpu.memory_space<vmem>>, vector<1x16xf32>,
        %get3A_736 = vector.shape_cast %get3A_735 : vector<1x16xf32> to vector<16xf32>
        %add3A_737 = arith.addf %scan3A_714, %get3A_736 : vector<16xf32>
        %mul3A_738 = arith.constant 3 : i32
        %mul3A_739 = arith.muli %scan3A_713, %mul3A_738 : i32
        %add3A_740 = arith.constant 0 : i32
        %add3A_741 = arith.addi %mul3A_739, %add3A_740 : i32
        %get3A_742 = arith.index_cast %add3A_741 : i32 to index
        %get3A_743 = arith.constant 16 : index
        %get3A_744 = tpu.vector_load %arg7[%get3A_742, %get3A_743] {strides = array<i32>} : memref<152x256xf32, #tpu.memory_space<vmem>>, vector<1x16xf32>,
        %get3A_745 = vector.shape_cast %get3A_744 : vector<1x16xf32> to vector<16xf32>
        %add3A_746 = arith.addf %scan3A_715, %get3A_745 : vector<16xf32>
        %mul3A_747 = arith.constant 3 : i32
        %mul3A_748 = arith.muli %scan3A_713, %mul3A_747 : i32
        %add3A_749 = arith.constant 0 : i32
        %add3A_750 = arith.addi %mul3A_748, %add3A_749 : i32
        %get3A_751 = arith.index_cast %add3A_750 : i32 to index
        %get3A_752 = arith.constant 32 : index
        %get3A_753 = tpu.vector_load %arg7[%get3A_751, %get3A_752] {strides = array<i32>} : memref<152x256xf32, #tpu.memory_space<vmem>>, vector<1x16xf32>,
        %get3A_754 = vector.shape_cast %get3A_753 : vector<1x16xf32> to vector<16xf32>
        %add3A_755 = arith.addf %scan3A_716, %get3A_754 : vector<16xf32>
        %mul3A_756 = arith.constant 3 : i32
        %mul3A_757 = arith.muli %scan3A_713, %mul3A_756 : i32
        %add3A_758 = arith.constant 0 : i32
        %add3A_759 = arith.addi %mul3A_757, %add3A_758 : i32
        %get3A_760 = arith.index_cast %add3A_759 : i32 to index
        %get3A_761 = arith.constant 48 : index
        %get3A_762 = tpu.vector_load %arg7[%get3A_760, %get3A_761] {strides = array<i32>} : memref<152x256xf32, #tpu.memory_space<vmem>>, vector<1x16xf32>,
        %get3A_763 = vector.shape_cast %get3A_762 : vector<1x16xf32> to vector<16xf32>
        %add3A_764 = arith.addf %scan3A_717, %get3A_763 : vector<16xf32>
        %mul3A_765 = arith.constant 3 : i32
        %mul3A_766 = arith.muli %scan3A_713, %mul3A_765 : i32
        %add3A_767 = arith.constant 0 : i32
        %add3A_768 = arith.addi %mul3A_766, %add3A_767 : i32
        %get3A_769 = arith.index_cast %add3A_768 : i32 to index
        %get3A_770 = arith.constant 64 : index
        %get3A_771 = tpu.vector_load %arg7[%get3A_769, %get3A_770] {strides = array<i32>} : memref<152x256xf32, #tpu.memory_space<vmem>>, vector<1x16xf32>,
        %get3A_772 = vector.shape_cast %get3A_771 : vector<1x16xf32> to vector<16xf32>
        %add3A_773 = arith.addf %scan3A_718, %get3A_772 : vector<16xf32>
        %mul3A_774 = arith.constant 3 : i32
        %mul3A_775 = arith.muli %scan3A_713, %mul3A_774 : i32
        %add3A_776 = arith.constant 0 : i32
        %add3A_777 = arith.addi %mul3A_775, %add3A_776 : i32
        %get3A_778 = arith.index_cast %add3A_777 : i32 to index
        %get3A_779 = arith.constant 80 : index
        %get3A_780 = tpu.vector_load %arg7[%get3A_778, %get3A_779] {strides = array<i32>} : memref<152x256xf32, #tpu.memory_space<vmem>>, vector<1x16xf32>,
        %get3A_781 = vector.shape_cast %get3A_780 : vector<1x16xf32> to vector<16xf32>
        %add3A_782 = arith.addf %scan3A_719, %get3A_781 : vector<16xf32>
        %mul3A_783 = arith.constant 3 : i32
        %mul3A_784 = arith.muli %scan3A_713, %mul3A_783 : i32
        %add3A_785 = arith.constant 0 : i32
        %add3A_786 = arith.addi %mul3A_784, %add3A_785 : i32
        %get3A_787 = arith.index_cast %add3A_786 : i32 to index
        %get3A_788 = arith.constant 96 : index
        %get3A_789 = tpu.vector_load %arg7[%get3A_787, %get3A_788] {strides = array<i32>} : memref<152x256xf32, #tpu.memory_space<vmem>>, vector<1x16xf32>,
        %get3A_790 = vector.shape_cast %get3A_789 : vector<1x16xf32> to vector<16xf32>
        %add3A_791 = arith.addf %scan3A_720, %get3A_790 : vector<16xf32>
        %mul3A_792 = arith.constant 3 : i32
        %mul3A_793 = arith.muli %scan3A_713, %mul3A_792 : i32
        %add3A_794 = arith.constant 0 : i32
        %add3A_795 = arith.addi %mul3A_793, %add3A_794 : i32
        %get3A_796 = arith.index_cast %add3A_795 : i32 to index
        %get3A_797 = arith.constant 112 : index
        %get3A_798 = tpu.vector_load %arg7[%get3A_796, %get3A_797] {strides = array<i32>} : memref<152x256xf32, #tpu.memory_space<vmem>>, vector<1x16xf32>,
        %get3A_799 = vector.shape_cast %get3A_798 : vector<1x16xf32> to vector<16xf32>
        %add3A_800 = arith.addf %scan3A_721, %get3A_799 : vector<16xf32>
        %mul3A_801 = arith.constant 3 : i32
        %mul3A_802 = arith.muli %scan3A_713, %mul3A_801 : i32
        %add3A_803 = arith.constant 0 : i32
        %add3A_804 = arith.addi %mul3A_802, %add3A_803 : i32
        %get3A_805 = arith.index_cast %add3A_804 : i32 to index
        %get3A_806 = arith.constant 128 : index
        %get3A_807 = tpu.vector_load %arg7[%get3A_805, %get3A_806] {strides = array<i32>} : memref<152x256xf32, #tpu.memory_space<vmem>>, vector<1x16xf32>,
        %get3A_808 = vector.shape_cast %get3A_807 : vector<1x16xf32> to vector<16xf32>
        %add3A_809 = arith.addf %scan3A_722, %get3A_808 : vector<16xf32>
        %mul3A_810 = arith.constant 3 : i32
        %mul3A_811 = arith.muli %scan3A_713, %mul3A_810 : i32
        %add3A_812 = arith.constant 0 : i32
        %add3A_813 = arith.addi %mul3A_811, %add3A_812 : i32
        %get3A_814 = arith.index_cast %add3A_813 : i32 to index
        %get3A_815 = arith.constant 144 : index
        %get3A_816 = tpu.vector_load %arg7[%get3A_814, %get3A_815] {strides = array<i32>} : memref<152x256xf32, #tpu.memory_space<vmem>>, vector<1x16xf32>,
        %get3A_817 = vector.shape_cast %get3A_816 : vector<1x16xf32> to vector<16xf32>
        %add3A_818 = arith.addf %scan3A_723, %get3A_817 : vector<16xf32>
        %mul3A_819 = arith.constant 3 : i32
        %mul3A_820 = arith.muli %scan3A_713, %mul3A_819 : i32
        %add3A_821 = arith.constant 0 : i32
        %add3A_822 = arith.addi %mul3A_820, %add3A_821 : i32
        %get3A_823 = arith.index_cast %add3A_822 : i32 to index
        %get3A_824 = arith.constant 160 : index
        %get3A_825 = tpu.vector_load %arg7[%get3A_823, %get3A_824] {strides = array<i32>} : memref<152x256xf32, #tpu.memory_space<vmem>>, vector<1x16xf32>,
        %get3A_826 = vector.shape_cast %get3A_825 : vector<1x16xf32> to vector<16xf32>
        %add3A_827 = arith.addf %scan3A_724, %get3A_826 : vector<16xf32>
        %mul3A_828 = arith.constant 3 : i32
        %mul3A_829 = arith.muli %scan3A_713, %mul3A_828 : i32
        %add3A_830 = arith.constant 0 : i32
        %add3A_831 = arith.addi %mul3A_829, %add3A_830 : i32
        %get3A_832 = arith.index_cast %add3A_831 : i32 to index
        %get3A_833 = arith.constant 176 : index
        %get3A_834 = tpu.vector_load %arg7[%get3A_832, %get3A_833] {strides = array<i32>} : memref<152x256xf32, #tpu.memory_space<vmem>>, vector<1x16xf32>,
        %get3A_835 = vector.shape_cast %get3A_834 : vector<1x16xf32> to vector<16xf32>
        %add3A_836 = arith.addf %scan3A_725, %get3A_835 : vector<16xf32>
        %mul3A_837 = arith.constant 3 : i32
        %mul3A_838 = arith.muli %scan3A_713, %mul3A_837 : i32
        %add3A_839 = arith.constant 0 : i32
        %add3A_840 = arith.addi %mul3A_838, %add3A_839 : i32
        %get3A_841 = arith.index_cast %add3A_840 : i32 to index
        %get3A_842 = arith.constant 192 : index
        %get3A_843 = tpu.vector_load %arg7[%get3A_841, %get3A_842] {strides = array<i32>} : memref<152x256xf32, #tpu.memory_space<vmem>>, vector<1x16xf32>,
        %get3A_844 = vector.shape_cast %get3A_843 : vector<1x16xf32> to vector<16xf32>
        %add3A_845 = arith.addf %scan3A_726, %get3A_844 : vector<16xf32>
        %mul3A_846 = arith.constant 3 : i32
        %mul3A_847 = arith.muli %scan3A_713, %mul3A_846 : i32
        %add3A_848 = arith.constant 0 : i32
        %add3A_849 = arith.addi %mul3A_847, %add3A_848 : i32
        %get3A_850 = arith.index_cast %add3A_849 : i32 to index
        %get3A_851 = arith.constant 208 : index
        %get3A_852 = tpu.vector_load %arg7[%get3A_850, %get3A_851] {strides = array<i32>} : memref<152x256xf32, #tpu.memory_space<vmem>>, vector<1x16xf32>,
        %get3A_853 = vector.shape_cast %get3A_852 : vector<1x16xf32> to vector<16xf32>
        %add3A_854 = arith.addf %scan3A_727, %get3A_853 : vector<16xf32>
        %mul3A_855 = arith.constant 3 : i32
        %mul3A_856 = arith.muli %scan3A_713, %mul3A_855 : i32
        %add3A_857 = arith.constant 0 : i32
        %add3A_858 = arith.addi %mul3A_856, %add3A_857 : i32
        %get3A_859 = arith.index_cast %add3A_858 : i32 to index
        %get3A_860 = arith.constant 224 : index
        %get3A_861 = tpu.vector_load %arg7[%get3A_859, %get3A_860] {strides = array<i32>} : memref<152x256xf32, #tpu.memory_space<vmem>>, vector<1x16xf32>,
        %get3A_862 = vector.shape_cast %get3A_861 : vector<1x16xf32> to vector<16xf32>
        %add3A_863 = arith.addf %scan3A_728, %get3A_862 : vector<16xf32>
        %mul3A_864 = arith.constant 3 : i32
        %mul3A_865 = arith.muli %scan3A_713, %mul3A_864 : i32
        %add3A_866 = arith.constant 0 : i32
        %add3A_867 = arith.addi %mul3A_865, %add3A_866 : i32
        %get3A_868 = arith.index_cast %add3A_867 : i32 to index
        %get3A_869 = arith.constant 240 : index
        %get3A_870 = tpu.vector_load %arg7[%get3A_868, %get3A_869] {strides = array<i32>} : memref<152x256xf32, #tpu.memory_space<vmem>>, vector<1x16xf32>,
        %get3A_871 = vector.shape_cast %get3A_870 : vector<1x16xf32> to vector<16xf32>
        %add3A_872 = arith.addf %scan3A_729, %get3A_871 : vector<16xf32>
        scf.yield %add3A_737, %add3A_746, %add3A_755, %add3A_764, %add3A_773, %add3A_782, %add3A_791, %add3A_800, %add3A_809, %add3A_818, %add3A_827, %add3A_836, %add3A_845, %add3A_854, %add3A_863, %add3A_872 : vector<16xf32>, vector<16xf32>, vector<16xf32>, vector<16xf32>, vector<16xf32>, vector<16xf32>, vector<16xf32>, vector<16xf32>, vector<16xf32>, vector<16xf32>, vector<16xf32>, vector<16xf32>, vector<16xf32>, vector<16xf32>, vector<16xf32>, vector<16xf32>
      }
      %scan3A_436 = arith.constant 50 : i32
      %swap3A_437 = arith.constant 0 : index
      %swap3A_438 = tpu.vector_load %arg8[%swap3A_437] {strides = array<i32>} : memref<768xf32, #tpu.memory_space<vmem>>, vector<16xf32>,
      %swap3A_439 = vector.shape_cast %swap3A_438 : vector<16xf32> to vector<16xf32>
      %swap3A_440 = vector.shape_cast %scan3A_435#0 : vector<16xf32> to vector<16xf32>
      tpu.vector_store %arg8[%swap3A_437], %swap3A_440 {strides = array<i32>} : memref<768xf32, #tpu.memory_space<vmem>>, vector<16xf32>,
      %swap3A_441 = arith.constant 16 : index
      %swap3A_442 = tpu.vector_load %arg8[%swap3A_441] {strides = array<i32>} : memref<768xf32, #tpu.memory_space<vmem>>, vector<16xf32>,
      %swap3A_443 = vector.shape_cast %swap3A_442 : vector<16xf32> to vector<16xf32>
      %swap3A_444 = vector.shape_cast %scan3A_435#1 : vector<16xf32> to vector<16xf32>
      tpu.vector_store %arg8[%swap3A_441], %swap3A_444 {strides = array<i32>} : memref<768xf32, #tpu.memory_space<vmem>>, vector<16xf32>,
      %swap3A_445 = arith.constant 32 : index
      %swap3A_446 = tpu.vector_load %arg8[%swap3A_445] {strides = array<i32>} : memref<768xf32, #tpu.memory_space<vmem>>, vector<16xf32>,
      %swap3A_447 = vector.shape_cast %swap3A_446 : vector<16xf32> to vector<16xf32>
      %swap3A_448 = vector.shape_cast %scan3A_435#2 : vector<16xf32> to vector<16xf32>
      tpu.vector_store %arg8[%swap3A_445], %swap3A_448 {strides = array<i32>} : memref<768xf32, #tpu.memory_space<vmem>>, vector<16xf32>,
      %swap3A_449 = arith.constant 48 : index
      %swap3A_450 = tpu.vector_load %arg8[%swap3A_449] {strides = array<i32>} : memref<768xf32, #tpu.memory_space<vmem>>, vector<16xf32>,
      %swap3A_451 = vector.shape_cast %swap3A_450 : vector<16xf32> to vector<16xf32>
      %swap3A_452 = vector.shape_cast %scan3A_435#3 : vector<16xf32> to vector<16xf32>
      tpu.vector_store %arg8[%swap3A_449], %swap3A_452 {strides = array<i32>} : memref<768xf32, #tpu.memory_space<vmem>>, vector<16xf32>,
      %swap3A_453 = arith.constant 64 : index
      %swap3A_454 = tpu.vector_load %arg8[%swap3A_453] {strides = array<i32>} : memref<768xf32, #tpu.memory_space<vmem>>, vector<16xf32>,
      %swap3A_455 = vector.shape_cast %swap3A_454 : vector<16xf32> to vector<16xf32>
      %swap3A_456 = vector.shape_cast %scan3A_435#4 : vector<16xf32> to vector<16xf32>
      tpu.vector_store %arg8[%swap3A_453], %swap3A_456 {strides = array<i32>} : memref<768xf32, #tpu.memory_space<vmem>>, vector<16xf32>,
      %swap3A_457 = arith.constant 80 : index
      %swap3A_458 = tpu.vector_load %arg8[%swap3A_457] {strides = array<i32>} : memref<768xf32, #tpu.memory_space<vmem>>, vector<16xf32>,
      %swap3A_459 = vector.shape_cast %swap3A_458 : vector<16xf32> to vector<16xf32>
      %swap3A_460 = vector.shape_cast %scan3A_435#5 : vector<16xf32> to vector<16xf32>
      tpu.vector_store %arg8[%swap3A_457], %swap3A_460 {strides = array<i32>} : memref<768xf32, #tpu.memory_space<vmem>>, vector<16xf32>,
      %swap3A_461 = arith.constant 96 : index
      %swap3A_462 = tpu.vector_load %arg8[%swap3A_461] {strides = array<i32>} : memref<768xf32, #tpu.memory_space<vmem>>, vector<16xf32>,
      %swap3A_463 = vector.shape_cast %swap3A_462 : vector<16xf32> to vector<16xf32>
      %swap3A_464 = vector.shape_cast %scan3A_435#6 : vector<16xf32> to vector<16xf32>
      tpu.vector_store %arg8[%swap3A_461], %swap3A_464 {strides = array<i32>} : memref<768xf32, #tpu.memory_space<vmem>>, vector<16xf32>,
      %swap3A_465 = arith.constant 112 : index
      %swap3A_466 = tpu.vector_load %arg8[%swap3A_465] {strides = array<i32>} : memref<768xf32, #tpu.memory_space<vmem>>, vector<16xf32>,
      %swap3A_467 = vector.shape_cast %swap3A_466 : vector<16xf32> to vector<16xf32>
      %swap3A_468 = vector.shape_cast %scan3A_435#7 : vector<16xf32> to vector<16xf32>
      tpu.vector_store %arg8[%swap3A_465], %swap3A_468 {strides = array<i32>} : memref<768xf32, #tpu.memory_space<vmem>>, vector<16xf32>,
      %swap3A_469 = arith.constant 128 : index
      %swap3A_470 = tpu.vector_load %arg8[%swap3A_469] {strides = array<i32>} : memref<768xf32, #tpu.memory_space<vmem>>, vector<16xf32>,
      %swap3A_471 = vector.shape_cast %swap3A_470 : vector<16xf32> to vector<16xf32>
      %swap3A_472 = vector.shape_cast %scan3A_435#8 : vector<16xf32> to vector<16xf32>
      tpu.vector_store %arg8[%swap3A_469], %swap3A_472 {strides = array<i32>} : memref<768xf32, #tpu.memory_space<vmem>>, vector<16xf32>,
      %swap3A_473 = arith.constant 144 : index
      %swap3A_474 = tpu.vector_load %arg8[%swap3A_473] {strides = array<i32>} : memref<768xf32, #tpu.memory_space<vmem>>, vector<16xf32>,
      %swap3A_475 = vector.shape_cast %swap3A_474 : vector<16xf32> to vector<16xf32>
      %swap3A_476 = vector.shape_cast %scan3A_435#9 : vector<16xf32> to vector<16xf32>
      tpu.vector_store %arg8[%swap3A_473], %swap3A_476 {strides = array<i32>} : memref<768xf32, #tpu.memory_space<vmem>>, vector<16xf32>,
      %swap3A_477 = arith.constant 160 : index
      %swap3A_478 = tpu.vector_load %arg8[%swap3A_477] {strides = array<i32>} : memref<768xf32, #tpu.memory_space<vmem>>, vector<16xf32>,
      %swap3A_479 = vector.shape_cast %swap3A_478 : vector<16xf32> to vector<16xf32>
      %swap3A_480 = vector.shape_cast %scan3A_435#10 : vector<16xf32> to vector<16xf32>
      tpu.vector_store %arg8[%swap3A_477], %swap3A_480 {strides = array<i32>} : memref<768xf32, #tpu.memory_space<vmem>>, vector<16xf32>,
      %swap3A_481 = arith.constant 176 : index
      %swap3A_482 = tpu.vector_load %arg8[%swap3A_481] {strides = array<i32>} : memref<768xf32, #tpu.memory_space<vmem>>, vector<16xf32>,
      %swap3A_483 = vector.shape_cast %swap3A_482 : vector<16xf32> to vector<16xf32>
      %swap3A_484 = vector.shape_cast %scan3A_435#11 : vector<16xf32> to vector<16xf32>
      tpu.vector_store %arg8[%swap3A_481], %swap3A_484 {strides = array<i32>} : memref<768xf32, #tpu.memory_space<vmem>>, vector<16xf32>,
      %swap3A_485 = arith.constant 192 : index
      %swap3A_486 = tpu.vector_load %arg8[%swap3A_485] {strides = array<i32>} : memref<768xf32, #tpu.memory_space<vmem>>, vector<16xf32>,
      %swap3A_487 = vector.shape_cast %swap3A_486 : vector<16xf32> to vector<16xf32>
      %swap3A_488 = vector.shape_cast %scan3A_435#12 : vector<16xf32> to vector<16xf32>
      tpu.vector_store %arg8[%swap3A_485], %swap3A_488 {strides = array<i32>} : memref<768xf32, #tpu.memory_space<vmem>>, vector<16xf32>,
      %swap3A_489 = arith.constant 208 : index
      %swap3A_490 = tpu.vector_load %arg8[%swap3A_489] {strides = array<i32>} : memref<768xf32, #tpu.memory_space<vmem>>, vector<16xf32>,
      %swap3A_491 = vector.shape_cast %swap3A_490 : vector<16xf32> to vector<16xf32>
      %swap3A_492 = vector.shape_cast %scan3A_435#13 : vector<16xf32> to vector<16xf32>
      tpu.vector_store %arg8[%swap3A_489], %swap3A_492 {strides = array<i32>} : memref<768xf32, #tpu.memory_space<vmem>>, vector<16xf32>,
      %swap3A_493 = arith.constant 224 : index
      %swap3A_494 = tpu.vector_load %arg8[%swap3A_493] {strides = array<i32>} : memref<768xf32, #tpu.memory_space<vmem>>, vector<16xf32>,
      %swap3A_495 = vector.shape_cast %swap3A_494 : vector<16xf32> to vector<16xf32>
      %swap3A_496 = vector.shape_cast %scan3A_435#14 : vector<16xf32> to vector<16xf32>
      tpu.vector_store %arg8[%swap3A_493], %swap3A_496 {strides = array<i32>} : memref<768xf32, #tpu.memory_space<vmem>>, vector<16xf32>,
      %swap3A_497 = arith.constant 240 : index
      %swap3A_498 = tpu.vector_load %arg8[%swap3A_497] {strides = array<i32>} : memref<768xf32, #tpu.memory_space<vmem>>, vector<16xf32>,
      %swap3A_499 = vector.shape_cast %swap3A_498 : vector<16xf32> to vector<16xf32>
      %swap3A_500 = vector.shape_cast %scan3A_435#15 : vector<16xf32> to vector<16xf32>
      tpu.vector_store %arg8[%swap3A_497], %swap3A_500 {strides = array<i32>} : memref<768xf32, #tpu.memory_space<vmem>>, vector<16xf32>,
      %broadcast_in_dim3A_501 = arith.constant 0.000000e+00 : f32
      %broadcast_in_dim3A_502 = vector.broadcast %broadcast_in_dim3A_501 : f32 to vector<16xf32>
      %broadcast_in_dim3A_503 = arith.constant 0.000000e+00 : f32
      %broadcast_in_dim3A_504 = vector.broadcast %broadcast_in_dim3A_503 : f32 to vector<16xf32>
      %broadcast_in_dim3A_505 = arith.constant 0.000000e+00 : f32
      %broadcast_in_dim3A_506 = vector.broadcast %broadcast_in_dim3A_505 : f32 to vector<16xf32>
      %broadcast_in_dim3A_507 = arith.constant 0.000000e+00 : f32
      %broadcast_in_dim3A_508 = vector.broadcast %broadcast_in_dim3A_507 : f32 to vector<16xf32>
      %broadcast_in_dim3A_509 = arith.constant 0.000000e+00 : f32
      %broadcast_in_dim3A_510 = vector.broadcast %broadcast_in_dim3A_509 : f32 to vector<16xf32>
      %broadcast_in_dim3A_511 = arith.constant 0.000000e+00 : f32
      %broadcast_in_dim3A_512 = vector.broadcast %broadcast_in_dim3A_511 : f32 to vector<16xf32>
      %broadcast_in_dim3A_513 = arith.constant 0.000000e+00 : f32
      %broadcast_in_dim3A_514 = vector.broadcast %broadcast_in_dim3A_513 : f32 to vector<16xf32>
      %broadcast_in_dim3A_515 = arith.constant 0.000000e+00 : f32
      %broadcast_in_dim3A_516 = vector.broadcast %broadcast_in_dim3A_515 : f32 to vector<16xf32>
      %broadcast_in_dim3A_517 = arith.constant 0.000000e+00 : f32
      %broadcast_in_dim3A_518 = vector.broadcast %broadcast_in_dim3A_517 : f32 to vector<16xf32>
      %broadcast_in_dim3A_519 = arith.constant 0.000000e+00 : f32
      %broadcast_in_dim3A_520 = vector.broadcast %broadcast_in_dim3A_519 : f32 to vector<16xf32>
      %broadcast_in_dim3A_521 = arith.constant 0.000000e+00 : f32
      %broadcast_in_dim3A_522 = vector.broadcast %broadcast_in_dim3A_521 : f32 to vector<16xf32>
      %broadcast_in_dim3A_523 = arith.constant 0.000000e+00 : f32
      %broadcast_in_dim3A_524 = vector.broadcast %broadcast_in_dim3A_523 : f32 to vector<16xf32>
      %broadcast_in_dim3A_525 = arith.constant 0.000000e+00 : f32
      %broadcast_in_dim3A_526 = vector.broadcast %broadcast_in_dim3A_525 : f32 to vector<16xf32>
      %broadcast_in_dim3A_527 = arith.constant 0.000000e+00 : f32
      %broadcast_in_dim3A_528 = vector.broadcast %broadcast_in_dim3A_527 : f32 to vector<16xf32>
      %broadcast_in_dim3A_529 = arith.constant 0.000000e+00 : f32
      %broadcast_in_dim3A_530 = vector.broadcast %broadcast_in_dim3A_529 : f32 to vector<16xf32>
      %broadcast_in_dim3A_531 = arith.constant 0.000000e+00 : f32
      %broadcast_in_dim3A_532 = vector.broadcast %broadcast_in_dim3A_531 : f32 to vector<16xf32>
      %scan3A_533 = arith.constant 0 : i32
      %scan3A_534 = arith.constant 50 : i32
      %scan3A_535 = arith.addi %scan3A_533, %scan3A_534 : i32
      %scan3A_536 = arith.constant 1 : i32
      %scan3A_537:16 = scf.for %scan3A_713 = %scan3A_533 to %scan3A_535 step %scan3A_536 iter_args(%scan3A_714 = %broadcast_in_dim3A_502, %scan3A_715 = %broadcast_in_dim3A_504, %scan3A_716 = %broadcast_in_dim3A_506, %scan3A_717 = %broadcast_in_dim3A_508, %scan3A_718 = %broadcast_in_dim3A_510, %scan3A_719 = %broadcast_in_dim3A_512, %scan3A_720 = %broadcast_in_dim3A_514, %scan3A_721 = %broadcast_in_dim3A_516, %scan3A_722 = %broadcast_in_dim3A_518, %scan3A_723 = %broadcast_in_dim3A_520, %scan3A_724 = %broadcast_in_dim3A_522, %scan3A_725 = %broadcast_in_dim3A_524, %scan3A_726 = %broadcast_in_dim3A_526, %scan3A_727 = %broadcast_in_dim3A_528, %scan3A_728 = %broadcast_in_dim3A_530, %scan3A_729 = %broadcast_in_dim3A_532) -> (vector<16xf32>, vector<16xf32>, vector<16xf32>, vector<16xf32>, vector<16xf32>, vector<16xf32>, vector<16xf32>, vector<16xf32>, vector<16xf32>, vector<16xf32>, vector<16xf32>, vector<16xf32>, vector<16xf32>, vector<16xf32>, vector<16xf32>, vector<16xf32>)  : i32 {
        %mul3A_730 = arith.constant 3 : i32
        %mul3A_731 = arith.muli %scan3A_713, %mul3A_730 : i32
        %add3A_732 = arith.constant 1 : i32
        %add3A_733 = arith.addi %mul3A_731, %add3A_732 : i32
        %get3A = arith.index_cast %add3A_733 : i32 to index
        %get3A_734 = arith.constant 0 : index
        %get3A_735 = tpu.vector_load %arg7[%get3A, %get3A_734] {strides = array<i32>} : memref<152x256xf32, #tpu.memory_space<vmem>>, vector<1x16xf32>,
        %get3A_736 = vector.shape_cast %get3A_735 : vector<1x16xf32> to vector<16xf32>
        %add3A_737 = arith.addf %scan3A_714, %get3A_736 : vector<16xf32>
        %mul3A_738 = arith.constant 3 : i32
        %mul3A_739 = arith.muli %scan3A_713, %mul3A_738 : i32
        %add3A_740 = arith.constant 1 : i32
        %add3A_741 = arith.addi %mul3A_739, %add3A_740 : i32
        %get3A_742 = arith.index_cast %add3A_741 : i32 to index
        %get3A_743 = arith.constant 16 : index
        %get3A_744 = tpu.vector_load %arg7[%get3A_742, %get3A_743] {strides = array<i32>} : memref<152x256xf32, #tpu.memory_space<vmem>>, vector<1x16xf32>,
        %get3A_745 = vector.shape_cast %get3A_744 : vector<1x16xf32> to vector<16xf32>
        %add3A_746 = arith.addf %scan3A_715, %get3A_745 : vector<16xf32>
        %mul3A_747 = arith.constant 3 : i32
        %mul3A_748 = arith.muli %scan3A_713, %mul3A_747 : i32
        %add3A_749 = arith.constant 1 : i32
        %add3A_750 = arith.addi %mul3A_748, %add3A_749 : i32
        %get3A_751 = arith.index_cast %add3A_750 : i32 to index
        %get3A_752 = arith.constant 32 : index
        %get3A_753 = tpu.vector_load %arg7[%get3A_751, %get3A_752] {strides = array<i32>} : memref<152x256xf32, #tpu.memory_space<vmem>>, vector<1x16xf32>,
        %get3A_754 = vector.shape_cast %get3A_753 : vector<1x16xf32> to vector<16xf32>
        %add3A_755 = arith.addf %scan3A_716, %get3A_754 : vector<16xf32>
        %mul3A_756 = arith.constant 3 : i32
        %mul3A_757 = arith.muli %scan3A_713, %mul3A_756 : i32
        %add3A_758 = arith.constant 1 : i32
        %add3A_759 = arith.addi %mul3A_757, %add3A_758 : i32
        %get3A_760 = arith.index_cast %add3A_759 : i32 to index
        %get3A_761 = arith.constant 48 : index
        %get3A_762 = tpu.vector_load %arg7[%get3A_760, %get3A_761] {strides = array<i32>} : memref<152x256xf32, #tpu.memory_space<vmem>>, vector<1x16xf32>,
        %get3A_763 = vector.shape_cast %get3A_762 : vector<1x16xf32> to vector<16xf32>
        %add3A_764 = arith.addf %scan3A_717, %get3A_763 : vector<16xf32>
        %mul3A_765 = arith.constant 3 : i32
        %mul3A_766 = arith.muli %scan3A_713, %mul3A_765 : i32
        %add3A_767 = arith.constant 1 : i32
        %add3A_768 = arith.addi %mul3A_766, %add3A_767 : i32
        %get3A_769 = arith.index_cast %add3A_768 : i32 to index
        %get3A_770 = arith.constant 64 : index
        %get3A_771 = tpu.vector_load %arg7[%get3A_769, %get3A_770] {strides = array<i32>} : memref<152x256xf32, #tpu.memory_space<vmem>>, vector<1x16xf32>,
        %get3A_772 = vector.shape_cast %get3A_771 : vector<1x16xf32> to vector<16xf32>
        %add3A_773 = arith.addf %scan3A_718, %get3A_772 : vector<16xf32>
        %mul3A_774 = arith.constant 3 : i32
        %mul3A_775 = arith.muli %scan3A_713, %mul3A_774 : i32
        %add3A_776 = arith.constant 1 : i32
        %add3A_777 = arith.addi %mul3A_775, %add3A_776 : i32
        %get3A_778 = arith.index_cast %add3A_777 : i32 to index
        %get3A_779 = arith.constant 80 : index
        %get3A_780 = tpu.vector_load %arg7[%get3A_778, %get3A_779] {strides = array<i32>} : memref<152x256xf32, #tpu.memory_space<vmem>>, vector<1x16xf32>,
        %get3A_781 = vector.shape_cast %get3A_780 : vector<1x16xf32> to vector<16xf32>
        %add3A_782 = arith.addf %scan3A_719, %get3A_781 : vector<16xf32>
        %mul3A_783 = arith.constant 3 : i32
        %mul3A_784 = arith.muli %scan3A_713, %mul3A_783 : i32
        %add3A_785 = arith.constant 1 : i32
        %add3A_786 = arith.addi %mul3A_784, %add3A_785 : i32
        %get3A_787 = arith.index_cast %add3A_786 : i32 to index
        %get3A_788 = arith.constant 96 : index
        %get3A_789 = tpu.vector_load %arg7[%get3A_787, %get3A_788] {strides = array<i32>} : memref<152x256xf32, #tpu.memory_space<vmem>>, vector<1x16xf32>,
        %get3A_790 = vector.shape_cast %get3A_789 : vector<1x16xf32> to vector<16xf32>
        %add3A_791 = arith.addf %scan3A_720, %get3A_790 : vector<16xf32>
        %mul3A_792 = arith.constant 3 : i32
        %mul3A_793 = arith.muli %scan3A_713, %mul3A_792 : i32
        %add3A_794 = arith.constant 1 : i32
        %add3A_795 = arith.addi %mul3A_793, %add3A_794 : i32
        %get3A_796 = arith.index_cast %add3A_795 : i32 to index
        %get3A_797 = arith.constant 112 : index
        %get3A_798 = tpu.vector_load %arg7[%get3A_796, %get3A_797] {strides = array<i32>} : memref<152x256xf32, #tpu.memory_space<vmem>>, vector<1x16xf32>,
        %get3A_799 = vector.shape_cast %get3A_798 : vector<1x16xf32> to vector<16xf32>
        %add3A_800 = arith.addf %scan3A_721, %get3A_799 : vector<16xf32>
        %mul3A_801 = arith.constant 3 : i32
        %mul3A_802 = arith.muli %scan3A_713, %mul3A_801 : i32
        %add3A_803 = arith.constant 1 : i32
        %add3A_804 = arith.addi %mul3A_802, %add3A_803 : i32
        %get3A_805 = arith.index_cast %add3A_804 : i32 to index
        %get3A_806 = arith.constant 128 : index
        %get3A_807 = tpu.vector_load %arg7[%get3A_805, %get3A_806] {strides = array<i32>} : memref<152x256xf32, #tpu.memory_space<vmem>>, vector<1x16xf32>,
        %get3A_808 = vector.shape_cast %get3A_807 : vector<1x16xf32> to vector<16xf32>
        %add3A_809 = arith.addf %scan3A_722, %get3A_808 : vector<16xf32>
        %mul3A_810 = arith.constant 3 : i32
        %mul3A_811 = arith.muli %scan3A_713, %mul3A_810 : i32
        %add3A_812 = arith.constant 1 : i32
        %add3A_813 = arith.addi %mul3A_811, %add3A_812 : i32
        %get3A_814 = arith.index_cast %add3A_813 : i32 to index
        %get3A_815 = arith.constant 144 : index
        %get3A_816 = tpu.vector_load %arg7[%get3A_814, %get3A_815] {strides = array<i32>} : memref<152x256xf32, #tpu.memory_space<vmem>>, vector<1x16xf32>,
        %get3A_817 = vector.shape_cast %get3A_816 : vector<1x16xf32> to vector<16xf32>
        %add3A_818 = arith.addf %scan3A_723, %get3A_817 : vector<16xf32>
        %mul3A_819 = arith.constant 3 : i32
        %mul3A_820 = arith.muli %scan3A_713, %mul3A_819 : i32
        %add3A_821 = arith.constant 1 : i32
        %add3A_822 = arith.addi %mul3A_820, %add3A_821 : i32
        %get3A_823 = arith.index_cast %add3A_822 : i32 to index
        %get3A_824 = arith.constant 160 : index
        %get3A_825 = tpu.vector_load %arg7[%get3A_823, %get3A_824] {strides = array<i32>} : memref<152x256xf32, #tpu.memory_space<vmem>>, vector<1x16xf32>,
        %get3A_826 = vector.shape_cast %get3A_825 : vector<1x16xf32> to vector<16xf32>
        %add3A_827 = arith.addf %scan3A_724, %get3A_826 : vector<16xf32>
        %mul3A_828 = arith.constant 3 : i32
        %mul3A_829 = arith.muli %scan3A_713, %mul3A_828 : i32
        %add3A_830 = arith.constant 1 : i32
        %add3A_831 = arith.addi %mul3A_829, %add3A_830 : i32
        %get3A_832 = arith.index_cast %add3A_831 : i32 to index
        %get3A_833 = arith.constant 176 : index
        %get3A_834 = tpu.vector_load %arg7[%get3A_832, %get3A_833] {strides = array<i32>} : memref<152x256xf32, #tpu.memory_space<vmem>>, vector<1x16xf32>,
        %get3A_835 = vector.shape_cast %get3A_834 : vector<1x16xf32> to vector<16xf32>
        %add3A_836 = arith.addf %scan3A_725, %get3A_835 : vector<16xf32>
        %mul3A_837 = arith.constant 3 : i32
        %mul3A_838 = arith.muli %scan3A_713, %mul3A_837 : i32
        %add3A_839 = arith.constant 1 : i32
        %add3A_840 = arith.addi %mul3A_838, %add3A_839 : i32
        %get3A_841 = arith.index_cast %add3A_840 : i32 to index
        %get3A_842 = arith.constant 192 : index
        %get3A_843 = tpu.vector_load %arg7[%get3A_841, %get3A_842] {strides = array<i32>} : memref<152x256xf32, #tpu.memory_space<vmem>>, vector<1x16xf32>,
        %get3A_844 = vector.shape_cast %get3A_843 : vector<1x16xf32> to vector<16xf32>
        %add3A_845 = arith.addf %scan3A_726, %get3A_844 : vector<16xf32>
        %mul3A_846 = arith.constant 3 : i32
        %mul3A_847 = arith.muli %scan3A_713, %mul3A_846 : i32
        %add3A_848 = arith.constant 1 : i32
        %add3A_849 = arith.addi %mul3A_847, %add3A_848 : i32
        %get3A_850 = arith.index_cast %add3A_849 : i32 to index
        %get3A_851 = arith.constant 208 : index
        %get3A_852 = tpu.vector_load %arg7[%get3A_850, %get3A_851] {strides = array<i32>} : memref<152x256xf32, #tpu.memory_space<vmem>>, vector<1x16xf32>,
        %get3A_853 = vector.shape_cast %get3A_852 : vector<1x16xf32> to vector<16xf32>
        %add3A_854 = arith.addf %scan3A_727, %get3A_853 : vector<16xf32>
        %mul3A_855 = arith.constant 3 : i32
        %mul3A_856 = arith.muli %scan3A_713, %mul3A_855 : i32
        %add3A_857 = arith.constant 1 : i32
        %add3A_858 = arith.addi %mul3A_856, %add3A_857 : i32
        %get3A_859 = arith.index_cast %add3A_858 : i32 to index
        %get3A_860 = arith.constant 224 : index
        %get3A_861 = tpu.vector_load %arg7[%get3A_859, %get3A_860] {strides = array<i32>} : memref<152x256xf32, #tpu.memory_space<vmem>>, vector<1x16xf32>,
        %get3A_862 = vector.shape_cast %get3A_861 : vector<1x16xf32> to vector<16xf32>
        %add3A_863 = arith.addf %scan3A_728, %get3A_862 : vector<16xf32>
        %mul3A_864 = arith.constant 3 : i32
        %mul3A_865 = arith.muli %scan3A_713, %mul3A_864 : i32
        %add3A_866 = arith.constant 1 : i32
        %add3A_867 = arith.addi %mul3A_865, %add3A_866 : i32
        %get3A_868 = arith.index_cast %add3A_867 : i32 to index
        %get3A_869 = arith.constant 240 : index
        %get3A_870 = tpu.vector_load %arg7[%get3A_868, %get3A_869] {strides = array<i32>} : memref<152x256xf32, #tpu.memory_space<vmem>>, vector<1x16xf32>,
        %get3A_871 = vector.shape_cast %get3A_870 : vector<1x16xf32> to vector<16xf32>
        %add3A_872 = arith.addf %scan3A_729, %get3A_871 : vector<16xf32>
        scf.yield %add3A_737, %add3A_746, %add3A_755, %add3A_764, %add3A_773, %add3A_782, %add3A_791, %add3A_800, %add3A_809, %add3A_818, %add3A_827, %add3A_836, %add3A_845, %add3A_854, %add3A_863, %add3A_872 : vector<16xf32>, vector<16xf32>, vector<16xf32>, vector<16xf32>, vector<16xf32>, vector<16xf32>, vector<16xf32>, vector<16xf32>, vector<16xf32>, vector<16xf32>, vector<16xf32>, vector<16xf32>, vector<16xf32>, vector<16xf32>, vector<16xf32>, vector<16xf32>
      }
      %scan3A_538 = arith.constant 50 : i32
      %swap3A_539 = arith.constant 256 : index
      %swap3A_540 = tpu.vector_load %arg8[%swap3A_539] {strides = array<i32>} : memref<768xf32, #tpu.memory_space<vmem>>, vector<16xf32>,
      %swap3A_541 = vector.shape_cast %swap3A_540 : vector<16xf32> to vector<16xf32>
      %swap3A_542 = vector.shape_cast %scan3A_537#0 : vector<16xf32> to vector<16xf32>
      tpu.vector_store %arg8[%swap3A_539], %swap3A_542 {strides = array<i32>} : memref<768xf32, #tpu.memory_space<vmem>>, vector<16xf32>,
      %swap3A_543 = arith.constant 272 : index
      %swap3A_544 = tpu.vector_load %arg8[%swap3A_543] {strides = array<i32>} : memref<768xf32, #tpu.memory_space<vmem>>, vector<16xf32>,
      %swap3A_545 = vector.shape_cast %swap3A_544 : vector<16xf32> to vector<16xf32>
      %swap3A_546 = vector.shape_cast %scan3A_537#1 : vector<16xf32> to vector<16xf32>
      tpu.vector_store %arg8[%swap3A_543], %swap3A_546 {strides = array<i32>} : memref<768xf32, #tpu.memory_space<vmem>>, vector<16xf32>,
      %swap3A_547 = arith.constant 288 : index
      %swap3A_548 = tpu.vector_load %arg8[%swap3A_547] {strides = array<i32>} : memref<768xf32, #tpu.memory_space<vmem>>, vector<16xf32>,
      %swap3A_549 = vector.shape_cast %swap3A_548 : vector<16xf32> to vector<16xf32>
      %swap3A_550 = vector.shape_cast %scan3A_537#2 : vector<16xf32> to vector<16xf32>
      tpu.vector_store %arg8[%swap3A_547], %swap3A_550 {strides = array<i32>} : memref<768xf32, #tpu.memory_space<vmem>>, vector<16xf32>,
      %swap3A_551 = arith.constant 304 : index
      %swap3A_552 = tpu.vector_load %arg8[%swap3A_551] {strides = array<i32>} : memref<768xf32, #tpu.memory_space<vmem>>, vector<16xf32>,
      %swap3A_553 = vector.shape_cast %swap3A_552 : vector<16xf32> to vector<16xf32>
      %swap3A_554 = vector.shape_cast %scan3A_537#3 : vector<16xf32> to vector<16xf32>
      tpu.vector_store %arg8[%swap3A_551], %swap3A_554 {strides = array<i32>} : memref<768xf32, #tpu.memory_space<vmem>>, vector<16xf32>,
      %swap3A_555 = arith.constant 320 : index
      %swap3A_556 = tpu.vector_load %arg8[%swap3A_555] {strides = array<i32>} : memref<768xf32, #tpu.memory_space<vmem>>, vector<16xf32>,
      %swap3A_557 = vector.shape_cast %swap3A_556 : vector<16xf32> to vector<16xf32>
      %swap3A_558 = vector.shape_cast %scan3A_537#4 : vector<16xf32> to vector<16xf32>
      tpu.vector_store %arg8[%swap3A_555], %swap3A_558 {strides = array<i32>} : memref<768xf32, #tpu.memory_space<vmem>>, vector<16xf32>,
      %swap3A_559 = arith.constant 336 : index
      %swap3A_560 = tpu.vector_load %arg8[%swap3A_559] {strides = array<i32>} : memref<768xf32, #tpu.memory_space<vmem>>, vector<16xf32>,
      %swap3A_561 = vector.shape_cast %swap3A_560 : vector<16xf32> to vector<16xf32>
      %swap3A_562 = vector.shape_cast %scan3A_537#5 : vector<16xf32> to vector<16xf32>
      tpu.vector_store %arg8[%swap3A_559], %swap3A_562 {strides = array<i32>} : memref<768xf32, #tpu.memory_space<vmem>>, vector<16xf32>,
      %swap3A_563 = arith.constant 352 : index
      %swap3A_564 = tpu.vector_load %arg8[%swap3A_563] {strides = array<i32>} : memref<768xf32, #tpu.memory_space<vmem>>, vector<16xf32>,
      %swap3A_565 = vector.shape_cast %swap3A_564 : vector<16xf32> to vector<16xf32>
      %swap3A_566 = vector.shape_cast %scan3A_537#6 : vector<16xf32> to vector<16xf32>
      tpu.vector_store %arg8[%swap3A_563], %swap3A_566 {strides = array<i32>} : memref<768xf32, #tpu.memory_space<vmem>>, vector<16xf32>,
      %swap3A_567 = arith.constant 368 : index
      %swap3A_568 = tpu.vector_load %arg8[%swap3A_567] {strides = array<i32>} : memref<768xf32, #tpu.memory_space<vmem>>, vector<16xf32>,
      %swap3A_569 = vector.shape_cast %swap3A_568 : vector<16xf32> to vector<16xf32>
      %swap3A_570 = vector.shape_cast %scan3A_537#7 : vector<16xf32> to vector<16xf32>
      tpu.vector_store %arg8[%swap3A_567], %swap3A_570 {strides = array<i32>} : memref<768xf32, #tpu.memory_space<vmem>>, vector<16xf32>,
      %swap3A_571 = arith.constant 384 : index
      %swap3A_572 = tpu.vector_load %arg8[%swap3A_571] {strides = array<i32>} : memref<768xf32, #tpu.memory_space<vmem>>, vector<16xf32>,
      %swap3A_573 = vector.shape_cast %swap3A_572 : vector<16xf32> to vector<16xf32>
      %swap3A_574 = vector.shape_cast %scan3A_537#8 : vector<16xf32> to vector<16xf32>
      tpu.vector_store %arg8[%swap3A_571], %swap3A_574 {strides = array<i32>} : memref<768xf32, #tpu.memory_space<vmem>>, vector<16xf32>,
      %swap3A_575 = arith.constant 400 : index
      %swap3A_576 = tpu.vector_load %arg8[%swap3A_575] {strides = array<i32>} : memref<768xf32, #tpu.memory_space<vmem>>, vector<16xf32>,
      %swap3A_577 = vector.shape_cast %swap3A_576 : vector<16xf32> to vector<16xf32>
      %swap3A_578 = vector.shape_cast %scan3A_537#9 : vector<16xf32> to vector<16xf32>
      tpu.vector_store %arg8[%swap3A_575], %swap3A_578 {strides = array<i32>} : memref<768xf32, #tpu.memory_space<vmem>>, vector<16xf32>,
      %swap3A_579 = arith.constant 416 : index
      %swap3A_580 = tpu.vector_load %arg8[%swap3A_579] {strides = array<i32>} : memref<768xf32, #tpu.memory_space<vmem>>, vector<16xf32>,
      %swap3A_581 = vector.shape_cast %swap3A_580 : vector<16xf32> to vector<16xf32>
      %swap3A_582 = vector.shape_cast %scan3A_537#10 : vector<16xf32> to vector<16xf32>
      tpu.vector_store %arg8[%swap3A_579], %swap3A_582 {strides = array<i32>} : memref<768xf32, #tpu.memory_space<vmem>>, vector<16xf32>,
      %swap3A_583 = arith.constant 432 : index
      %swap3A_584 = tpu.vector_load %arg8[%swap3A_583] {strides = array<i32>} : memref<768xf32, #tpu.memory_space<vmem>>, vector<16xf32>,
      %swap3A_585 = vector.shape_cast %swap3A_584 : vector<16xf32> to vector<16xf32>
      %swap3A_586 = vector.shape_cast %scan3A_537#11 : vector<16xf32> to vector<16xf32>
      tpu.vector_store %arg8[%swap3A_583], %swap3A_586 {strides = array<i32>} : memref<768xf32, #tpu.memory_space<vmem>>, vector<16xf32>,
      %swap3A_587 = arith.constant 448 : index
      %swap3A_588 = tpu.vector_load %arg8[%swap3A_587] {strides = array<i32>} : memref<768xf32, #tpu.memory_space<vmem>>, vector<16xf32>,
      %swap3A_589 = vector.shape_cast %swap3A_588 : vector<16xf32> to vector<16xf32>
      %swap3A_590 = vector.shape_cast %scan3A_537#12 : vector<16xf32> to vector<16xf32>
      tpu.vector_store %arg8[%swap3A_587], %swap3A_590 {strides = array<i32>} : memref<768xf32, #tpu.memory_space<vmem>>, vector<16xf32>,
      %swap3A_591 = arith.constant 464 : index
      %swap3A_592 = tpu.vector_load %arg8[%swap3A_591] {strides = array<i32>} : memref<768xf32, #tpu.memory_space<vmem>>, vector<16xf32>,
      %swap3A_593 = vector.shape_cast %swap3A_592 : vector<16xf32> to vector<16xf32>
      %swap3A_594 = vector.shape_cast %scan3A_537#13 : vector<16xf32> to vector<16xf32>
      tpu.vector_store %arg8[%swap3A_591], %swap3A_594 {strides = array<i32>} : memref<768xf32, #tpu.memory_space<vmem>>, vector<16xf32>,
      %swap3A_595 = arith.constant 480 : index
      %swap3A_596 = tpu.vector_load %arg8[%swap3A_595] {strides = array<i32>} : memref<768xf32, #tpu.memory_space<vmem>>, vector<16xf32>,
      %swap3A_597 = vector.shape_cast %swap3A_596 : vector<16xf32> to vector<16xf32>
      %swap3A_598 = vector.shape_cast %scan3A_537#14 : vector<16xf32> to vector<16xf32>
      tpu.vector_store %arg8[%swap3A_595], %swap3A_598 {strides = array<i32>} : memref<768xf32, #tpu.memory_space<vmem>>, vector<16xf32>,
      %swap3A_599 = arith.constant 496 : index
      %swap3A_600 = tpu.vector_load %arg8[%swap3A_599] {strides = array<i32>} : memref<768xf32, #tpu.memory_space<vmem>>, vector<16xf32>,
      %swap3A_601 = vector.shape_cast %swap3A_600 : vector<16xf32> to vector<16xf32>
      %swap3A_602 = vector.shape_cast %scan3A_537#15 : vector<16xf32> to vector<16xf32>
      tpu.vector_store %arg8[%swap3A_599], %swap3A_602 {strides = array<i32>} : memref<768xf32, #tpu.memory_space<vmem>>, vector<16xf32>,
      %broadcast_in_dim3A_603 = arith.constant 0.000000e+00 : f32
      %broadcast_in_dim3A_604 = vector.broadcast %broadcast_in_dim3A_603 : f32 to vector<16xf32>
      %broadcast_in_dim3A_605 = arith.constant 0.000000e+00 : f32
      %broadcast_in_dim3A_606 = vector.broadcast %broadcast_in_dim3A_605 : f32 to vector<16xf32>
      %broadcast_in_dim3A_607 = arith.constant 0.000000e+00 : f32
      %broadcast_in_dim3A_608 = vector.broadcast %broadcast_in_dim3A_607 : f32 to vector<16xf32>
      %broadcast_in_dim3A_609 = arith.constant 0.000000e+00 : f32
      %broadcast_in_dim3A_610 = vector.broadcast %broadcast_in_dim3A_609 : f32 to vector<16xf32>
      %broadcast_in_dim3A_611 = arith.constant 0.000000e+00 : f32
      %broadcast_in_dim3A_612 = vector.broadcast %broadcast_in_dim3A_611 : f32 to vector<16xf32>
      %broadcast_in_dim3A_613 = arith.constant 0.000000e+00 : f32
      %broadcast_in_dim3A_614 = vector.broadcast %broadcast_in_dim3A_613 : f32 to vector<16xf32>
      %broadcast_in_dim3A_615 = arith.constant 0.000000e+00 : f32
      %broadcast_in_dim3A_616 = vector.broadcast %broadcast_in_dim3A_615 : f32 to vector<16xf32>
      %broadcast_in_dim3A_617 = arith.constant 0.000000e+00 : f32
      %broadcast_in_dim3A_618 = vector.broadcast %broadcast_in_dim3A_617 : f32 to vector<16xf32>
      %broadcast_in_dim3A_619 = arith.constant 0.000000e+00 : f32
      %broadcast_in_dim3A_620 = vector.broadcast %broadcast_in_dim3A_619 : f32 to vector<16xf32>
      %broadcast_in_dim3A_621 = arith.constant 0.000000e+00 : f32
      %broadcast_in_dim3A_622 = vector.broadcast %broadcast_in_dim3A_621 : f32 to vector<16xf32>
      %broadcast_in_dim3A_623 = arith.constant 0.000000e+00 : f32
      %broadcast_in_dim3A_624 = vector.broadcast %broadcast_in_dim3A_623 : f32 to vector<16xf32>
      %broadcast_in_dim3A_625 = arith.constant 0.000000e+00 : f32
      %broadcast_in_dim3A_626 = vector.broadcast %broadcast_in_dim3A_625 : f32 to vector<16xf32>
      %broadcast_in_dim3A_627 = arith.constant 0.000000e+00 : f32
      %broadcast_in_dim3A_628 = vector.broadcast %broadcast_in_dim3A_627 : f32 to vector<16xf32>
      %broadcast_in_dim3A_629 = arith.constant 0.000000e+00 : f32
      %broadcast_in_dim3A_630 = vector.broadcast %broadcast_in_dim3A_629 : f32 to vector<16xf32>
      %broadcast_in_dim3A_631 = arith.constant 0.000000e+00 : f32
      %broadcast_in_dim3A_632 = vector.broadcast %broadcast_in_dim3A_631 : f32 to vector<16xf32>
      %broadcast_in_dim3A_633 = arith.constant 0.000000e+00 : f32
      %broadcast_in_dim3A_634 = vector.broadcast %broadcast_in_dim3A_633 : f32 to vector<16xf32>
      %scan3A_635 = arith.constant 0 : i32
      %scan3A_636 = arith.constant 50 : i32
      %scan3A_637 = arith.addi %scan3A_635, %scan3A_636 : i32
      %scan3A_638 = arith.constant 1 : i32
      %scan3A_639:16 = scf.for %scan3A_713 = %scan3A_635 to %scan3A_637 step %scan3A_638 iter_args(%scan3A_714 = %broadcast_in_dim3A_604, %scan3A_715 = %broadcast_in_dim3A_606, %scan3A_716 = %broadcast_in_dim3A_608, %scan3A_717 = %broadcast_in_dim3A_610, %scan3A_718 = %broadcast_in_dim3A_612, %scan3A_719 = %broadcast_in_dim3A_614, %scan3A_720 = %broadcast_in_dim3A_616, %scan3A_721 = %broadcast_in_dim3A_618, %scan3A_722 = %broadcast_in_dim3A_620, %scan3A_723 = %broadcast_in_dim3A_622, %scan3A_724 = %broadcast_in_dim3A_624, %scan3A_725 = %broadcast_in_dim3A_626, %scan3A_726 = %broadcast_in_dim3A_628, %scan3A_727 = %broadcast_in_dim3A_630, %scan3A_728 = %broadcast_in_dim3A_632, %scan3A_729 = %broadcast_in_dim3A_634) -> (vector<16xf32>, vector<16xf32>, vector<16xf32>, vector<16xf32>, vector<16xf32>, vector<16xf32>, vector<16xf32>, vector<16xf32>, vector<16xf32>, vector<16xf32>, vector<16xf32>, vector<16xf32>, vector<16xf32>, vector<16xf32>, vector<16xf32>, vector<16xf32>)  : i32 {
        %mul3A_730 = arith.constant 3 : i32
        %mul3A_731 = arith.muli %scan3A_713, %mul3A_730 : i32
        %add3A_732 = arith.constant 2 : i32
        %add3A_733 = arith.addi %mul3A_731, %add3A_732 : i32
        %get3A = arith.index_cast %add3A_733 : i32 to index
        %get3A_734 = arith.constant 0 : index
        %get3A_735 = tpu.vector_load %arg7[%get3A, %get3A_734] {strides = array<i32>} : memref<152x256xf32, #tpu.memory_space<vmem>>, vector<1x16xf32>,
        %get3A_736 = vector.shape_cast %get3A_735 : vector<1x16xf32> to vector<16xf32>
        %add3A_737 = arith.addf %scan3A_714, %get3A_736 : vector<16xf32>
        %mul3A_738 = arith.constant 3 : i32
        %mul3A_739 = arith.muli %scan3A_713, %mul3A_738 : i32
        %add3A_740 = arith.constant 2 : i32
        %add3A_741 = arith.addi %mul3A_739, %add3A_740 : i32
        %get3A_742 = arith.index_cast %add3A_741 : i32 to index
        %get3A_743 = arith.constant 16 : index
        %get3A_744 = tpu.vector_load %arg7[%get3A_742, %get3A_743] {strides = array<i32>} : memref<152x256xf32, #tpu.memory_space<vmem>>, vector<1x16xf32>,
        %get3A_745 = vector.shape_cast %get3A_744 : vector<1x16xf32> to vector<16xf32>
        %add3A_746 = arith.addf %scan3A_715, %get3A_745 : vector<16xf32>
        %mul3A_747 = arith.constant 3 : i32
        %mul3A_748 = arith.muli %scan3A_713, %mul3A_747 : i32
        %add3A_749 = arith.constant 2 : i32
        %add3A_750 = arith.addi %mul3A_748, %add3A_749 : i32
        %get3A_751 = arith.index_cast %add3A_750 : i32 to index
        %get3A_752 = arith.constant 32 : index
        %get3A_753 = tpu.vector_load %arg7[%get3A_751, %get3A_752] {strides = array<i32>} : memref<152x256xf32, #tpu.memory_space<vmem>>, vector<1x16xf32>,
        %get3A_754 = vector.shape_cast %get3A_753 : vector<1x16xf32> to vector<16xf32>
        %add3A_755 = arith.addf %scan3A_716, %get3A_754 : vector<16xf32>
        %mul3A_756 = arith.constant 3 : i32
        %mul3A_757 = arith.muli %scan3A_713, %mul3A_756 : i32
        %add3A_758 = arith.constant 2 : i32
        %add3A_759 = arith.addi %mul3A_757, %add3A_758 : i32
        %get3A_760 = arith.index_cast %add3A_759 : i32 to index
        %get3A_761 = arith.constant 48 : index
        %get3A_762 = tpu.vector_load %arg7[%get3A_760, %get3A_761] {strides = array<i32>} : memref<152x256xf32, #tpu.memory_space<vmem>>, vector<1x16xf32>,
        %get3A_763 = vector.shape_cast %get3A_762 : vector<1x16xf32> to vector<16xf32>
        %add3A_764 = arith.addf %scan3A_717, %get3A_763 : vector<16xf32>
        %mul3A_765 = arith.constant 3 : i32
        %mul3A_766 = arith.muli %scan3A_713, %mul3A_765 : i32
        %add3A_767 = arith.constant 2 : i32
        %add3A_768 = arith.addi %mul3A_766, %add3A_767 : i32
        %get3A_769 = arith.index_cast %add3A_768 : i32 to index
        %get3A_770 = arith.constant 64 : index
        %get3A_771 = tpu.vector_load %arg7[%get3A_769, %get3A_770] {strides = array<i32>} : memref<152x256xf32, #tpu.memory_space<vmem>>, vector<1x16xf32>,
        %get3A_772 = vector.shape_cast %get3A_771 : vector<1x16xf32> to vector<16xf32>
        %add3A_773 = arith.addf %scan3A_718, %get3A_772 : vector<16xf32>
        %mul3A_774 = arith.constant 3 : i32
        %mul3A_775 = arith.muli %scan3A_713, %mul3A_774 : i32
        %add3A_776 = arith.constant 2 : i32
        %add3A_777 = arith.addi %mul3A_775, %add3A_776 : i32
        %get3A_778 = arith.index_cast %add3A_777 : i32 to index
        %get3A_779 = arith.constant 80 : index
        %get3A_780 = tpu.vector_load %arg7[%get3A_778, %get3A_779] {strides = array<i32>} : memref<152x256xf32, #tpu.memory_space<vmem>>, vector<1x16xf32>,
        %get3A_781 = vector.shape_cast %get3A_780 : vector<1x16xf32> to vector<16xf32>
        %add3A_782 = arith.addf %scan3A_719, %get3A_781 : vector<16xf32>
        %mul3A_783 = arith.constant 3 : i32
        %mul3A_784 = arith.muli %scan3A_713, %mul3A_783 : i32
        %add3A_785 = arith.constant 2 : i32
        %add3A_786 = arith.addi %mul3A_784, %add3A_785 : i32
        %get3A_787 = arith.index_cast %add3A_786 : i32 to index
        %get3A_788 = arith.constant 96 : index
        %get3A_789 = tpu.vector_load %arg7[%get3A_787, %get3A_788] {strides = array<i32>} : memref<152x256xf32, #tpu.memory_space<vmem>>, vector<1x16xf32>,
        %get3A_790 = vector.shape_cast %get3A_789 : vector<1x16xf32> to vector<16xf32>
        %add3A_791 = arith.addf %scan3A_720, %get3A_790 : vector<16xf32>
        %mul3A_792 = arith.constant 3 : i32
        %mul3A_793 = arith.muli %scan3A_713, %mul3A_792 : i32
        %add3A_794 = arith.constant 2 : i32
        %add3A_795 = arith.addi %mul3A_793, %add3A_794 : i32
        %get3A_796 = arith.index_cast %add3A_795 : i32 to index
        %get3A_797 = arith.constant 112 : index
        %get3A_798 = tpu.vector_load %arg7[%get3A_796, %get3A_797] {strides = array<i32>} : memref<152x256xf32, #tpu.memory_space<vmem>>, vector<1x16xf32>,
        %get3A_799 = vector.shape_cast %get3A_798 : vector<1x16xf32> to vector<16xf32>
        %add3A_800 = arith.addf %scan3A_721, %get3A_799 : vector<16xf32>
        %mul3A_801 = arith.constant 3 : i32
        %mul3A_802 = arith.muli %scan3A_713, %mul3A_801 : i32
        %add3A_803 = arith.constant 2 : i32
        %add3A_804 = arith.addi %mul3A_802, %add3A_803 : i32
        %get3A_805 = arith.index_cast %add3A_804 : i32 to index
        %get3A_806 = arith.constant 128 : index
        %get3A_807 = tpu.vector_load %arg7[%get3A_805, %get3A_806] {strides = array<i32>} : memref<152x256xf32, #tpu.memory_space<vmem>>, vector<1x16xf32>,
        %get3A_808 = vector.shape_cast %get3A_807 : vector<1x16xf32> to vector<16xf32>
        %add3A_809 = arith.addf %scan3A_722, %get3A_808 : vector<16xf32>
        %mul3A_810 = arith.constant 3 : i32
        %mul3A_811 = arith.muli %scan3A_713, %mul3A_810 : i32
        %add3A_812 = arith.constant 2 : i32
        %add3A_813 = arith.addi %mul3A_811, %add3A_812 : i32
        %get3A_814 = arith.index_cast %add3A_813 : i32 to index
        %get3A_815 = arith.constant 144 : index
        %get3A_816 = tpu.vector_load %arg7[%get3A_814, %get3A_815] {strides = array<i32>} : memref<152x256xf32, #tpu.memory_space<vmem>>, vector<1x16xf32>,
        %get3A_817 = vector.shape_cast %get3A_816 : vector<1x16xf32> to vector<16xf32>
        %add3A_818 = arith.addf %scan3A_723, %get3A_817 : vector<16xf32>
        %mul3A_819 = arith.constant 3 : i32
        %mul3A_820 = arith.muli %scan3A_713, %mul3A_819 : i32
        %add3A_821 = arith.constant 2 : i32
        %add3A_822 = arith.addi %mul3A_820, %add3A_821 : i32
        %get3A_823 = arith.index_cast %add3A_822 : i32 to index
        %get3A_824 = arith.constant 160 : index
        %get3A_825 = tpu.vector_load %arg7[%get3A_823, %get3A_824] {strides = array<i32>} : memref<152x256xf32, #tpu.memory_space<vmem>>, vector<1x16xf32>,
        %get3A_826 = vector.shape_cast %get3A_825 : vector<1x16xf32> to vector<16xf32>
        %add3A_827 = arith.addf %scan3A_724, %get3A_826 : vector<16xf32>
        %mul3A_828 = arith.constant 3 : i32
        %mul3A_829 = arith.muli %scan3A_713, %mul3A_828 : i32
        %add3A_830 = arith.constant 2 : i32
        %add3A_831 = arith.addi %mul3A_829, %add3A_830 : i32
        %get3A_832 = arith.index_cast %add3A_831 : i32 to index
        %get3A_833 = arith.constant 176 : index
        %get3A_834 = tpu.vector_load %arg7[%get3A_832, %get3A_833] {strides = array<i32>} : memref<152x256xf32, #tpu.memory_space<vmem>>, vector<1x16xf32>,
        %get3A_835 = vector.shape_cast %get3A_834 : vector<1x16xf32> to vector<16xf32>
        %add3A_836 = arith.addf %scan3A_725, %get3A_835 : vector<16xf32>
        %mul3A_837 = arith.constant 3 : i32
        %mul3A_838 = arith.muli %scan3A_713, %mul3A_837 : i32
        %add3A_839 = arith.constant 2 : i32
        %add3A_840 = arith.addi %mul3A_838, %add3A_839 : i32
        %get3A_841 = arith.index_cast %add3A_840 : i32 to index
        %get3A_842 = arith.constant 192 : index
        %get3A_843 = tpu.vector_load %arg7[%get3A_841, %get3A_842] {strides = array<i32>} : memref<152x256xf32, #tpu.memory_space<vmem>>, vector<1x16xf32>,
        %get3A_844 = vector.shape_cast %get3A_843 : vector<1x16xf32> to vector<16xf32>
        %add3A_845 = arith.addf %scan3A_726, %get3A_844 : vector<16xf32>
        %mul3A_846 = arith.constant 3 : i32
        %mul3A_847 = arith.muli %scan3A_713, %mul3A_846 : i32
        %add3A_848 = arith.constant 2 : i32
        %add3A_849 = arith.addi %mul3A_847, %add3A_848 : i32
        %get3A_850 = arith.index_cast %add3A_849 : i32 to index
        %get3A_851 = arith.constant 208 : index
        %get3A_852 = tpu.vector_load %arg7[%get3A_850, %get3A_851] {strides = array<i32>} : memref<152x256xf32, #tpu.memory_space<vmem>>, vector<1x16xf32>,
        %get3A_853 = vector.shape_cast %get3A_852 : vector<1x16xf32> to vector<16xf32>
        %add3A_854 = arith.addf %scan3A_727, %get3A_853 : vector<16xf32>
        %mul3A_855 = arith.constant 3 : i32
        %mul3A_856 = arith.muli %scan3A_713, %mul3A_855 : i32
        %add3A_857 = arith.constant 2 : i32
        %add3A_858 = arith.addi %mul3A_856, %add3A_857 : i32
        %get3A_859 = arith.index_cast %add3A_858 : i32 to index
        %get3A_860 = arith.constant 224 : index
        %get3A_861 = tpu.vector_load %arg7[%get3A_859, %get3A_860] {strides = array<i32>} : memref<152x256xf32, #tpu.memory_space<vmem>>, vector<1x16xf32>,
        %get3A_862 = vector.shape_cast %get3A_861 : vector<1x16xf32> to vector<16xf32>
        %add3A_863 = arith.addf %scan3A_728, %get3A_862 : vector<16xf32>
        %mul3A_864 = arith.constant 3 : i32
        %mul3A_865 = arith.muli %scan3A_713, %mul3A_864 : i32
        %add3A_866 = arith.constant 2 : i32
        %add3A_867 = arith.addi %mul3A_865, %add3A_866 : i32
        %get3A_868 = arith.index_cast %add3A_867 : i32 to index
        %get3A_869 = arith.constant 240 : index
        %get3A_870 = tpu.vector_load %arg7[%get3A_868, %get3A_869] {strides = array<i32>} : memref<152x256xf32, #tpu.memory_space<vmem>>, vector<1x16xf32>,
        %get3A_871 = vector.shape_cast %get3A_870 : vector<1x16xf32> to vector<16xf32>
        %add3A_872 = arith.addf %scan3A_729, %get3A_871 : vector<16xf32>
        scf.yield %add3A_737, %add3A_746, %add3A_755, %add3A_764, %add3A_773, %add3A_782, %add3A_791, %add3A_800, %add3A_809, %add3A_818, %add3A_827, %add3A_836, %add3A_845, %add3A_854, %add3A_863, %add3A_872 : vector<16xf32>, vector<16xf32>, vector<16xf32>, vector<16xf32>, vector<16xf32>, vector<16xf32>, vector<16xf32>, vector<16xf32>, vector<16xf32>, vector<16xf32>, vector<16xf32>, vector<16xf32>, vector<16xf32>, vector<16xf32>, vector<16xf32>, vector<16xf32>
      }
      %scan3A_640 = arith.constant 50 : i32
      %swap3A_641 = arith.constant 512 : index
      %swap3A_642 = tpu.vector_load %arg8[%swap3A_641] {strides = array<i32>} : memref<768xf32, #tpu.memory_space<vmem>>, vector<16xf32>,
      %swap3A_643 = vector.shape_cast %swap3A_642 : vector<16xf32> to vector<16xf32>
      %swap3A_644 = vector.shape_cast %scan3A_639#0 : vector<16xf32> to vector<16xf32>
      tpu.vector_store %arg8[%swap3A_641], %swap3A_644 {strides = array<i32>} : memref<768xf32, #tpu.memory_space<vmem>>, vector<16xf32>,
      %swap3A_645 = arith.constant 528 : index
      %swap3A_646 = tpu.vector_load %arg8[%swap3A_645] {strides = array<i32>} : memref<768xf32, #tpu.memory_space<vmem>>, vector<16xf32>,
      %swap3A_647 = vector.shape_cast %swap3A_646 : vector<16xf32> to vector<16xf32>
      %swap3A_648 = vector.shape_cast %scan3A_639#1 : vector<16xf32> to vector<16xf32>
      tpu.vector_store %arg8[%swap3A_645], %swap3A_648 {strides = array<i32>} : memref<768xf32, #tpu.memory_space<vmem>>, vector<16xf32>,
      %swap3A_649 = arith.constant 544 : index
      %swap3A_650 = tpu.vector_load %arg8[%swap3A_649] {strides = array<i32>} : memref<768xf32, #tpu.memory_space<vmem>>, vector<16xf32>,
      %swap3A_651 = vector.shape_cast %swap3A_650 : vector<16xf32> to vector<16xf32>
      %swap3A_652 = vector.shape_cast %scan3A_639#2 : vector<16xf32> to vector<16xf32>
      tpu.vector_store %arg8[%swap3A_649], %swap3A_652 {strides = array<i32>} : memref<768xf32, #tpu.memory_space<vmem>>, vector<16xf32>,
      %swap3A_653 = arith.constant 560 : index
      %swap3A_654 = tpu.vector_load %arg8[%swap3A_653] {strides = array<i32>} : memref<768xf32, #tpu.memory_space<vmem>>, vector<16xf32>,
      %swap3A_655 = vector.shape_cast %swap3A_654 : vector<16xf32> to vector<16xf32>
      %swap3A_656 = vector.shape_cast %scan3A_639#3 : vector<16xf32> to vector<16xf32>
      tpu.vector_store %arg8[%swap3A_653], %swap3A_656 {strides = array<i32>} : memref<768xf32, #tpu.memory_space<vmem>>, vector<16xf32>,
      %swap3A_657 = arith.constant 576 : index
      %swap3A_658 = tpu.vector_load %arg8[%swap3A_657] {strides = array<i32>} : memref<768xf32, #tpu.memory_space<vmem>>, vector<16xf32>,
      %swap3A_659 = vector.shape_cast %swap3A_658 : vector<16xf32> to vector<16xf32>
      %swap3A_660 = vector.shape_cast %scan3A_639#4 : vector<16xf32> to vector<16xf32>
      tpu.vector_store %arg8[%swap3A_657], %swap3A_660 {strides = array<i32>} : memref<768xf32, #tpu.memory_space<vmem>>, vector<16xf32>,
      %swap3A_661 = arith.constant 592 : index
      %swap3A_662 = tpu.vector_load %arg8[%swap3A_661] {strides = array<i32>} : memref<768xf32, #tpu.memory_space<vmem>>, vector<16xf32>,
      %swap3A_663 = vector.shape_cast %swap3A_662 : vector<16xf32> to vector<16xf32>
      %swap3A_664 = vector.shape_cast %scan3A_639#5 : vector<16xf32> to vector<16xf32>
      tpu.vector_store %arg8[%swap3A_661], %swap3A_664 {strides = array<i32>} : memref<768xf32, #tpu.memory_space<vmem>>, vector<16xf32>,
      %swap3A_665 = arith.constant 608 : index
      %swap3A_666 = tpu.vector_load %arg8[%swap3A_665] {strides = array<i32>} : memref<768xf32, #tpu.memory_space<vmem>>, vector<16xf32>,
      %swap3A_667 = vector.shape_cast %swap3A_666 : vector<16xf32> to vector<16xf32>
      %swap3A_668 = vector.shape_cast %scan3A_639#6 : vector<16xf32> to vector<16xf32>
      tpu.vector_store %arg8[%swap3A_665], %swap3A_668 {strides = array<i32>} : memref<768xf32, #tpu.memory_space<vmem>>, vector<16xf32>,
      %swap3A_669 = arith.constant 624 : index
      %swap3A_670 = tpu.vector_load %arg8[%swap3A_669] {strides = array<i32>} : memref<768xf32, #tpu.memory_space<vmem>>, vector<16xf32>,
      %swap3A_671 = vector.shape_cast %swap3A_670 : vector<16xf32> to vector<16xf32>
      %swap3A_672 = vector.shape_cast %scan3A_639#7 : vector<16xf32> to vector<16xf32>
      tpu.vector_store %arg8[%swap3A_669], %swap3A_672 {strides = array<i32>} : memref<768xf32, #tpu.memory_space<vmem>>, vector<16xf32>,
      %swap3A_673 = arith.constant 640 : index
      %swap3A_674 = tpu.vector_load %arg8[%swap3A_673] {strides = array<i32>} : memref<768xf32, #tpu.memory_space<vmem>>, vector<16xf32>,
      %swap3A_675 = vector.shape_cast %swap3A_674 : vector<16xf32> to vector<16xf32>
      %swap3A_676 = vector.shape_cast %scan3A_639#8 : vector<16xf32> to vector<16xf32>
      tpu.vector_store %arg8[%swap3A_673], %swap3A_676 {strides = array<i32>} : memref<768xf32, #tpu.memory_space<vmem>>, vector<16xf32>,
      %swap3A_677 = arith.constant 656 : index
      %swap3A_678 = tpu.vector_load %arg8[%swap3A_677] {strides = array<i32>} : memref<768xf32, #tpu.memory_space<vmem>>, vector<16xf32>,
      %swap3A_679 = vector.shape_cast %swap3A_678 : vector<16xf32> to vector<16xf32>
      %swap3A_680 = vector.shape_cast %scan3A_639#9 : vector<16xf32> to vector<16xf32>
      tpu.vector_store %arg8[%swap3A_677], %swap3A_680 {strides = array<i32>} : memref<768xf32, #tpu.memory_space<vmem>>, vector<16xf32>,
      %swap3A_681 = arith.constant 672 : index
      %swap3A_682 = tpu.vector_load %arg8[%swap3A_681] {strides = array<i32>} : memref<768xf32, #tpu.memory_space<vmem>>, vector<16xf32>,
      %swap3A_683 = vector.shape_cast %swap3A_682 : vector<16xf32> to vector<16xf32>
      %swap3A_684 = vector.shape_cast %scan3A_639#10 : vector<16xf32> to vector<16xf32>
      tpu.vector_store %arg8[%swap3A_681], %swap3A_684 {strides = array<i32>} : memref<768xf32, #tpu.memory_space<vmem>>, vector<16xf32>,
      %swap3A_685 = arith.constant 688 : index
      %swap3A_686 = tpu.vector_load %arg8[%swap3A_685] {strides = array<i32>} : memref<768xf32, #tpu.memory_space<vmem>>, vector<16xf32>,
      %swap3A_687 = vector.shape_cast %swap3A_686 : vector<16xf32> to vector<16xf32>
      %swap3A_688 = vector.shape_cast %scan3A_639#11 : vector<16xf32> to vector<16xf32>
      tpu.vector_store %arg8[%swap3A_685], %swap3A_688 {strides = array<i32>} : memref<768xf32, #tpu.memory_space<vmem>>, vector<16xf32>,
      %swap3A_689 = arith.constant 704 : index
      %swap3A_690 = tpu.vector_load %arg8[%swap3A_689] {strides = array<i32>} : memref<768xf32, #tpu.memory_space<vmem>>, vector<16xf32>,
      %swap3A_691 = vector.shape_cast %swap3A_690 : vector<16xf32> to vector<16xf32>
      %swap3A_692 = vector.shape_cast %scan3A_639#12 : vector<16xf32> to vector<16xf32>
      tpu.vector_store %arg8[%swap3A_689], %swap3A_692 {strides = array<i32>} : memref<768xf32, #tpu.memory_space<vmem>>, vector<16xf32>,
      %swap3A_693 = arith.constant 720 : index
      %swap3A_694 = tpu.vector_load %arg8[%swap3A_693] {strides = array<i32>} : memref<768xf32, #tpu.memory_space<vmem>>, vector<16xf32>,
      %swap3A_695 = vector.shape_cast %swap3A_694 : vector<16xf32> to vector<16xf32>
      %swap3A_696 = vector.shape_cast %scan3A_639#13 : vector<16xf32> to vector<16xf32>
      tpu.vector_store %arg8[%swap3A_693], %swap3A_696 {strides = array<i32>} : memref<768xf32, #tpu.memory_space<vmem>>, vector<16xf32>,
      %swap3A_697 = arith.constant 736 : index
      %swap3A_698 = tpu.vector_load %arg8[%swap3A_697] {strides = array<i32>} : memref<768xf32, #tpu.memory_space<vmem>>, vector<16xf32>,
      %swap3A_699 = vector.shape_cast %swap3A_698 : vector<16xf32> to vector<16xf32>
      %swap3A_700 = vector.shape_cast %scan3A_639#14 : vector<16xf32> to vector<16xf32>
      tpu.vector_store %arg8[%swap3A_697], %swap3A_700 {strides = array<i32>} : memref<768xf32, #tpu.memory_space<vmem>>, vector<16xf32>,
      %swap3A_701 = arith.constant 752 : index
      %swap3A_702 = tpu.vector_load %arg8[%swap3A_701] {strides = array<i32>} : memref<768xf32, #tpu.memory_space<vmem>>, vector<16xf32>,
      %swap3A_703 = vector.shape_cast %swap3A_702 : vector<16xf32> to vector<16xf32>
      %swap3A_704 = vector.shape_cast %scan3A_639#15 : vector<16xf32> to vector<16xf32>
      tpu.vector_store %arg8[%swap3A_701], %swap3A_704 {strides = array<i32>} : memref<768xf32, #tpu.memory_space<vmem>>, vector<16xf32>,
      %add3A_705 = arith.constant 2 : i32
      %add3A_706 = arith.addi %add3A_379, %add3A_705 : i32
      %lt3A_707 = arith.constant 128 : i32
      %lt3A_708 = arith.cmpi slt, %add3A_706, %lt3A_707 : i32
      %convert_element_type3A_709 = arith.extui %lt3A_708 : i1 to i32
      %cond3A_710 = arith.constant 0 : i32
      %cond3A_711 = arith.cmpi ne, %convert_element_type3A_709, %cond3A_710 : i32
      scf.if %cond3A_711 {
        %add3A_713 = arith.constant 2 : i32
        %add3A_714 = arith.addi %add3A_379, %add3A_713 : i32
        %mul3A_715 = arith.constant 152 : i32
        %mul3A_716 = arith.muli %add3A_714, %mul3A_715 : i32
        %multiple_of3A_717 = tpu.assume_multiple %mul3A_716, 8 : i32
        %add3A_718 = arith.constant 104 : i32
        %add3A_719 = arith.addi %multiple_of3A_717, %add3A_718 : i32
        %dma_start3A_720 = arith.constant 0 : i32
        %dma_start3A_721 = arith.constant 0 : i32
        %dma_start3A_722 = tpu.memref_slice %arg7[%dma_start3A_720, %dma_start3A_721] : memref<152x256xf32, #tpu.memory_space<vmem>> -> memref<104x256xf32, #tpu.memory_space<vmem>>
        %dma_start3A_723 = tpu.memref_slice %arg5[%multiple_of3A_717] : memref<19456xi32, #tpu.memory_space<vmem>> -> memref<104xi32, #tpu.memory_space<vmem>>
        %dma_start3A_724 = arith.constant 0 : i32
        %dma_start3A_725 = arith.constant 0 : i32
        %dma_start3A_726 = tpu.memref_slice %arg3[%dma_start3A_724, %dma_start3A_725] : memref<96000x256xf32, #tpu.memory_space<hbm>> -> memref<96000x256xf32, #tpu.memory_space<hbm>>
        tpu.enqueue_indirect_dma source(%dma_start3A_726 : memref<96000x256xf32, #tpu.memory_space<hbm>>) target(%dma_start3A_722 : memref<104x256xf32, #tpu.memory_space<vmem>>) offsets(%dma_start3A_723 : memref<104xi32, #tpu.memory_space<vmem>>) semaphore(%arg10 : memref<!tpu.dma_semaphore, #tpu.memory_space<semaphore_mem>>)
        %dma_start3A_727 = arith.constant 104 : i32
        %dma_start3A_728 = arith.constant 0 : i32
        %dma_start3A_729 = tpu.memref_slice %arg7[%dma_start3A_727, %dma_start3A_728] : memref<152x256xf32, #tpu.memory_space<vmem>> -> memref<48x256xf32, #tpu.memory_space<vmem>>
        %dma_start3A_730 = tpu.memref_slice %arg5[%add3A_719] : memref<19456xi32, #tpu.memory_space<vmem>> -> memref<48xi32, #tpu.memory_space<vmem>>
        %dma_start3A_731 = arith.constant 0 : i32
        %dma_start3A_732 = arith.constant 0 : i32
        %dma_start3A_733 = tpu.memref_slice %arg3[%dma_start3A_731, %dma_start3A_732] : memref<96000x256xf32, #tpu.memory_space<hbm>> -> memref<96000x256xf32, #tpu.memory_space<hbm>>
        tpu.enqueue_indirect_dma source(%dma_start3A_733 : memref<96000x256xf32, #tpu.memory_space<hbm>>) target(%dma_start3A_729 : memref<48x256xf32, #tpu.memory_space<vmem>>) offsets(%dma_start3A_730 : memref<48xi32, #tpu.memory_space<vmem>>) semaphore(%arg10 : memref<!tpu.dma_semaphore, #tpu.memory_space<semaphore_mem>>)
      } else {
      }
      %add3A_712 = arith.addi %mul3A_2, %add3A_379 : i32
      "tpu.region"() ({
        %run_scoped3A = tpu.sem_alloc : memref<!tpu.dma_semaphore, #tpu.memory_space<semaphore_mem>>
        %dma_start3A_713 = arith.constant 0 : i32
        %dma_start3A_714 = tpu.memref_slice %arg4[%add3A_712, %dma_start3A_713] : memref<4096x768xf32, #tpu.memory_space<hbm>> -> memref<1x768xf32, #tpu.memory_space<hbm>>
        %dma_start3A_715 = tpu.memref_squeeze %dma_start3A_714 : memref<1x768xf32, #tpu.memory_space<hbm>> -> memref<768xf32, #tpu.memory_space<hbm>>
        %dma_start3A_716 = arith.constant 0 : i32
        %dma_start3A_717 = tpu.memref_slice %arg4[%add3A_712, %dma_start3A_716] : memref<4096x768xf32, #tpu.memory_space<hbm>> -> memref<1x768xf32, #tpu.memory_space<hbm>>
        %dma_start3A_718 = tpu.memref_squeeze %dma_start3A_717 : memref<1x768xf32, #tpu.memory_space<hbm>> -> memref<768xf32, #tpu.memory_space<hbm>>
        tpu.enqueue_dma source(%arg8 : memref<768xf32, #tpu.memory_space<vmem>>) target(%dma_start3A_718 : memref<768xf32, #tpu.memory_space<hbm>>) target_semaphore(%run_scoped3A : memref<!tpu.dma_semaphore, #tpu.memory_space<semaphore_mem>>)
        %dma_wait3A_719 = arith.constant 0 : i32
        %dma_wait3A_720 = tpu.memref_slice %arg4[%add3A_712, %dma_wait3A_719] : memref<4096x768xf32, #tpu.memory_space<hbm>> -> memref<1x768xf32, #tpu.memory_space<hbm>>
        %dma_wait3A_721 = tpu.memref_squeeze %dma_wait3A_720 : memref<1x768xf32, #tpu.memory_space<hbm>> -> memref<768xf32, #tpu.memory_space<hbm>>
        %dma_wait3A_722 = arith.constant 0 : i32
        %dma_wait3A_723 = tpu.memref_slice %arg4[%add3A_712, %dma_wait3A_722] : memref<4096x768xf32, #tpu.memory_space<hbm>> -> memref<1x768xf32, #tpu.memory_space<hbm>>
        %dma_wait3A_724 = tpu.memref_squeeze %dma_wait3A_723 : memref<1x768xf32, #tpu.memory_space<hbm>> -> memref<768xf32, #tpu.memory_space<hbm>>
        tpu.wait_dma2 semaphore(%run_scoped3A : memref<!tpu.dma_semaphore, #tpu.memory_space<semaphore_mem>>) src(%arg8 : memref<768xf32, #tpu.memory_space<vmem>>) dst(%dma_wait3A_724 : memref<768xf32, #tpu.memory_space<hbm>>)
        tpu.yield
      }) : () -> ()
    }
    %scan3A_43 = arith.constant 64 : i32
    return
  }
}

module attributes {stable_mosaic.version = 14 : i64} {
  func.func @tc_kernel(%arg0: i32, %arg1: memref<512x768xf32, #tpu.memory_space<vmem>>, %arg2: memref<768x1024xf32, #tpu.memory_space<vmem>>, %arg3: memref<1x1024xf32, #tpu.memory_space<vmem>>, %arg4: memref<512x1024xf32, #tpu.memory_space<vmem>>) attributes {dimension_semantics = [#tpu.dimension_semantics<arbitrary>], iteration_bounds = array<i64: 8>, scalar_prefetch = 0 : i64, scratch_operands = 0 : i64, tpu.core_type = #tpu.core_type<tc>, window_params = [{transform_indices = @transform_0, window_bounds = array<i64: 512, 768>}, {pipeline_mode = #tpu.pipeline_mode<synchronous>, transform_indices = @transform_1, window_bounds = array<i64: 768, 1024>}, {pipeline_mode = #tpu.pipeline_mode<synchronous>, transform_indices = @transform_2, window_bounds = array<i64: 1, 1024>}, {transform_indices = @transform_3, window_bounds = array<i64: 512, 1024>}]} {
    %get3A = arith.constant 0 : index
    %get3A_0 = arith.constant 0 : index
    %get3A_1 = vector.load %arg1[%get3A, %get3A_0] : memref<512x768xf32, #tpu.memory_space<vmem>>, vector<512x768xf32>
    %mul3A = arith.constant 2.000000e-02 : f32
    %mul3A_2 = vector.broadcast %mul3A : f32 to vector<512x768xf32>
    %mul3A_3 = arith.mulf %get3A_1, %mul3A_2 : vector<512x768xf32>
    %get3A_4 = arith.constant 0 : index
    %get3A_5 = arith.constant 0 : index
    %get3A_6 = vector.load %arg2[%get3A_4, %get3A_5] : memref<768x1024xf32, #tpu.memory_space<vmem>>, vector<768x1024xf32>
    %dot_general3A = arith.constant dense<0.000000e+00> : vector<512x1024xf32>
    %dot_general3A_7 = tpu.matmul %mul3A_3, %get3A_6, %dot_general3A {dimension_numbers = #tpu.dot_dimension_numbers<[1], [0], [0], [1], [0, 0, 1, 1], [], []>, transpose_lhs_hint = false} : vector<512x768xf32>, vector<768x1024xf32>, vector<512x1024xf32> -> vector<512x1024xf32>
    %get3A_8 = arith.constant 0 : index
    %get3A_9 = arith.constant 0 : index
    %get3A_10 = vector.load %arg3[%get3A_8, %get3A_9] : memref<1x1024xf32, #tpu.memory_space<vmem>>, vector<1x1024xf32>
    %add3A = vector.broadcast %get3A_10 : vector<1x1024xf32> to vector<512x1024xf32>
    %add3A_11 = arith.addf %dot_general3A_7, %add3A : vector<512x1024xf32>
    %mul3A_12 = arith.mulf %add3A_11, %add3A_11 : vector<512x1024xf32>
    %reduce_sum3A = arith.constant dense<0.000000e+00> : vector<512xf32>
    %reduce_sum3A_13 = vector.multi_reduction <add>, %mul3A_12, %reduce_sum3A [1] : vector<512x1024xf32> to vector<512xf32>
    %broadcast_in_dim3A = vector.shape_cast %reduce_sum3A_13 : vector<512xf32> to vector<512x1xf32>
    %sqrt3A = math.sqrt %broadcast_in_dim3A : vector<512x1xf32>
    %max3A = arith.constant 9.99999996E-13 : f32
    %max3A_14 = vector.broadcast %max3A : f32 to vector<512x1xf32>
    %max3A_15 = arith.maximumf %sqrt3A, %max3A_14 : vector<512x1xf32>
    %div3A = vector.broadcast %max3A_15 : vector<512x1xf32> to vector<512x1024xf32>
    %div3A_16 = arith.divf %add3A_11, %div3A : vector<512x1024xf32>
    %swap3A = arith.constant 0 : index
    %swap3A_17 = arith.constant 0 : index
    %swap3A_18 = vector.load %arg4[%swap3A, %swap3A_17] : memref<512x1024xf32, #tpu.memory_space<vmem>>, vector<512x1024xf32>
    tpu.vector_store %arg4[%swap3A, %swap3A_17], %div3A_16 {strides = array<i32>} : memref<512x1024xf32, #tpu.memory_space<vmem>>, vector<512x1024xf32>,
    return
  }
  func.func @transform_0(%arg0: i32) -> (i32, i32) {
    %c0_i32 = arith.constant 0 : i32
    %c0_i32_0 = arith.constant 0 : i32
    return %arg0, %c0_i32 : i32, i32
  }
  func.func @transform_1(%arg0: i32) -> (i32, i32) {
    %c0_i32 = arith.constant 0 : i32
    %c0_i32_0 = arith.constant 0 : i32
    %c0_i32_1 = arith.constant 0 : i32
    return %c0_i32, %c0_i32_0 : i32, i32
  }
  func.func @transform_2(%arg0: i32) -> (i32, i32) {
    %c0_i32 = arith.constant 0 : i32
    %c0_i32_0 = arith.constant 0 : i32
    %c0_i32_1 = arith.constant 0 : i32
    return %c0_i32, %c0_i32_0 : i32, i32
  }
  func.func @transform_3(%arg0: i32) -> (i32, i32) {
    %c0_i32 = arith.constant 0 : i32
    %c0_i32_0 = arith.constant 0 : i32
    return %arg0, %c0_i32 : i32, i32
  }
}

</mosaic_0001>

<sc_bundles>
// kernel: kernel.4.cloned.1.call-start
scs
__scs_entry_jumppad:
0x0: {  	(pc) =	sbr.rel $0x88, $3  }
0x1: {  	(tag) =	ssettag $0x0;
	lr =	simm.s32 $0x1  }
0x2: {  	[smem:$0x3F9D] =	sst lr;
	_ =	strace $0xD0000000  }
0x3: {  	_ = 	snop  }
0x4: {  	_ = 	snop  }
0x5: {  	_ = 	snop  }
0x6: {  	_ = 	snop  }
0x7: {  	_ = 	snop  }
__scs_overlays_trampoline_lowered:
0x8: {  	[smem:$0x3FAC] =	sst s0  }
0x9: {  	[smem:$0x3FAD] =	sst s1  }
0xa: {  	[smem:$0x3FAE] =	sst s2  }
0xb: {  	[smem:$0x3FAF] =	sst s3  }
0xc: {  	[smem:$0x3FB0] =	sst s4  }
0xd: {  	[smem:$0x3FB1] =	sst s5  }
0xe: {  	[smem:$0x3FB2] =	sst s6  }
0xf: {  	[smem:$0x3FB3] =	sst s7  }
0x10: {  	[smem:$0x3FB4] =	sst s8  }
0x11: {  	[smem:$0x3FB5] =	sst s9;
	s0 =	simm.s32 @!p0 $0x0  }
0x12: {  	s1 =	sld [smem:$0x3F9B];
	s0 =	simm.s32 @p0 $0x1  }
0x13: {  	[smem:$0x3FB6] =	sst s0;
	s0 =	simm.s32 @!p1 $0x0  }
0x14: {  	s2 =	sld [smem:$0x3F9A];
	s0 =	simm.s32 @p1 $0x1  }
0x15: {  	[smem:$0x3FB7] =	sst s0;
	s0 =	simm.s32 @!p2 $0x0  }
0x16: {  	s3 =	sld [smem:$0x3FDB];
	s0 =	simm.s32 @p2 $0x1  }
0x17: {  	s4 =	simm.s32 $0x1BF5;
	[smem:$0x3FB9] =	sst s0  }
0x18: {  	s0 =	sld [smem:$0x3F9C];
	_ =	swait.ge [sflag:s4], $0x0  }
0x19: {  	s7 =	sld [smem:$0x3F9D]  }
0x1a: {  	s8 =	sadd.s32 $0xFFFFE003, lr  }
0x1b: {  	s9 =	sadd.s32 $0xFFFFFEF7, lr;
	s5 =	simm.s32 $0xFFFFFFFF;
	p2 =	slt.u32 s8, $0xFFFFF086  }
0x1c: {  	p1 =	slt.u32 s9, $0xF7A;
	s5 =	simm.s32 @!p2 $0x0  }
0x1d: {  	s5 =	simm.s32 @p1 $0x1;
	p0 =	seq.s32 s7, s2  }
0x1e: {  	s7 =	smul.u32 @!p0 $0xF7A, s2;
	p2 =	seq.s32 @!p0 s5, $0x0  }
0x1f: {  	s9 =	smul.u32 $0xF7A, s1;
	s8 =	simm.s32 @!p0 $0x1BF5;
	p2 =	por !p2, p0  }
0x20: {  	[sflag:s8] =	ssyncset.s32 @!p0 $0xFFFFF086;
	s6 =	sadd.s32 @!p0 s3, s7;
	s7 =	simm.s32 @!p0 $0x108  }
0x21: {  	s3 =	sadd.s32 s3, s9;
	s6 =	sadd.s32 @!p0 $0x88, s6;
	s7 =	simm.s32 @p2 $0x1082  }
0x22: {  	[simem:s7], [sflag:s8] =	dma.local @!p0 [hbm:s6], $0xF7A  }
0x23: {  	s9 =	sor.u32 $0xD0000000, s2;
	s6 =	simm.s32 $0x108;
	_ =	swait.ge @!p0 [sflag:s8], $0x0  }
0x24: {  	s3 =	sadd.s32 $0x88, s3;
	s6 =	simm.s32 @!p1 $0x1082;
	[sflag:s4] =	ssyncset.s32 $0xFFFFF086  }
0x25: {  	[simem:s6], [sflag:s4] =	dma.local [hbm:s3], $0xF7A  }
0x26: {  	[smem:$0x3F9D] =	sst s1;
	(tag) =	ssettag s2;
	_ =	strace s9  }
0x27: {  	s1 =	sld [smem:$0x3FAD]  }
0x28: {  	s2 =	sld [smem:$0x3FAE]  }
0x29: {  	s4 =	sld [smem:$0x3FB0]  }
0x2a: {  	p0 =	seq.s32 s5, $0x0;
	s5 =	sld [smem:$0x3FB1]  }
0x2b: {  	s6 =	sld [smem:$0x3FB2]  }
0x2c: {  	s7 =	sld [smem:$0x3FB3]  }
0x2d: {  	s3 =	simm.s32 $0x108;
	s8 =	sld [smem:$0x3FB4]  }
0x2e: {  	s3 =	simm.s32 @!p0 $0x1082;
	s9 =	sld [smem:$0x3FB5]  }
0x2f: {  	lr =	sadd.s32 s0, s3;
	s0 =	sld [smem:$0x3FAC]  }
0x30: {  	s3 =	sld [smem:$0x3FAF]  }
0x31: {  	[smem:$0x3FB8] =	sst s10  }
0x32: {  	s10 =	sld [smem:$0x3FB6];
	_ =	sdelay $0x3  }
0x33: {  	p0 =	seq.s32 s10, $0x1;
	s10 =	sld [smem:$0x3FB8];
	_ =	sdelay $0x3  }
0x34: {  	[smem:$0x3FB8] =	sst s10  }
0x35: {  	s10 =	sld [smem:$0x3FB7];
	_ =	sdelay $0x3  }
0x36: {  	p1 =	seq.s32 s10, $0x1;
	s10 =	sld [smem:$0x3FB8];
	_ =	sdelay $0x3  }
0x37: {  	[smem:$0x3FB8] =	sst s10  }
0x38: {  	s10 =	sld [smem:$0x3FB9]  }
0x39: {  	_ = 	snop;
	(pc) =	sbr.ind lr, $3  }
0x3a: {  	_ = 	snop  }
0x3b: {  	_ = 	snop  }
0x3c: {  	p2 =	seq.s32 s10, $0x1;
	s10 =	sld [smem:$0x3FB8]  }
0x3d: {  	_ =	shalt  }
0x3e: {  	_ =	shalt  }
0x3f: {  	_ =	shalt  }
0x40: {  	_ =	shalt  }
0x41: {  	_ =	shalt  }
0x42: {  	_ =	shalt  }
0x43: {  	_ =	shalt  }
0x44: {  	_ =	shalt  }
0x45: {  	_ =	shalt  }
0x46: {  	_ =	shalt  }
0x47: {  	_ =	shalt  }
0x48: {  	_ =	shalt  }
0x49: {  	_ =	shalt  }
0x4a: {  	_ =	shalt  }
0x4b: {  	_ =	shalt  }
0x4c: {  	_ =	shalt  }
0x4d: {  	_ =	shalt  }
0x4e: {  	_ =	shalt  }
0x4f: {  	_ =	shalt  }
0x50: {  	_ =	shalt  }
0x51: {  	_ =	shalt  }
0x52: {  	_ =	shalt  }
0x53: {  	_ =	shalt  }
0x54: {  	_ =	shalt  }
0x55: {  	_ =	shalt  }
0x56: {  	_ =	shalt  }
0x57: {  	_ =	shalt  }
0x58: {  	_ =	shalt  }
0x59: {  	_ =	shalt  }
0x5a: {  	_ =	shalt  }
0x5b: {  	_ =	shalt  }
0x5c: {  	_ =	shalt  }
0x5d: {  	_ =	shalt  }
0x5e: {  	_ =	shalt  }
0x5f: {  	_ =	shalt  }
0x60: {  	_ =	shalt  }
0x61: {  	_ =	shalt  }
0x62: {  	_ =	shalt  }
0x63: {  	_ =	shalt  }
0x64: {  	_ =	shalt  }
0x65: {  	_ =	shalt  }
0x66: {  	_ =	shalt  }
0x67: {  	_ =	shalt  }
0x68: {  	_ =	shalt  }
0x69: {  	_ =	shalt  }
0x6a: {  	_ =	shalt  }
0x6b: {  	_ =	shalt  }
0x6c: {  	_ =	shalt  }
0x6d: {  	_ =	shalt  }
0x6e: {  	_ =	shalt  }
0x6f: {  	_ =	shalt  }
0x70: {  	_ =	shalt  }
0x71: {  	_ =	shalt  }
0x72: {  	_ =	shalt  }
0x73: {  	_ =	shalt  }
0x74: {  	_ =	shalt  }
0x75: {  	_ =	shalt  }
0x76: {  	_ =	shalt  }
0x77: {  	_ =	shalt  }
0x78: {  	_ =	shalt  }
0x79: {  	_ =	shalt  }
0x7a: {  	_ =	shalt  }
0x7b: {  	_ =	shalt  }
0x7c: {  	_ =	shalt  }
0x7d: {  	_ =	shalt  }
0x7e: {  	_ =	shalt  }
0x7f: {  	_ =	shalt  }
0x80: {  	_ =	shalt  }
0x81: {  	_ =	shalt  }
0x82: {  	_ =	shalt  }
0x83: {  	_ =	shalt  }
0x84: {  	_ =	shalt  }
0x85: {  	_ =	shalt  }
0x86: {  	_ =	shalt  }
0x87: {  	_ =	shalt  }
.Lfunc_end0:
.L_simem_size_0:
called_computation_lowered:
.L_overlay_start_0:
0x88: {  	s2 =	sld [smem:$0x3FD9]  }
0x89: {  	s3 =	sld [smem:$0x3FFE];
	_ =	sdelay $0x1  }
0x8a: {  	s1 =	srdreg.scid  }
0x8b: {  	s0 =	sand.u32 $0x1, s1  }
0x8c: {  	s17 =	sshll.u32 s0, $0xA;
	s2 =	sadd.s32 s3, s2  }
0x8d: {  	s2 =	sadd.s32 s2, s17  }
0x8e: {  	[smem:$0x3FC4] =	sst s2  }
0x8f: {  	_ = 	snop  }
0x90: {  	s2 =	sld [smem:$0x3FD0];
	(tm) =	ssettm $0x1  }
0x91: {  	s18 =	sld [smem:$0x3FFB];
	_ =	sdelay $0x3  }
0x92: {  	_ =	strace s18  }
0x93: {  	s3 =	sld [smem:$0x3FFC];
	_ =	sdelay $0x3  }
0x94: {  	_ =	strace s3  }
0x95: {  	s3 =	sld [smem:$0x3FFD];
	_ =	sdelay $0x3  }
0x96: {  	_ =	strace s3  }
0x97: {  	_ =	strace $0x8FFFFFFF  }
0x98: {  	s19 =	sld [smem:$0x3FDB];
	_ =	sdelay $0x1  }
0x99: {  	s4 =	simm.s32 $_scs_section_size  }
0x9a: {  	s5 =	simm.s32 $_size__tile_overlayer_lowered;
	s6 =	simm.s32 $_tile_overlayer_lowered  }
0x9b: {  	s22 =	simm.s32 $0x1BFF;
	s21 =	sshll.u32 s6, $0x1;
	s3 =	sadd.s32 s4, s19  }
0x9c: {  	s7 =	simm.s32 $0x0;
	s20 =	sshll.u32 s5, $0x1;
	s5 =	sadd.s32 s21, s3  }
0x9d: {  	[timem:s7], [sflag:s22] =	dma.local [hbm:s5], s20  }
0x9e: {  	_ =	swait.ge [sflag:s22], s20  }
0x9f: {  	s4 =	ssub.s32 $0x0, s20;
	[sflag:s22] =	ssyncset.done $0x0  }
0xa0: {  	[sflag:s22] =	ssyncadd.s32 s4;
	_ =	sdelay $0x1  }
0xa1: {  	s23 =	simm.s32 $0x1B8B  }
0xa2: {  	_ =	swait.ge [sflag:s23], $0x1  }
0xa3: {  	[sflag:s23] =	ssyncset.done $0x0  }
0xa4: {  	s25 =	simm.s32 $0x1B8E;
	s24 =	sld [smem:$0x3FFE];
	[sflag:s23] =	ssyncadd.s32 $0xFFFFFFFF  }
0xa5: {  	s26 =	simm.s32 $execute0_lowered;
	[smem:$0x3FD2] =	sst s25  }
0xa6: {  	s5 =	sshll.u32 s26, $0x1;
	_ =	strace $0x80000046;
	[dreg:$0x1] =	wrdreg $0xFFFFFFFF  }
0xa7: {  	s28 =	simm.s32 $_size_execute0_lowered;
	s3 =	sadd.s32 s3, s5;
	[dreg:$0x0] =	wrdreg $0x0  }
0xa8: {  	s5 =	sshll.u32 s28, $0x1;
	[dreg:$0x2] =	wrdreg s3  }
0xa9: {  	[dreg:$0x3] =	wrdreg s5  }
0xaa: {  	[dreg:$0x4] =	wrdreg $0xC0  }
0xab: {  	_ =	task [dreg:s7], $0x5FFFF  }
0xac: {  	[dreg:$0x1] =	wrdreg $0xFFFFFFFF  }
0xad: {  	[dreg:$0x0] =	wrdreg $0x60  }
0xae: {  	[dreg:$0x2] =	wrdreg s24  }
0xaf: {  	[dreg:$0x3] =	wrdreg s2  }
0xb0: {  	[dreg:$0x4] =	wrdreg $0x9  }
0xb1: {  	_ =	task.clear_ibuf [dreg:s7], $0x5FFFF;
	_ =	strace $0x90000046  }
0xb2: {  	s29 =	simm.s32 $0x9;
	_ =	strace $0x80000048  }
0xb3: {  	_ =	swait.ge [sflag:s29], $0x1  }
0xb4: {  	[sflag:s29] =	ssyncadd.s32 $0xFFFFFFFF  }
0xb5: {  	_ =	strace $0x90000048  }
0xb6: {  	_ =	sfence  }
0xb7: {  	s30 =	sld [smem:$0x0];
	_ =	sdelay $0x2  }
0xb8: {  	s31 =	sshll.u32 s1, $0xD;
	s1 =	sshrl.u32 s1, $0x2  }
0xb9: {  	s3 =	sand.u32 $0x4000, s31;
	s1 =	sadd.s32 s1, s30  }
0xba: {  	s0 =	sor.u32 s3, s0;
	s1 =	sshll.u32 s1, $0x11  }
0xbb: {  	s0 =	sor.u32 s1, s0  }
0xbc: {  	s0 =	sadd.s32 $0x8F2B, s0  }
0xbd: {  	[sflag:s0] =	ssyncadd.remote.s32 $0x1  }
0xbe: {  	_ =	sfence.sel $0xFFFF  }
0xbf: {  	[dreg:$0x0] =	wrdreg $0xFFFFFFFF;
	(pc) =	sbr.abs _section_cstart, $3  }
0xc0: {  	[dreg:$0x1] =	wrdreg $0xFFFFFFFF  }
0xc1: {  	_ =	task.clear_ibuf [dreg:s7], $0x2FFFF;
	_ =	strace $0x9FFFFFFF  }
0xc2: {  	(tm) =	ssettm $0x7FFFFFFF  }
0xc3: {  	_ =	shalt  }
tec
execute0_lowered:
.L_overlay_start_1:
0x0: {  	(tag) =	ssettag $0x1  }
0x1: {  	s0 =	rddreg [dreg:$0x0];
	s1 =	srdreg.scid  }
0x2: {  	s3 =	stileid.u32;
	s2 =	rddreg [dreg:$0x1]  }
0x3: {  	s8 =	simm.s32 $0x3;
	s9 =	simm.s32 $0x11C00;
	s10 =	simm.s32 $0x12400  }
0x4: {  	s11 =	simm.s32 $0x12C00;
	s12 =	simm.s32 $0x13400;
	s13 =	simm.s32 $0x13C00  }
0x5: {  	s14 =	simm.s32 $0x14400;
	s15 =	simm.s32 $0x14C00;
	s16 =	simm.s32 $0x15400  }
0x6: {  	s17 =	simm.s32 $0x15C00;
	s18 =	simm.s32 $0x16400;
	s19 =	simm.s32 $0x16C00  }
0x7: {  	s20 =	simm.s32 $0x17400;
	s21 =	simm.s32 $0x1;
	s22 =	simm.s32 $0x80  }
0x8: {  	s23 =	simm.s32 $0x400;
	s1 =	sand.u32 $0x1, s1;
	s4 =	sshll.u32 s3, $0x1  }
0x9: {  	s24 =	simm.s32 $0x17C00;
	s25 =	simm.s32 $0x2;
	s5 =	sor.u32 s1, s4  }
0xa: {  	s3 =	simm.s32 $0x0;
	s1 =	ssub.s32 $0x2, s1;
	s4 =	smul.u32 $0x980, s5  }
.Ltmp0:
0xb: {  	[smem:$0x7FF] =	sst s3;
	s6 =	sshrl.u32 s1, $0x1;
	(pc) =	sbr.rel .LBB2_1-.Ltmp0, $4  }
0xc: {  	_ =	strace $0x80000047;
	s5 =	sshll.u32 s5, $0x7;
	s30 =	ssub.s32 s1, s6  }
0xd: {  	v2 =	vlaneseq.u32;
	s7 =	sadd.s32 s4, s0;
	s4 =	sadd.s32 $0x13A00, s0;
	s0 =	smax.u32 s30, $0x1  }
0xe: {  	vm0 =	vmmov $0xffff;
	v1 =	vshrl.u32 v2, $0x3;
	s6 =	simm.s32 $0x10C00;
	s31 =	sadd.s32 $0xA00, s7;
	[dreg:$0x4] =	wrdreg s0  }
0xf: {  	v0 =	vand.u32 $0x7, v2;
	v2 =	vor.u32 $0x8, v2;
	v1 =	vmul.u32 $0x8, v1;
	s1 =	simm.s32 $0x0;
	s7 =	simm.s32 $0x11400;
	[dreg:$0x3] =	wrdreg s31  }
.LBB2_19:
0x10: {  	s1 =	rddreg [dreg:$0x5]  }
0x11: {  	s0 =	rddreg [dreg:$0x4];
	s1 =	sadd.s32 $0x1, s1  }
0x12: {  	p0 =	sne.s32 s1, s0  }
.Ltmp1:
0x13: {  	_ = 	snop;
	(pc) =	sbr.rel @!p0 .LBB2_20-.Ltmp1, $1  }
0x14: {  	_ =	sdelay $0x3  }
.LBB2_1:
0x15: {  	[dreg:$0x5] =	wrdreg s1  }
0x16: {  	s0 =	rddreg [dreg:$0x3]  }
0x17: {  	[tilespmem:s3], [sflag:$0x3] =	stream.linear.gather [hbm4b:s0+s3], $0x4C00, $0x38;
	[tilespmem:$0x17F00] =	vst v63  }
0x18: {  	_ =	swait.ge [sflag:s8], $0x4C00  }
0x19: {  	[sflag:s8] =	ssyncset.done $0x0  }
0x1a: {  	[sflag:s8] =	ssyncadd.s32 $0xFFFFB400  }
0x1b: {  	v3 =	vld [tilespmem:$0x0];
	_ =	sdelay $0x4  }
0x1c: {  	v4 =	vshll.u32 v3, $0x1  }
0x1d: {  	v3 =	vand.u32 $0x7, v3;
	v4 =	vand.u32 $0xFFFFFFF0, v4  }
0x1e: {  	v3 =	vor.u32 v3, v4  }
0x1f: {  	v4 =	vperm.xlane v3, v0;
	_ =	sdelay $0x1  }
0x20: {  	v3 =	vperm.xlane v3, v2;
	v4 =	vadd.s32 v1, v4;
	_ =	sdelay $0x1  }
0x21: {  	v3 =	vadd.s32 v1, v3;
	_ =	sdelay $0x1  }
0x22: {  	s1 =	simm.s32 $0x4C00  }
0x23: {  	[tilespmem:s1], [sflag:$0x1] =	stream.indirect_vreg.gather [hbm4b:s4+s3], $0x80, v4, vm0, $0xb8;
	[tilespmem:$0x17F00] =	vst v63  }
0x24: {  	s26 =	simm.s32 $0x5400  }
0x25: {  	[tilespmem:s26], [sflag:$0x1] =	stream.indirect_vreg.gather [hbm4b:s4+s3], $0x80, v3, vm0, $0xb8;
	[tilespmem:$0x17F00] =	vst v63  }
0x26: {  	v3 =	vld [tilespmem:$0x10];
	_ =	sdelay $0x4  }
0x27: {  	v45 =	vshll.u32 v3, $0x1  }
0x28: {  	v3 =	vand.u32 $0x7, v3;
	v4 =	vand.u32 $0xFFFFFFF0, v45  }
0x29: {  	v3 =	vor.u32 v3, v4  }
0x2a: {  	v4 =	vperm.xlane v3, v0;
	_ =	sdelay $0x1  }
0x2b: {  	v3 =	vperm.xlane v3, v2;
	v4 =	vadd.s32 v1, v4;
	_ =	sdelay $0x1  }
0x2c: {  	v3 =	vadd.s32 v1, v3;
	_ =	sdelay $0x1  }
0x2d: {  	s28 =	simm.s32 $0x5C00  }
0x2e: {  	[tilespmem:s28], [sflag:$0x1] =	stream.indirect_vreg.gather [hbm4b:s4+s3], $0x80, v4, vm0, $0xb8;
	[tilespmem:$0x17F00] =	vst v63  }
0x2f: {  	s29 =	simm.s32 $0x6400  }
0x30: {  	[tilespmem:s29], [sflag:$0x1] =	stream.indirect_vreg.gather [hbm4b:s4+s3], $0x80, v3, vm0, $0xb8;
	[tilespmem:$0x17F00] =	vst v63  }
0x31: {  	v3 =	vld [tilespmem:$0x20];
	_ =	sdelay $0x4  }
0x32: {  	v46 =	vshll.u32 v3, $0x1  }
0x33: {  	v3 =	vand.u32 $0x7, v3;
	v4 =	vand.u32 $0xFFFFFFF0, v46  }
0x34: {  	v3 =	vor.u32 v3, v4  }
0x35: {  	v4 =	vperm.xlane v3, v0;
	_ =	sdelay $0x1  }
0x36: {  	v3 =	vperm.xlane v3, v2;
	v4 =	vadd.s32 v1, v4;
	_ =	sdelay $0x1  }
0x37: {  	v3 =	vadd.s32 v1, v3;
	_ =	sdelay $0x1  }
0x38: {  	s30 =	simm.s32 $0x6C00  }
0x39: {  	[tilespmem:s30], [sflag:$0x1] =	stream.indirect_vreg.gather [hbm4b:s4+s3], $0x80, v4, vm0, $0xb8;
	[tilespmem:$0x17F00] =	vst v63  }
0x3a: {  	s31 =	simm.s32 $0x7400  }
0x3b: {  	[tilespmem:s31], [sflag:$0x1] =	stream.indirect_vreg.gather [hbm4b:s4+s3], $0x80, v3, vm0, $0xb8;
	[tilespmem:$0x17F00] =	vst v63  }
0x3c: {  	v3 =	vld [tilespmem:$0x30];
	_ =	sdelay $0x4  }
0x3d: {  	v47 =	vshll.u32 v3, $0x1  }
0x3e: {  	v3 =	vand.u32 $0x7, v3;
	v4 =	vand.u32 $0xFFFFFFF0, v47  }
0x3f: {  	v3 =	vor.u32 v3, v4  }
0x40: {  	v4 =	vperm.xlane v3, v0;
	_ =	sdelay $0x1  }
0x41: {  	v3 =	vperm.xlane v3, v2;
	v4 =	vadd.s32 v1, v4;
	_ =	sdelay $0x1  }
0x42: {  	v3 =	vadd.s32 v1, v3;
	_ =	sdelay $0x1  }
0x43: {  	s1 =	simm.s32 $0x7C00  }
0x44: {  	[tilespmem:s1], [sflag:$0x1] =	stream.indirect_vreg.gather [hbm4b:s4+s3], $0x80, v4, vm0, $0xb8;
	[tilespmem:$0x17F00] =	vst v63  }
0x45: {  	s26 =	simm.s32 $0x8400  }
0x46: {  	[tilespmem:s26], [sflag:$0x1] =	stream.indirect_vreg.gather [hbm4b:s4+s3], $0x80, v3, vm0, $0xb8;
	[tilespmem:$0x17F00] =	vst v63  }
0x47: {  	v3 =	vld [tilespmem:$0x40];
	_ =	sdelay $0x4  }
0x48: {  	v48 =	vshll.u32 v3, $0x1  }
0x49: {  	v3 =	vand.u32 $0x7, v3;
	v4 =	vand.u32 $0xFFFFFFF0, v48  }
0x4a: {  	v3 =	vor.u32 v3, v4  }
0x4b: {  	v4 =	vperm.xlane v3, v0;
	_ =	sdelay $0x1  }
0x4c: {  	v3 =	vperm.xlane v3, v2;
	v4 =	vadd.s32 v1, v4;
	_ =	sdelay $0x1  }
0x4d: {  	v3 =	vadd.s32 v1, v3;
	_ =	sdelay $0x1  }
0x4e: {  	s28 =	simm.s32 $0x8C00  }
0x4f: {  	[tilespmem:s28], [sflag:$0x1] =	stream.indirect_vreg.gather [hbm4b:s4+s3], $0x80, v4, vm0, $0xb8;
	[tilespmem:$0x17F00] =	vst v63  }
0x50: {  	s29 =	simm.s32 $0x9400  }
0x51: {  	[tilespmem:s29], [sflag:$0x1] =	stream.indirect_vreg.gather [hbm4b:s4+s3], $0x80, v3, vm0, $0xb8;
	[tilespmem:$0x17F00] =	vst v63  }
0x52: {  	v3 =	vld [tilespmem:$0x50];
	_ =	sdelay $0x4  }
0x53: {  	v49 =	vshll.u32 v3, $0x1  }
0x54: {  	v3 =	vand.u32 $0x7, v3;
	v4 =	vand.u32 $0xFFFFFFF0, v49  }
0x55: {  	v3 =	vor.u32 v3, v4  }
0x56: {  	v4 =	vperm.xlane v3, v0;
	_ =	sdelay $0x1  }
0x57: {  	v3 =	vperm.xlane v3, v2;
	v4 =	vadd.s32 v1, v4;
	_ =	sdelay $0x1  }
0x58: {  	v3 =	vadd.s32 v1, v3;
	_ =	sdelay $0x1  }
0x59: {  	s30 =	simm.s32 $0x9C00  }
0x5a: {  	[tilespmem:s30], [sflag:$0x1] =	stream.indirect_vreg.gather [hbm4b:s4+s3], $0x80, v4, vm0, $0xb8;
	[tilespmem:$0x17F00] =	vst v63  }
0x5b: {  	s31 =	simm.s32 $0xA400  }
0x5c: {  	[tilespmem:s31], [sflag:$0x1] =	stream.indirect_vreg.gather [hbm4b:s4+s3], $0x80, v3, vm0, $0xb8;
	[tilespmem:$0x17F00] =	vst v63  }
0x5d: {  	v3 =	vld.msk [tilespmem:$0x60], $0xff;
	_ =	sdelay $0x4  }
0x5e: {  	v50 =	vshll.u32 v3, $0x1  }
0x5f: {  	v3 =	vand.u32 $0x7, v3;
	v4 =	vand.u32 $0xFFFFFFF0, v50  }
0x60: {  	v3 =	vor.u32 v3, v4  }
0x61: {  	v3 =	vperm.xlane v3, v0;
	_ =	sdelay $0x1  }
0x62: {  	v3 =	vadd.s32 v1, v3;
	_ =	sdelay $0x3  }
0x63: {  	s1 =	simm.s32 $0xAC00  }
0x64: {  	[tilespmem:s1], [sflag:$0x1] =	stream.indirect_vreg.gather [hbm4b:s4+s3], $0x80, v3, vm0, $0xb8;
	[tilespmem:$0x17F00] =	vst v63  }
0x65: {  	v3 =	vld [tilespmem:$0x68];
	_ =	sdelay $0x4  }
0x66: {  	v51 =	vshll.u32 v3, $0x1  }
0x67: {  	v3 =	vand.u32 $0x7, v3;
	v4 =	vand.u32 $0xFFFFFFF0, v51  }
0x68: {  	v3 =	vor.u32 v3, v4  }
0x69: {  	v4 =	vperm.xlane v3, v0;
	_ =	sdelay $0x1  }
0x6a: {  	v3 =	vperm.xlane v3, v2;
	v4 =	vadd.s32 v1, v4;
	_ =	sdelay $0x1  }
0x6b: {  	v3 =	vadd.s32 v1, v3;
	_ =	sdelay $0x1  }
0x6c: {  	s26 =	simm.s32 $0xB400  }
0x6d: {  	[tilespmem:s26], [sflag:$0x1] =	stream.indirect_vreg.gather [hbm4b:s4+s3], $0x80, v4, vm0, $0xb8;
	[tilespmem:$0x17F00] =	vst v63  }
0x6e: {  	s28 =	simm.s32 $0xBC00  }
0x6f: {  	[tilespmem:s28], [sflag:$0x1] =	stream.indirect_vreg.gather [hbm4b:s4+s3], $0x80, v3, vm0, $0xb8;
	[tilespmem:$0x17F00] =	vst v63  }
0x70: {  	v3 =	vld [tilespmem:$0x78];
	_ =	sdelay $0x4  }
0x71: {  	v52 =	vshll.u32 v3, $0x1  }
0x72: {  	v3 =	vand.u32 $0x7, v3;
	v4 =	vand.u32 $0xFFFFFFF0, v52  }
0x73: {  	v3 =	vor.u32 v3, v4  }
0x74: {  	v4 =	vperm.xlane v3, v0;
	_ =	sdelay $0x1  }
0x75: {  	v3 =	vperm.xlane v3, v2;
	v4 =	vadd.s32 v1, v4;
	_ =	sdelay $0x1  }
0x76: {  	v3 =	vadd.s32 v1, v3;
	_ =	sdelay $0x1  }
0x77: {  	s29 =	simm.s32 $0xC400  }
0x78: {  	[tilespmem:s29], [sflag:$0x1] =	stream.indirect_vreg.gather [hbm4b:s4+s3], $0x80, v4, vm0, $0xb8;
	[tilespmem:$0x17F00] =	vst v63  }
0x79: {  	s30 =	simm.s32 $0xCC00  }
0x7a: {  	[tilespmem:s30], [sflag:$0x1] =	stream.indirect_vreg.gather [hbm4b:s4+s3], $0x80, v3, vm0, $0xb8;
	[tilespmem:$0x17F00] =	vst v63  }
0x7b: {  	v3 =	vld [tilespmem:$0x88];
	_ =	sdelay $0x4  }
0x7c: {  	v53 =	vshll.u32 v3, $0x1  }
0x7d: {  	v3 =	vand.u32 $0x7, v3;
	v4 =	vand.u32 $0xFFFFFFF0, v53  }
0x7e: {  	v3 =	vor.u32 v3, v4  }
0x7f: {  	v4 =	vperm.xlane v3, v0;
	_ =	sdelay $0x1  }
0x80: {  	v3 =	vperm.xlane v3, v2;
	v4 =	vadd.s32 v1, v4;
	_ =	sdelay $0x1  }
0x81: {  	v3 =	vadd.s32 v1, v3;
	_ =	sdelay $0x1  }
0x82: {  	s31 =	simm.s32 $0xD400  }
0x83: {  	[tilespmem:s31], [sflag:$0x1] =	stream.indirect_vreg.gather [hbm4b:s4+s3], $0x80, v4, vm0, $0xb8;
	[tilespmem:$0x17F00] =	vst v63  }
0x84: {  	s1 =	simm.s32 $0xDC00  }
0x85: {  	[tilespmem:s1], [sflag:$0x1] =	stream.indirect_vreg.gather [hbm4b:s4+s3], $0x80, v3, vm0, $0xb8;
	[tilespmem:$0x17F00] =	vst v63  }
0x86: {  	v3 =	vld [tilespmem:$0x98];
	_ =	sdelay $0x4  }
0x87: {  	v54 =	vshll.u32 v3, $0x1  }
0x88: {  	v3 =	vand.u32 $0x7, v3;
	v4 =	vand.u32 $0xFFFFFFF0, v54  }
0x89: {  	v3 =	vor.u32 v3, v4  }
0x8a: {  	v4 =	vperm.xlane v3, v0;
	_ =	sdelay $0x1  }
0x8b: {  	v3 =	vperm.xlane v3, v2;
	v4 =	vadd.s32 v1, v4;
	_ =	sdelay $0x1  }
0x8c: {  	v3 =	vadd.s32 v1, v3;
	_ =	sdelay $0x1  }
0x8d: {  	s26 =	simm.s32 $0xE400  }
0x8e: {  	[tilespmem:s26], [sflag:$0x2] =	stream.indirect_vreg.gather [hbm4b:s4+s3], $0x80, v4, vm0, $0xb8;
	[tilespmem:$0x17F00] =	vst v63  }
0x8f: {  	s28 =	simm.s32 $0xEC00  }
0x90: {  	[tilespmem:s28], [sflag:$0x2] =	stream.indirect_vreg.gather [hbm4b:s4+s3], $0x80, v3, vm0, $0xb8;
	[tilespmem:$0x17F00] =	vst v63  }
0x91: {  	v3 =	vld [tilespmem:$0xA8];
	_ =	sdelay $0x4  }
0x92: {  	v55 =	vshll.u32 v3, $0x1  }
0x93: {  	v3 =	vand.u32 $0x7, v3;
	v4 =	vand.u32 $0xFFFFFFF0, v55  }
0x94: {  	v3 =	vor.u32 v3, v4  }
0x95: {  	v4 =	vperm.xlane v3, v0;
	_ =	sdelay $0x1  }
0x96: {  	v3 =	vperm.xlane v3, v2;
	v4 =	vadd.s32 v1, v4;
	_ =	sdelay $0x1  }
0x97: {  	v3 =	vadd.s32 v1, v3;
	_ =	sdelay $0x1  }
0x98: {  	s29 =	simm.s32 $0xF400  }
0x99: {  	[tilespmem:s29], [sflag:$0x2] =	stream.indirect_vreg.gather [hbm4b:s4+s3], $0x80, v4, vm0, $0xb8;
	[tilespmem:$0x17F00] =	vst v63  }
0x9a: {  	s30 =	simm.s32 $0xFC00  }
0x9b: {  	[tilespmem:s30], [sflag:$0x2] =	stream.indirect_vreg.gather [hbm4b:s4+s3], $0x80, v3, vm0, $0xb8;
	[tilespmem:$0x17F00] =	vst v63  }
0x9c: {  	v3 =	vld [tilespmem:$0xB8];
	_ =	sdelay $0x4  }
0x9d: {  	v56 =	vshll.u32 v3, $0x1  }
0x9e: {  	v3 =	vand.u32 $0x7, v3;
	v4 =	vand.u32 $0xFFFFFFF0, v56  }
0x9f: {  	v3 =	vor.u32 v3, v4  }
0xa0: {  	v4 =	vperm.xlane v3, v0;
	_ =	sdelay $0x1  }
0xa1: {  	v3 =	vperm.xlane v3, v2;
	v4 =	vadd.s32 v1, v4;
	_ =	sdelay $0x1  }
0xa2: {  	v3 =	vadd.s32 v1, v3;
	_ =	sdelay $0x1  }
0xa3: {  	s31 =	simm.s32 $0x10400  }
0xa4: {  	[tilespmem:s31], [sflag:$0x2] =	stream.indirect_vreg.gather [hbm4b:s4+s3], $0x80, v4, vm0, $0xb8;
	[tilespmem:$0x17F00] =	vst v63  }
0xa5: {  	_ = 	snop  }
0xa6: {  	[tilespmem:s6], [sflag:$0x2] =	stream.indirect_vreg.gather [hbm4b:s4+s3], $0x80, v3, vm0, $0xb8;
	[tilespmem:$0x17F00] =	vst v63  }
0xa7: {  	v3 =	vld [tilespmem:$0xC8];
	_ =	sdelay $0x4  }
0xa8: {  	v57 =	vshll.u32 v3, $0x1  }
0xa9: {  	v3 =	vand.u32 $0x7, v3;
	v4 =	vand.u32 $0xFFFFFFF0, v57  }
0xaa: {  	v3 =	vor.u32 v3, v4  }
0xab: {  	v4 =	vperm.xlane v3, v0;
	_ =	sdelay $0x1  }
0xac: {  	v3 =	vperm.xlane v3, v2;
	v4 =	vadd.s32 v1, v4;
	_ =	sdelay $0x1  }
0xad: {  	v3 =	vadd.s32 v1, v3;
	_ =	sdelay $0x2  }
0xae: {  	[tilespmem:s7], [sflag:$0x2] =	stream.indirect_vreg.gather [hbm4b:s4+s3], $0x80, v4, vm0, $0xb8;
	[tilespmem:$0x17F00] =	vst v63  }
0xaf: {  	_ = 	snop  }
0xb0: {  	[tilespmem:s9], [sflag:$0x2] =	stream.indirect_vreg.gather [hbm4b:s4+s3], $0x80, v3, vm0, $0xb8;
	[tilespmem:$0x17F00] =	vst v63  }
0xb1: {  	v3 =	vld [tilespmem:$0xD8];
	_ =	sdelay $0x4  }
0xb2: {  	v58 =	vshll.u32 v3, $0x1  }
0xb3: {  	v3 =	vand.u32 $0x7, v3;
	v4 =	vand.u32 $0xFFFFFFF0, v58  }
0xb4: {  	v3 =	vor.u32 v3, v4  }
0xb5: {  	v4 =	vperm.xlane v3, v0;
	_ =	sdelay $0x1  }
0xb6: {  	v3 =	vperm.xlane v3, v2;
	v4 =	vadd.s32 v1, v4;
	_ =	sdelay $0x1  }
0xb7: {  	v3 =	vadd.s32 v1, v3;
	_ =	sdelay $0x2  }
0xb8: {  	[tilespmem:s10], [sflag:$0x2] =	stream.indirect_vreg.gather [hbm4b:s4+s3], $0x80, v4, vm0, $0xb8;
	[tilespmem:$0x17F00] =	vst v63  }
0xb9: {  	_ = 	snop  }
0xba: {  	[tilespmem:s11], [sflag:$0x2] =	stream.indirect_vreg.gather [hbm4b:s4+s3], $0x80, v3, vm0, $0xb8;
	[tilespmem:$0x17F00] =	vst v63  }
0xbb: {  	v3 =	vld [tilespmem:$0xE8];
	_ =	sdelay $0x4  }
0xbc: {  	v59 =	vshll.u32 v3, $0x1  }
0xbd: {  	v3 =	vand.u32 $0x7, v3;
	v4 =	vand.u32 $0xFFFFFFF0, v59  }
0xbe: {  	v3 =	vor.u32 v3, v4  }
0xbf: {  	v4 =	vperm.xlane v3, v0;
	_ =	sdelay $0x1  }
0xc0: {  	v3 =	vperm.xlane v3, v2;
	v4 =	vadd.s32 v1, v4;
	_ =	sdelay $0x1  }
0xc1: {  	v3 =	vadd.s32 v1, v3;
	_ =	sdelay $0x2  }
0xc2: {  	[tilespmem:s12], [sflag:$0x2] =	stream.indirect_vreg.gather [hbm4b:s4+s3], $0x80, v4, vm0, $0xb8;
	[tilespmem:$0x17F00] =	vst v63  }
0xc3: {  	_ = 	snop  }
0xc4: {  	[tilespmem:s13], [sflag:$0x2] =	stream.indirect_vreg.gather [hbm4b:s4+s3], $0x80, v3, vm0, $0xb8;
	[tilespmem:$0x17F00] =	vst v63  }
0xc5: {  	v3 =	vld.msk [tilespmem:$0xF8], $0xff;
	_ =	sdelay $0x4  }
0xc6: {  	v60 =	vshll.u32 v3, $0x1  }
0xc7: {  	v3 =	vand.u32 $0x7, v3;
	v4 =	vand.u32 $0xFFFFFFF0, v60  }
0xc8: {  	v3 =	vor.u32 v3, v4  }
0xc9: {  	v3 =	vperm.xlane v3, v0;
	_ =	sdelay $0x1  }
0xca: {  	v3 =	vadd.s32 v1, v3;
	_ =	sdelay $0x4  }
0xcb: {  	[tilespmem:s14], [sflag:$0x2] =	stream.indirect_vreg.gather [hbm4b:s4+s3], $0x80, v3, vm0, $0xb8;
	[tilespmem:$0x17F00] =	vst v63  }
0xcc: {  	v3 =	vld [tilespmem:$0x100];
	_ =	sdelay $0x4  }
0xcd: {  	v61 =	vshll.u32 v3, $0x1  }
0xce: {  	v3 =	vand.u32 $0x7, v3;
	v4 =	vand.u32 $0xFFFFFFF0, v61  }
0xcf: {  	v3 =	vor.u32 v3, v4  }
0xd0: {  	v4 =	vperm.xlane v3, v0;
	_ =	sdelay $0x1  }
0xd1: {  	v3 =	vperm.xlane v3, v2;
	v4 =	vadd.s32 v1, v4;
	_ =	sdelay $0x1  }
0xd2: {  	v3 =	vadd.s32 v1, v3;
	_ =	sdelay $0x2  }
0xd3: {  	[tilespmem:s15], [sflag:$0x2] =	stream.indirect_vreg.gather [hbm4b:s4+s3], $0x80, v4, vm0, $0xb8;
	[tilespmem:$0x17F00] =	vst v63  }
0xd4: {  	_ = 	snop  }
0xd5: {  	[tilespmem:s16], [sflag:$0x2] =	stream.indirect_vreg.gather [hbm4b:s4+s3], $0x80, v3, vm0, $0xb8;
	[tilespmem:$0x17F00] =	vst v63  }
0xd6: {  	v3 =	vld [tilespmem:$0x110];
	_ =	sdelay $0x4  }
0xd7: {  	v62 =	vshll.u32 v3, $0x1  }
0xd8: {  	v3 =	vand.u32 $0x7, v3;
	v4 =	vand.u32 $0xFFFFFFF0, v62  }
0xd9: {  	v3 =	vor.u32 v3, v4  }
0xda: {  	v4 =	vperm.xlane v3, v0;
	_ =	sdelay $0x1  }
0xdb: {  	v3 =	vperm.xlane v3, v2;
	v4 =	vadd.s32 v1, v4;
	_ =	sdelay $0x1  }
0xdc: {  	v3 =	vadd.s32 v1, v3;
	_ =	sdelay $0x2  }
0xdd: {  	[tilespmem:s17], [sflag:$0x2] =	stream.indirect_vreg.gather [hbm4b:s4+s3], $0x80, v4, vm0, $0xb8;
	[tilespmem:$0x17F00] =	vst v63  }
0xde: {  	_ = 	snop  }
0xdf: {  	[tilespmem:s18], [sflag:$0x2] =	stream.indirect_vreg.gather [hbm4b:s4+s3], $0x80, v3, vm0, $0xb8;
	[tilespmem:$0x17F00] =	vst v63  }
0xe0: {  	v3 =	vld [tilespmem:$0x120];
	_ =	sdelay $0x4  }
0xe1: {  	v63 =	vshll.u32 v3, $0x1  }
0xe2: {  	v3 =	vand.u32 $0x7, v3;
	v4 =	vand.u32 $0xFFFFFFF0, v63  }
0xe3: {  	v3 =	vor.u32 v3, v4  }
0xe4: {  	v4 =	vperm.xlane v3, v0;
	_ =	sdelay $0x1  }
0xe5: {  	v3 =	vperm.xlane v3, v2;
	v4 =	vadd.s32 v1, v4;
	_ =	sdelay $0x1  }
0xe6: {  	v3 =	vadd.s32 v1, v3  }
.Ltmp2:
0xe7: {  	_ = 	snop;
	(pc) =	sbr.rel .LBB2_2-.Ltmp2, $4  }
0xe8: {  	_ = 	snop  }
0xe9: {  	[tilespmem:s19], [sflag:$0x2] =	stream.indirect_vreg.gather [hbm4b:s4+s3], $0x80, v4, vm0, $0xb8;
	[tilespmem:$0x17F00] =	vst v63  }
0xea: {  	s26 =	simm.s32 $0x0  }
0xeb: {  	[tilespmem:s20], [sflag:$0x2] =	stream.indirect_vreg.gather [hbm4b:s4+s3], $0x80, v3, vm0, $0xb8;
	[tilespmem:$0x17F00] =	vst v63  }
.LBB2_18:
0xec: {  	s26 =	sadd.s32 $0x1, s26  }
0xed: {  	s0 =	sadd.s32 s28, s2;
	p0 =	sne.s32 s26, $0x40  }
.Ltmp3:
0xee: {  	s0 =	sadd.s32 $0x10, s0;
	(pc) =	sbr.rel @!p0 .LBB2_19-.Ltmp3, $4  }
0xef: {  	[hbm4b:s0+s22] =	stream.strided.scatter [tilespmem:s24], [sflag:$0x3], $0x300, s23, s22, $0x38;
	[tilespmem:$0x17F00] =	vst v63  }
0xf0: {  	_ =	swait.ge [sflag:s8], $0x300  }
0xf1: {  	[sflag:s8] =	ssyncset.done $0x0  }
0xf2: {  	[sflag:s8] =	ssyncadd.s32 $0xFFFFFD00  }
.LBB2_2:
0xf3: {  	_ =	swait.ge [sflag:s21], $0x6800  }
0xf4: {  	[sflag:s21] =	ssyncset.done $0x0  }
0xf5: {  	[sflag:s21] =	ssyncadd.s32 $0xFFFF9800  }
0xf6: {  	s0 =	simm.s32 $0x0;
	_ =	swait.ge [sflag:s21], $0x3000  }
0xf7: {  	s1 =	sand.u32 $0xF800, s0;
	s0 =	sand.u32 $0x380, s0;
	[sflag:s21] =	ssyncset.done $0x0  }
0xf8: {  	s28 =	sor.u32 s0, s1;
	[sflag:s21] =	ssyncadd.s32 $0xFFFFD000  }
0xf9: {  	v3 =	vld [tilespmem:s28+$0x5070]  }
0xfa: {  	v5 =	vld [tilespmem:s28+$0x4C00]  }
0xfb: {  	v6 =	vld [tilespmem:s28+$0x4C10]  }
0xfc: {  	v7 =	vld [tilespmem:s28+$0x4C20]  }
0xfd: {  	v8 =	vld [tilespmem:s28+$0x4C30]  }
0xfe: {  	v9 =	vld [tilespmem:s28+$0x4C40]  }
0xff: {  	v10 =	vld [tilespmem:s28+$0x4C50]  }
0x100: {  	v11 =	vld [tilespmem:s28+$0x4C60]  }
0x101: {  	v4 =	vimm.f32 $0.0e+00;
	v14 =	vld [tilespmem:s28+$0x4C70]  }
0x102: {  	v15 =	vld [tilespmem:s28+$0x5000];
	v3 =	vadd.f32 v3, v4  }
0x103: {  	v18 =	vadd.f32 v5, v4;
	v17 =	vadd.f32 v6, v4  }
0x104: {  	v22 =	vld [tilespmem:s28+$0x5010];
	v16 =	vadd.f32 v7, v4;
	v12 =	vadd.f32 v8, v4  }
0x105: {  	v21 =	vld [tilespmem:s28+$0x5020];
	v13 =	vadd.f32 v9, v4;
	v9 =	vadd.f32 v10, v4  }
0x106: {  	v19 =	vld [tilespmem:s28+$0x5030];
	v10 =	vadd.f32 v11, v4;
	v6 =	vadd.f32 v14, v4  }
0x107: {  	s29 =	simm.s32 $0x180;
	s1 =	simm.s32 $0x300;
	v20 =	vld [tilespmem:s28+$0x5040];
	v11 =	vadd.f32 v15, v4;
	v14 =	vimm.f32 $0.0e+00;
	v7 =	vimm.f32 $0.0e+00  }
0x108: {  	s30 =	simm.s32 $0x600;
	s31 =	sand.u32 $0xF800, s1;
	s1 =	sand.u32 $0x380, s29;
	v23 =	vld [tilespmem:s28+$0x5050];
	v15 =	vimm.f32 $0.0e+00;
	v8 =	vimm.f32 $0.0e+00;
	v5 =	vimm.f32 $0.0e+00  }
.LBB2_3:
0x109: {  	p0 =	sne.s32 s30, $0x9300;
	v4 =	vadd.f32 v22, v4;
	v22 =	vld [tilespmem:s28+$0x5060];
	s28 =	sor.u32 s1, s31  }
0x10a: {  	v24 =	vld [tilespmem:s28+$0x5070];
	v14 =	vadd.f32 v21, v14  }
0x10b: {  	v21 =	vld [tilespmem:s28+$0x4C00];
	v7 =	vadd.f32 v19, v7  }
0x10c: {  	v19 =	vld [tilespmem:s28+$0x4C10];
	v15 =	vadd.f32 v20, v15  }
0x10d: {  	v20 =	vld [tilespmem:s28+$0x4C20];
	v8 =	vadd.f32 v23, v8  }
0x10e: {  	v23 =	vld [tilespmem:s28+$0x4C30];
	v5 =	vadd.f32 v22, v5  }
0x10f: {  	v22 =	vld [tilespmem:s28+$0x4C40];
	v3 =	vadd.f32 v24, v3  }
0x110: {  	v18 =	vadd.f32 v21, v18;
	v21 =	vld [tilespmem:s28+$0x4C50]  }
0x111: {  	v17 =	vadd.f32 v19, v17;
	v19 =	vld [tilespmem:s28+$0x4C60]  }
0x112: {  	v16 =	vadd.f32 v20, v16;
	v20 =	vld [tilespmem:s28+$0x4C70]  }
0x113: {  	v12 =	vadd.f32 v23, v12;
	v23 =	vld [tilespmem:s28+$0x5000]  }
.Ltmp4:
0x114: {  	v13 =	vadd.f32 v22, v13;
	v22 =	vld [tilespmem:s28+$0x5010];
	(pc) =	sbr.rel @p0 .LBB2_3-.Ltmp4, $4  }
0x115: {  	v9 =	vadd.f32 v21, v9;
	v21 =	vld [tilespmem:s28+$0x5020]  }
0x116: {  	v10 =	vadd.f32 v19, v10;
	v19 =	vld [tilespmem:s28+$0x5030]  }
0x117: {  	s29 =	sadd.s32 $0x180, s29;
	v6 =	vadd.f32 v20, v6;
	v20 =	vld [tilespmem:s28+$0x5040]  }
0x118: {  	s31 =	sand.u32 $0xF800, s30;
	s30 =	sadd.s32 $0x300, s30;
	s1 =	sand.u32 $0x380, s29;
	v11 =	vadd.f32 v23, v11;
	v23 =	vld [tilespmem:s28+$0x5050]  }
0x119: {  	s0 =	sor.u32 s1, s31;
	v24 =	vld [tilespmem:s28+$0x5060]  }
0x11a: {  	v25 =	vld [tilespmem:s0+$0x5070]  }
0x11b: {  	v26 =	vld [tilespmem:s0+$0x4C00]  }
0x11c: {  	v27 =	vld [tilespmem:s0+$0x4C10]  }
0x11d: {  	v28 =	vld [tilespmem:s0+$0x4C20]  }
0x11e: {  	v29 =	vld [tilespmem:s0+$0x4C30]  }
0x11f: {  	v30 =	vld [tilespmem:s0+$0x4C40]  }
0x120: {  	v31 =	vld [tilespmem:s0+$0x4C50]  }
0x121: {  	v32 =	vld [tilespmem:s0+$0x4C60]  }
0x122: {  	v33 =	vld [tilespmem:s0+$0x4C70]  }
0x123: {  	v34 =	vld [tilespmem:s0+$0x5000]  }
0x124: {  	v35 =	vld [tilespmem:s0+$0x5010]  }
0x125: {  	v36 =	vld [tilespmem:s0+$0x5020]  }
0x126: {  	v37 =	vld [tilespmem:s0+$0x5030]  }
0x127: {  	v38 =	vld [tilespmem:s0+$0x5040];
	v18 =	vadd.f32 v26, v18  }
0x128: {  	v62 =	vld [tilespmem:s0+$0x5050];
	v17 =	vadd.f32 v27, v17  }
0x129: {  	v63 =	vld [tilespmem:s0+$0x5060];
	v16 =	vadd.f32 v28, v16;
	[tilespmem:$0x17C00] =	vst v18  }
0x12a: {  	v12 =	vadd.f32 v29, v12;
	[tilespmem:$0x17C10] =	vst v17  }
0x12b: {  	v13 =	vadd.f32 v30, v13;
	[tilespmem:$0x17C20] =	vst v16  }
0x12c: {  	v9 =	vadd.f32 v31, v9;
	[tilespmem:$0x17C30] =	vst v12  }
0x12d: {  	v10 =	vadd.f32 v32, v10;
	[tilespmem:$0x17C40] =	vst v13  }
0x12e: {  	v4 =	vadd.f32 v22, v4;
	v6 =	vadd.f32 v33, v6;
	[tilespmem:$0x17C50] =	vst v9  }
0x12f: {  	v7 =	vadd.f32 v19, v7;
	v11 =	vadd.f32 v34, v11;
	[tilespmem:$0x17C60] =	vst v10  }
0x130: {  	v4 =	vadd.f32 v35, v4;
	[tilespmem:$0x17C70] =	vst v6  }
0x131: {  	v7 =	vadd.f32 v37, v7;
	v9 =	vadd.f32 v21, v14;
	[tilespmem:$0x17C80] =	vst v11  }
0x132: {  	v3 =	vadd.f32 v25, v3;
	v6 =	vadd.f32 v20, v15;
	[tilespmem:$0x17C90] =	vst v4  }
0x133: {  	v8 =	vadd.f32 v23, v8;
	[tilespmem:$0x17CB0] =	vst v7;
	v9 =	vadd.f32 v36, v9  }
0x134: {  	v4 =	vadd.f32 v24, v5;
	[tilespmem:$0x17CF0] =	vst v3;
	v5 =	vadd.f32 v38, v6  }
0x135: {  	v6 =	vadd.f32 v62, v8;
	[tilespmem:$0x17CA0] =	vst v9  }
0x136: {  	s1 =	simm.s32 $0x80;
	s0 =	simm.s32 $0x100;
	v4 =	vadd.f32 v63, v4;
	[tilespmem:$0x17CC0] =	vst v5  }
0x137: {  	s1 =	sand.u32 $0x380, s1;
	s0 =	sand.u32 $0x1F800, s0;
	[tilespmem:$0x17CD0] =	vst v6  }
0x138: {  	s28 =	sor.u32 s1, s0;
	[tilespmem:$0x17CE0] =	vst v4  }
0x139: {  	v3 =	vld [tilespmem:s28+$0x5070]  }
0x13a: {  	v5 =	vld [tilespmem:s28+$0x4C00]  }
0x13b: {  	v6 =	vld [tilespmem:s28+$0x4C10]  }
0x13c: {  	v7 =	vld [tilespmem:s28+$0x4C20]  }
0x13d: {  	v8 =	vld [tilespmem:s28+$0x4C30]  }
0x13e: {  	v9 =	vld [tilespmem:s28+$0x4C40]  }
0x13f: {  	v10 =	vld [tilespmem:s28+$0x4C50]  }
0x140: {  	v11 =	vld [tilespmem:s28+$0x4C60]  }
0x141: {  	v4 =	vimm.f32 $0.0e+00;
	v14 =	vld [tilespmem:s28+$0x4C70]  }
0x142: {  	v15 =	vld [tilespmem:s28+$0x5000];
	v3 =	vadd.f32 v3, v4  }
0x143: {  	v18 =	vadd.f32 v5, v4;
	v17 =	vadd.f32 v6, v4  }
0x144: {  	v22 =	vld [tilespmem:s28+$0x5010];
	v16 =	vadd.f32 v7, v4;
	v12 =	vadd.f32 v8, v4  }
0x145: {  	v21 =	vld [tilespmem:s28+$0x5020];
	v13 =	vadd.f32 v9, v4;
	v9 =	vadd.f32 v10, v4  }
0x146: {  	v19 =	vld [tilespmem:s28+$0x5030];
	v10 =	vadd.f32 v11, v4;
	v6 =	vadd.f32 v14, v4  }
0x147: {  	s29 =	simm.s32 $0x200;
	s1 =	simm.s32 $0x400;
	v20 =	vld [tilespmem:s28+$0x5040];
	v11 =	vadd.f32 v15, v4;
	v14 =	vimm.f32 $0.0e+00;
	v7 =	vimm.f32 $0.0e+00  }
0x148: {  	s30 =	simm.s32 $0x700;
	s31 =	sand.u32 $0x1F800, s1;
	s1 =	sand.u32 $0x380, s29;
	v23 =	vld [tilespmem:s28+$0x5050];
	v15 =	vimm.f32 $0.0e+00;
	v8 =	vimm.f32 $0.0e+00;
	v5 =	vimm.f32 $0.0e+00  }
.LBB2_5:
0x149: {  	p0 =	sne.s32 s30, $0x9400;
	v4 =	vadd.f32 v22, v4;
	v22 =	vld [tilespmem:s28+$0x5060];
	s28 =	sor.u32 s1, s31  }
0x14a: {  	v24 =	vld [tilespmem:s28+$0x5070];
	v14 =	vadd.f32 v21, v14  }
0x14b: {  	v21 =	vld [tilespmem:s28+$0x4C00];
	v7 =	vadd.f32 v19, v7  }
0x14c: {  	v19 =	vld [tilespmem:s28+$0x4C10];
	v15 =	vadd.f32 v20, v15  }
0x14d: {  	v20 =	vld [tilespmem:s28+$0x4C20];
	v8 =	vadd.f32 v23, v8  }
0x14e: {  	v23 =	vld [tilespmem:s28+$0x4C30];
	v5 =	vadd.f32 v22, v5  }
0x14f: {  	v22 =	vld [tilespmem:s28+$0x4C40];
	v3 =	vadd.f32 v24, v3  }
0x150: {  	v18 =	vadd.f32 v21, v18;
	v21 =	vld [tilespmem:s28+$0x4C50]  }
0x151: {  	v17 =	vadd.f32 v19, v17;
	v19 =	vld [tilespmem:s28+$0x4C60]  }
0x152: {  	v16 =	vadd.f32 v20, v16;
	v20 =	vld [tilespmem:s28+$0x4C70]  }
0x153: {  	v12 =	vadd.f32 v23, v12;
	v23 =	vld [tilespmem:s28+$0x5000]  }
.Ltmp5:
0x154: {  	v13 =	vadd.f32 v22, v13;
	v22 =	vld [tilespmem:s28+$0x5010];
	(pc) =	sbr.rel @p0 .LBB2_5-.Ltmp5, $4  }
0x155: {  	v9 =	vadd.f32 v21, v9;
	v21 =	vld [tilespmem:s28+$0x5020]  }
0x156: {  	v10 =	vadd.f32 v19, v10;
	v19 =	vld [tilespmem:s28+$0x5030]  }
0x157: {  	s29 =	sadd.s32 $0x180, s29;
	v6 =	vadd.f32 v20, v6;
	v20 =	vld [tilespmem:s28+$0x5040]  }
0x158: {  	s31 =	sand.u32 $0x1F800, s30;
	s30 =	sadd.s32 $0x300, s30;
	s1 =	sand.u32 $0x380, s29;
	v11 =	vadd.f32 v23, v11;
	v23 =	vld [tilespmem:s28+$0x5050]  }
0x159: {  	s0 =	sor.u32 s1, s31;
	v24 =	vld [tilespmem:s28+$0x5060]  }
0x15a: {  	v25 =	vld [tilespmem:s0+$0x5070]  }
0x15b: {  	v26 =	vld [tilespmem:s0+$0x4C00]  }
0x15c: {  	v27 =	vld [tilespmem:s0+$0x4C10]  }
0x15d: {  	v28 =	vld [tilespmem:s0+$0x4C20]  }
0x15e: {  	v29 =	vld [tilespmem:s0+$0x4C30]  }
0x15f: {  	v30 =	vld [tilespmem:s0+$0x4C40]  }
0x160: {  	v31 =	vld [tilespmem:s0+$0x4C50]  }
0x161: {  	v32 =	vld [tilespmem:s0+$0x4C60]  }
0x162: {  	v33 =	vld [tilespmem:s0+$0x4C70]  }
0x163: {  	v34 =	vld [tilespmem:s0+$0x5000]  }
0x164: {  	v35 =	vld [tilespmem:s0+$0x5010]  }
0x165: {  	v36 =	vld [tilespmem:s0+$0x5020]  }
0x166: {  	v37 =	vld [tilespmem:s0+$0x5030]  }
0x167: {  	v38 =	vld [tilespmem:s0+$0x5040];
	v18 =	vadd.f32 v26, v18  }
0x168: {  	v62 =	vld [tilespmem:s0+$0x5050];
	v17 =	vadd.f32 v27, v17  }
0x169: {  	v63 =	vld [tilespmem:s0+$0x5060];
	v16 =	vadd.f32 v28, v16;
	[tilespmem:$0x17D00] =	vst v18  }
0x16a: {  	v12 =	vadd.f32 v29, v12;
	[tilespmem:$0x17D10] =	vst v17  }
0x16b: {  	v13 =	vadd.f32 v30, v13;
	[tilespmem:$0x17D20] =	vst v16  }
0x16c: {  	v9 =	vadd.f32 v31, v9;
	[tilespmem:$0x17D30] =	vst v12  }
0x16d: {  	v10 =	vadd.f32 v32, v10;
	[tilespmem:$0x17D40] =	vst v13  }
0x16e: {  	v4 =	vadd.f32 v22, v4;
	v6 =	vadd.f32 v33, v6;
	[tilespmem:$0x17D50] =	vst v9  }
0x16f: {  	v7 =	vadd.f32 v19, v7;
	v11 =	vadd.f32 v34, v11;
	[tilespmem:$0x17D60] =	vst v10  }
0x170: {  	v4 =	vadd.f32 v35, v4;
	[tilespmem:$0x17D70] =	vst v6  }
0x171: {  	v7 =	vadd.f32 v37, v7;
	v9 =	vadd.f32 v21, v14;
	[tilespmem:$0x17D80] =	vst v11  }
0x172: {  	v3 =	vadd.f32 v25, v3;
	v6 =	vadd.f32 v20, v15;
	[tilespmem:$0x17D90] =	vst v4  }
0x173: {  	v8 =	vadd.f32 v23, v8;
	[tilespmem:$0x17DB0] =	vst v7;
	v9 =	vadd.f32 v36, v9  }
0x174: {  	v4 =	vadd.f32 v24, v5;
	[tilespmem:$0x17DF0] =	vst v3;
	v5 =	vadd.f32 v38, v6  }
0x175: {  	v6 =	vadd.f32 v62, v8;
	[tilespmem:$0x17DA0] =	vst v9  }
0x176: {  	s1 =	simm.s32 $0x100;
	s0 =	simm.s32 $0x200;
	v4 =	vadd.f32 v63, v4;
	[tilespmem:$0x17DC0] =	vst v5  }
0x177: {  	s1 =	sand.u32 $0x380, s1;
	s0 =	sand.u32 $0x1F800, s0;
	[tilespmem:$0x17DD0] =	vst v6  }
0x178: {  	s28 =	sor.u32 s1, s0;
	[tilespmem:$0x17DE0] =	vst v4  }
0x179: {  	v3 =	vld [tilespmem:s28+$0x5070]  }
0x17a: {  	v5 =	vld [tilespmem:s28+$0x4C00]  }
0x17b: {  	v6 =	vld [tilespmem:s28+$0x4C10]  }
0x17c: {  	v7 =	vld [tilespmem:s28+$0x4C20]  }
0x17d: {  	v8 =	vld [tilespmem:s28+$0x4C30]  }
0x17e: {  	v9 =	vld [tilespmem:s28+$0x4C40]  }
0x17f: {  	v10 =	vld [tilespmem:s28+$0x4C50]  }
0x180: {  	v11 =	vld [tilespmem:s28+$0x4C60]  }
0x181: {  	v4 =	vimm.f32 $0.0e+00;
	v14 =	vld [tilespmem:s28+$0x4C70]  }
0x182: {  	v15 =	vld [tilespmem:s28+$0x5000];
	v3 =	vadd.f32 v3, v4  }
0x183: {  	v18 =	vadd.f32 v5, v4;
	v17 =	vadd.f32 v6, v4  }
0x184: {  	v22 =	vld [tilespmem:s28+$0x5010];
	v16 =	vadd.f32 v7, v4;
	v12 =	vadd.f32 v8, v4  }
0x185: {  	v21 =	vld [tilespmem:s28+$0x5020];
	v13 =	vadd.f32 v9, v4;
	v9 =	vadd.f32 v10, v4  }
0x186: {  	v19 =	vld [tilespmem:s28+$0x5030];
	v10 =	vadd.f32 v11, v4;
	v6 =	vadd.f32 v14, v4  }
0x187: {  	s29 =	simm.s32 $0x280;
	s1 =	simm.s32 $0x500;
	v20 =	vld [tilespmem:s28+$0x5040];
	v11 =	vadd.f32 v15, v4;
	v14 =	vimm.f32 $0.0e+00;
	v7 =	vimm.f32 $0.0e+00  }
0x188: {  	s30 =	simm.s32 $0x800;
	s31 =	sand.u32 $0x1F800, s1;
	s1 =	sand.u32 $0x380, s29;
	v23 =	vld [tilespmem:s28+$0x5050];
	v15 =	vimm.f32 $0.0e+00;
	v8 =	vimm.f32 $0.0e+00;
	v5 =	vimm.f32 $0.0e+00  }
.LBB2_7:
0x189: {  	p0 =	sne.s32 s30, $0x9500;
	v4 =	vadd.f32 v22, v4;
	v22 =	vld [tilespmem:s28+$0x5060];
	s28 =	sor.u32 s1, s31  }
0x18a: {  	v24 =	vld [tilespmem:s28+$0x5070];
	v14 =	vadd.f32 v21, v14  }
0x18b: {  	v21 =	vld [tilespmem:s28+$0x4C00];
	v7 =	vadd.f32 v19, v7  }
0x18c: {  	v19 =	vld [tilespmem:s28+$0x4C10];
	v15 =	vadd.f32 v20, v15  }
0x18d: {  	v20 =	vld [tilespmem:s28+$0x4C20];
	v8 =	vadd.f32 v23, v8  }
0x18e: {  	v23 =	vld [tilespmem:s28+$0x4C30];
	v5 =	vadd.f32 v22, v5  }
0x18f: {  	v22 =	vld [tilespmem:s28+$0x4C40];
	v3 =	vadd.f32 v24, v3  }
0x190: {  	v18 =	vadd.f32 v21, v18;
	v21 =	vld [tilespmem:s28+$0x4C50]  }
0x191: {  	v17 =	vadd.f32 v19, v17;
	v19 =	vld [tilespmem:s28+$0x4C60]  }
0x192: {  	v16 =	vadd.f32 v20, v16;
	v20 =	vld [tilespmem:s28+$0x4C70]  }
0x193: {  	v12 =	vadd.f32 v23, v12;
	v23 =	vld [tilespmem:s28+$0x5000]  }
.Ltmp6:
0x194: {  	v13 =	vadd.f32 v22, v13;
	v22 =	vld [tilespmem:s28+$0x5010];
	(pc) =	sbr.rel @p0 .LBB2_7-.Ltmp6, $4  }
0x195: {  	v9 =	vadd.f32 v21, v9;
	v21 =	vld [tilespmem:s28+$0x5020]  }
0x196: {  	v10 =	vadd.f32 v19, v10;
	v19 =	vld [tilespmem:s28+$0x5030]  }
0x197: {  	s29 =	sadd.s32 $0x180, s29;
	v6 =	vadd.f32 v20, v6;
	v20 =	vld [tilespmem:s28+$0x5040]  }
0x198: {  	s31 =	sand.u32 $0x1F800, s30;
	s30 =	sadd.s32 $0x300, s30;
	s1 =	sand.u32 $0x380, s29;
	v11 =	vadd.f32 v23, v11;
	v23 =	vld [tilespmem:s28+$0x5050]  }
0x199: {  	s0 =	sor.u32 s1, s31;
	v24 =	vld [tilespmem:s28+$0x5060]  }
0x19a: {  	v25 =	vld [tilespmem:s0+$0x5070]  }
0x19b: {  	v26 =	vld [tilespmem:s0+$0x4C00]  }
0x19c: {  	v27 =	vld [tilespmem:s0+$0x4C10]  }
0x19d: {  	v28 =	vld [tilespmem:s0+$0x4C20]  }
0x19e: {  	v29 =	vld [tilespmem:s0+$0x4C30]  }
0x19f: {  	v30 =	vld [tilespmem:s0+$0x4C40]  }
0x1a0: {  	v31 =	vld [tilespmem:s0+$0x4C50]  }
0x1a1: {  	v32 =	vld [tilespmem:s0+$0x4C60]  }
0x1a2: {  	v33 =	vld [tilespmem:s0+$0x4C70]  }
0x1a3: {  	v34 =	vld [tilespmem:s0+$0x5000]  }
0x1a4: {  	v35 =	vld [tilespmem:s0+$0x5010]  }
0x1a5: {  	v36 =	vld [tilespmem:s0+$0x5020]  }
0x1a6: {  	v37 =	vld [tilespmem:s0+$0x5030]  }
0x1a7: {  	v38 =	vld [tilespmem:s0+$0x5040];
	v18 =	vadd.f32 v26, v18  }
0x1a8: {  	v57 =	vld [tilespmem:s0+$0x5050];
	v17 =	vadd.f32 v27, v17  }
0x1a9: {  	v58 =	vld [tilespmem:s0+$0x5060];
	v16 =	vadd.f32 v28, v16;
	[tilespmem:$0x17E00] =	vst v18  }
0x1aa: {  	v12 =	vadd.f32 v29, v12;
	[tilespmem:$0x17E10] =	vst v17  }
0x1ab: {  	v13 =	vadd.f32 v30, v13;
	[tilespmem:$0x17E20] =	vst v16  }
0x1ac: {  	v9 =	vadd.f32 v31, v9;
	[tilespmem:$0x17E30] =	vst v12  }
0x1ad: {  	v10 =	vadd.f32 v32, v10;
	[tilespmem:$0x17E40] =	vst v13  }
0x1ae: {  	v4 =	vadd.f32 v22, v4;
	v6 =	vadd.f32 v33, v6;
	[tilespmem:$0x17E50] =	vst v9  }
0x1af: {  	v7 =	vadd.f32 v19, v7;
	v11 =	vadd.f32 v34, v11;
	[tilespmem:$0x17E60] =	vst v10  }
0x1b0: {  	v60 =	vadd.f32 v20, v15;
	v4 =	vadd.f32 v35, v4;
	[tilespmem:$0x17E70] =	vst v6  }
0x1b1: {  	v8 =	vadd.f32 v23, v8;
	v7 =	vadd.f32 v37, v7;
	[tilespmem:$0x17E80] =	vst v11  }
0x1b2: {  	v62 =	vadd.f32 v38, v60;
	[tilespmem:$0x17E90] =	vst v4  }
0x1b3: {  	p0 =	seq.s32 s26, $0x3F;
	v59 =	vadd.f32 v21, v14;
	v63 =	vadd.f32 v57, v8;
	[tilespmem:$0x17EB0] =	vst v7  }
.Ltmp7:
0x1b4: {  	v61 =	vadd.f32 v24, v5;
	v3 =	vadd.f32 v25, v3;
	[tilespmem:$0x17EC0] =	vst v62;
	(pc) =	sbr.rel @p0 .LBB2_10-.Ltmp7, $4  }
0x1b5: {  	v9 =	vadd.f32 v36, v59;
	[tilespmem:$0x17ED0] =	vst v63  }
0x1b6: {  	v4 =	vadd.f32 v58, v61;
	[tilespmem:$0x17EF0] =	vst v3  }
0x1b7: {  	[tilespmem:$0x17EA0] =	vst v9  }
0x1b8: {  	[tilespmem:$0x17EE0] =	vst v4  }
0x1b9: {  	s0 =	smul.u32 $0x4C0, s26;
	_ =	sdelay $0x1  }
0x1ba: {  	s28 =	sshra.s32 s0, $0x2  }
0x1bb: {  	v3 =	vld [tilespmem:s28+$0x130];
	_ =	sdelay $0x4  }
0x1bc: {  	v4 =	vshll.u32 v3, $0x1  }
0x1bd: {  	v3 =	vand.u32 $0x7, v3;
	v4 =	vand.u32 $0xFFFFFFF0, v4  }
0x1be: {  	v3 =	vor.u32 v3, v4  }
0x1bf: {  	v4 =	vperm.xlane v3, v0;
	_ =	sdelay $0x1  }
0x1c0: {  	v3 =	vperm.xlane v3, v2;
	v4 =	vadd.s32 v1, v4;
	_ =	sdelay $0x1  }
0x1c1: {  	v3 =	vadd.s32 v1, v3;
	_ =	sdelay $0x1  }
0x1c2: {  	s29 =	simm.s32 $0x4C00  }
0x1c3: {  	[tilespmem:s29], [sflag:$0x1] =	stream.indirect_vreg.gather [hbm4b:s4+s3], $0x80, v4, vm0, $0xb8;
	[tilespmem:$0x17F00] =	vst v63  }
0x1c4: {  	s30 =	simm.s32 $0x5400  }
0x1c5: {  	[tilespmem:s30], [sflag:$0x1] =	stream.indirect_vreg.gather [hbm4b:s4+s3], $0x80, v3, vm0, $0xb8;
	[tilespmem:$0x17F00] =	vst v63  }
0x1c6: {  	v3 =	vld [tilespmem:s28+$0x140];
	_ =	sdelay $0x4  }
0x1c7: {  	v55 =	vshll.u32 v3, $0x1  }
0x1c8: {  	v3 =	vand.u32 $0x7, v3;
	v4 =	vand.u32 $0xFFFFFFF0, v55  }
0x1c9: {  	v3 =	vor.u32 v3, v4  }
0x1ca: {  	v4 =	vperm.xlane v3, v0;
	_ =	sdelay $0x1  }
0x1cb: {  	v3 =	vperm.xlane v3, v2;
	v4 =	vadd.s32 v1, v4;
	_ =	sdelay $0x1  }
0x1cc: {  	v3 =	vadd.s32 v1, v3;
	_ =	sdelay $0x1  }
0x1cd: {  	s31 =	simm.s32 $0x5C00  }
0x1ce: {  	[tilespmem:s31], [sflag:$0x1] =	stream.indirect_vreg.gather [hbm4b:s4+s3], $0x80, v4, vm0, $0xb8;
	[tilespmem:$0x17F00] =	vst v63  }
0x1cf: {  	s1 =	simm.s32 $0x6400  }
0x1d0: {  	[tilespmem:s1], [sflag:$0x1] =	stream.indirect_vreg.gather [hbm4b:s4+s3], $0x80, v3, vm0, $0xb8;
	[tilespmem:$0x17F00] =	vst v63  }
0x1d1: {  	v3 =	vld [tilespmem:s28+$0x150];
	_ =	sdelay $0x4  }
0x1d2: {  	v56 =	vshll.u32 v3, $0x1  }
0x1d3: {  	v3 =	vand.u32 $0x7, v3;
	v4 =	vand.u32 $0xFFFFFFF0, v56  }
0x1d4: {  	v3 =	vor.u32 v3, v4  }
0x1d5: {  	v4 =	vperm.xlane v3, v0;
	_ =	sdelay $0x1  }
0x1d6: {  	v3 =	vperm.xlane v3, v2;
	v4 =	vadd.s32 v1, v4;
	_ =	sdelay $0x1  }
0x1d7: {  	v3 =	vadd.s32 v1, v3;
	_ =	sdelay $0x1  }
0x1d8: {  	s29 =	simm.s32 $0x6C00  }
0x1d9: {  	[tilespmem:s29], [sflag:$0x1] =	stream.indirect_vreg.gather [hbm4b:s4+s3], $0x80, v4, vm0, $0xb8;
	[tilespmem:$0x17F00] =	vst v63  }
0x1da: {  	s30 =	simm.s32 $0x7400  }
0x1db: {  	[tilespmem:s30], [sflag:$0x1] =	stream.indirect_vreg.gather [hbm4b:s4+s3], $0x80, v3, vm0, $0xb8;
	[tilespmem:$0x17F00] =	vst v63  }
0x1dc: {  	v3 =	vld [tilespmem:s28+$0x160];
	_ =	sdelay $0x4  }
0x1dd: {  	v57 =	vshll.u32 v3, $0x1  }
0x1de: {  	v3 =	vand.u32 $0x7, v3;
	v4 =	vand.u32 $0xFFFFFFF0, v57  }
0x1df: {  	v3 =	vor.u32 v3, v4  }
0x1e0: {  	v4 =	vperm.xlane v3, v0;
	_ =	sdelay $0x1  }
0x1e1: {  	v3 =	vperm.xlane v3, v2;
	v4 =	vadd.s32 v1, v4;
	_ =	sdelay $0x1  }
0x1e2: {  	v3 =	vadd.s32 v1, v3;
	_ =	sdelay $0x1  }
0x1e3: {  	s31 =	simm.s32 $0x7C00  }
0x1e4: {  	[tilespmem:s31], [sflag:$0x1] =	stream.indirect_vreg.gather [hbm4b:s4+s3], $0x80, v4, vm0, $0xb8;
	[tilespmem:$0x17F00] =	vst v63  }
0x1e5: {  	s1 =	simm.s32 $0x8400  }
0x1e6: {  	[tilespmem:s1], [sflag:$0x1] =	stream.indirect_vreg.gather [hbm4b:s4+s3], $0x80, v3, vm0, $0xb8;
	[tilespmem:$0x17F00] =	vst v63  }
0x1e7: {  	v3 =	vld [tilespmem:s28+$0x170];
	_ =	sdelay $0x4  }
0x1e8: {  	v58 =	vshll.u32 v3, $0x1  }
0x1e9: {  	v3 =	vand.u32 $0x7, v3;
	v4 =	vand.u32 $0xFFFFFFF0, v58  }
0x1ea: {  	v3 =	vor.u32 v3, v4  }
0x1eb: {  	v4 =	vperm.xlane v3, v0;
	_ =	sdelay $0x1  }
0x1ec: {  	v3 =	vperm.xlane v3, v2;
	v4 =	vadd.s32 v1, v4;
	_ =	sdelay $0x1  }
0x1ed: {  	v3 =	vadd.s32 v1, v3;
	_ =	sdelay $0x1  }
0x1ee: {  	s29 =	simm.s32 $0x8C00  }
0x1ef: {  	[tilespmem:s29], [sflag:$0x1] =	stream.indirect_vreg.gather [hbm4b:s4+s3], $0x80, v4, vm0, $0xb8;
	[tilespmem:$0x17F00] =	vst v63  }
0x1f0: {  	s30 =	simm.s32 $0x9400  }
0x1f1: {  	[tilespmem:s30], [sflag:$0x1] =	stream.indirect_vreg.gather [hbm4b:s4+s3], $0x80, v3, vm0, $0xb8;
	[tilespmem:$0x17F00] =	vst v63  }
0x1f2: {  	v3 =	vld [tilespmem:s28+$0x180];
	_ =	sdelay $0x4  }
0x1f3: {  	v59 =	vshll.u32 v3, $0x1  }
0x1f4: {  	v3 =	vand.u32 $0x7, v3;
	v4 =	vand.u32 $0xFFFFFFF0, v59  }
0x1f5: {  	v3 =	vor.u32 v3, v4  }
0x1f6: {  	v4 =	vperm.xlane v3, v0;
	_ =	sdelay $0x1  }
0x1f7: {  	v3 =	vperm.xlane v3, v2;
	v4 =	vadd.s32 v1, v4;
	_ =	sdelay $0x1  }
0x1f8: {  	v3 =	vadd.s32 v1, v3;
	_ =	sdelay $0x1  }
0x1f9: {  	s31 =	simm.s32 $0x9C00  }
0x1fa: {  	[tilespmem:s31], [sflag:$0x1] =	stream.indirect_vreg.gather [hbm4b:s4+s3], $0x80, v4, vm0, $0xb8;
	[tilespmem:$0x17F00] =	vst v63  }
0x1fb: {  	s1 =	simm.s32 $0xA400  }
0x1fc: {  	[tilespmem:s1], [sflag:$0x1] =	stream.indirect_vreg.gather [hbm4b:s4+s3], $0x80, v3, vm0, $0xb8;
	[tilespmem:$0x17F00] =	vst v63  }
0x1fd: {  	v3 =	vld.msk [tilespmem:s28+$0x190], $0xff;
	_ =	sdelay $0x4  }
0x1fe: {  	v60 =	vshll.u32 v3, $0x1  }
0x1ff: {  	v3 =	vand.u32 $0x7, v3;
	v4 =	vand.u32 $0xFFFFFFF0, v60  }
0x200: {  	v3 =	vor.u32 v3, v4  }
0x201: {  	v3 =	vperm.xlane v3, v0;
	_ =	sdelay $0x1  }
0x202: {  	v3 =	vadd.s32 v1, v3;
	_ =	sdelay $0x3  }
0x203: {  	s29 =	simm.s32 $0xAC00  }
0x204: {  	[tilespmem:s29], [sflag:$0x1] =	stream.indirect_vreg.gather [hbm4b:s4+s3], $0x80, v3, vm0, $0xb8;
	[tilespmem:$0x17F00] =	vst v63  }
0x205: {  	v3 =	vld [tilespmem:s28+$0x198];
	_ =	sdelay $0x4  }
0x206: {  	v61 =	vshll.u32 v3, $0x1  }
0x207: {  	v3 =	vand.u32 $0x7, v3;
	v4 =	vand.u32 $0xFFFFFFF0, v61  }
0x208: {  	v3 =	vor.u32 v3, v4  }
0x209: {  	v4 =	vperm.xlane v3, v0;
	_ =	sdelay $0x1  }
0x20a: {  	v3 =	vperm.xlane v3, v2;
	v4 =	vadd.s32 v1, v4;
	_ =	sdelay $0x1  }
0x20b: {  	v3 =	vadd.s32 v1, v3;
	_ =	sdelay $0x1  }
0x20c: {  	s30 =	simm.s32 $0xB400  }
0x20d: {  	[tilespmem:s30], [sflag:$0x1] =	stream.indirect_vreg.gather [hbm4b:s4+s3], $0x80, v4, vm0, $0xb8;
	[tilespmem:$0x17F00] =	vst v63  }
0x20e: {  	s31 =	simm.s32 $0xBC00  }
0x20f: {  	[tilespmem:s31], [sflag:$0x1] =	stream.indirect_vreg.gather [hbm4b:s4+s3], $0x80, v3, vm0, $0xb8;
	[tilespmem:$0x17F00] =	vst v63  }
0x210: {  	v3 =	vld [tilespmem:s28+$0x1A8];
	_ =	sdelay $0x4  }
0x211: {  	v62 =	vshll.u32 v3, $0x1  }
0x212: {  	v3 =	vand.u32 $0x7, v3;
	v4 =	vand.u32 $0xFFFFFFF0, v62  }
0x213: {  	v3 =	vor.u32 v3, v4  }
0x214: {  	v4 =	vperm.xlane v3, v0;
	_ =	sdelay $0x1  }
0x215: {  	v3 =	vperm.xlane v3, v2;
	v4 =	vadd.s32 v1, v4;
	_ =	sdelay $0x1  }
0x216: {  	v3 =	vadd.s32 v1, v3;
	_ =	sdelay $0x1  }
0x217: {  	s1 =	simm.s32 $0xC400  }
0x218: {  	[tilespmem:s1], [sflag:$0x1] =	stream.indirect_vreg.gather [hbm4b:s4+s3], $0x80, v4, vm0, $0xb8;
	[tilespmem:$0x17F00] =	vst v63  }
0x219: {  	s29 =	simm.s32 $0xCC00  }
0x21a: {  	[tilespmem:s29], [sflag:$0x1] =	stream.indirect_vreg.gather [hbm4b:s4+s3], $0x80, v3, vm0, $0xb8;
	[tilespmem:$0x17F00] =	vst v63  }
0x21b: {  	v3 =	vld [tilespmem:s28+$0x1B8];
	_ =	sdelay $0x4  }
0x21c: {  	v63 =	vshll.u32 v3, $0x1  }
0x21d: {  	v3 =	vand.u32 $0x7, v3;
	v4 =	vand.u32 $0xFFFFFFF0, v63  }
0x21e: {  	v3 =	vor.u32 v3, v4  }
0x21f: {  	v4 =	vperm.xlane v3, v0;
	_ =	sdelay $0x1  }
0x220: {  	v3 =	vperm.xlane v3, v2;
	v4 =	vadd.s32 v1, v4;
	_ =	sdelay $0x1  }
0x221: {  	v3 =	vadd.s32 v1, v3;
	_ =	sdelay $0x1  }
0x222: {  	s30 =	simm.s32 $0xD400  }
0x223: {  	[tilespmem:s30], [sflag:$0x1] =	stream.indirect_vreg.gather [hbm4b:s4+s3], $0x80, v4, vm0, $0xb8;
	[tilespmem:$0x17F00] =	vst v63  }
0x224: {  	s31 =	simm.s32 $0xDC00  }
0x225: {  	[tilespmem:s31], [sflag:$0x1] =	stream.indirect_vreg.gather [hbm4b:s4+s3], $0x80, v3, vm0, $0xb8;
	[tilespmem:$0x17F00] =	vst v63  }
.LBB2_10:
0x226: {  	s0 =	sshll.u32 s26, $0x1  }
0x227: {  	s0 =	sadd.s32 s5, s0  }
0x228: {  	s0 =	sshrl.u32 s0, $0x3  }
0x229: {  	s1 =	sshll.u32 s26, $0x8;
	s0 =	smul.u32 $0x1800, s0  }
0x22a: {  	s1 =	sand.u32 $0x300, s1  }
0x22b: {  	s0 =	sor.u32 s1, s0  }
0x22c: {  	s28 =	sshrl.u32 s0, $0x3  }
0x22d: {  	s0 =	sadd.s32 s2, s28  }
0x22e: {  	[hbm4b:s0+s22] =	stream.strided.scatter [tilespmem:s24], [sflag:$0x3], $0x300, s23, s22, $0x38;
	[tilespmem:$0x17F00] =	vst v63  }
0x22f: {  	_ =	swait.ge [sflag:s8], $0x300  }
0x230: {  	[sflag:s8] =	ssyncset.done $0x0  }
0x231: {  	[sflag:s8] =	ssyncadd.s32 $0xFFFFFD00  }
0x232: {  	_ =	swait.ge [sflag:s25], $0x6800  }
0x233: {  	[sflag:s25] =	ssyncset.done $0x0  }
0x234: {  	[sflag:s25] =	ssyncadd.s32 $0xFFFF9800  }
0x235: {  	s0 =	simm.s32 $0x0;
	_ =	swait.ge [sflag:s25], $0x3000  }
0x236: {  	s1 =	sand.u32 $0xF800, s0;
	s0 =	sand.u32 $0x380, s0;
	[sflag:s25] =	ssyncset.done $0x0  }
0x237: {  	s29 =	sor.u32 s0, s1;
	[sflag:s25] =	ssyncadd.s32 $0xFFFFD000  }
0x238: {  	v3 =	vld [tilespmem:s29+$0xE870]  }
0x239: {  	v5 =	vld [tilespmem:s29+$0xE400]  }
0x23a: {  	v6 =	vld [tilespmem:s29+$0xE410]  }
0x23b: {  	v7 =	vld [tilespmem:s29+$0xE420]  }
0x23c: {  	v8 =	vld [tilespmem:s29+$0xE430]  }
0x23d: {  	v9 =	vld [tilespmem:s29+$0xE440]  }
0x23e: {  	v10 =	vld [tilespmem:s29+$0xE450]  }
0x23f: {  	v11 =	vld [tilespmem:s29+$0xE460]  }
0x240: {  	v4 =	vimm.f32 $0.0e+00;
	v14 =	vld [tilespmem:s29+$0xE470]  }
0x241: {  	v15 =	vld [tilespmem:s29+$0xE800];
	v3 =	vadd.f32 v3, v4  }
0x242: {  	v18 =	vadd.f32 v5, v4;
	v17 =	vadd.f32 v6, v4  }
0x243: {  	v22 =	vld [tilespmem:s29+$0xE810];
	v16 =	vadd.f32 v7, v4;
	v12 =	vadd.f32 v8, v4  }
0x244: {  	v21 =	vld [tilespmem:s29+$0xE820];
	v13 =	vadd.f32 v9, v4;
	v9 =	vadd.f32 v10, v4  }
0x245: {  	v19 =	vld [tilespmem:s29+$0xE830];
	v10 =	vadd.f32 v11, v4;
	v6 =	vadd.f32 v14, v4  }
0x246: {  	s30 =	simm.s32 $0x180;
	s1 =	simm.s32 $0x300;
	v20 =	vld [tilespmem:s29+$0xE840];
	v11 =	vadd.f32 v15, v4;
	v14 =	vimm.f32 $0.0e+00;
	v7 =	vimm.f32 $0.0e+00  }
0x247: {  	s31 =	simm.s32 $0x600;
	s0 =	sand.u32 $0x380, s30;
	s1 =	sand.u32 $0xF800, s1;
	v23 =	vld [tilespmem:s29+$0xE850];
	v15 =	vimm.f32 $0.0e+00;
	v8 =	vimm.f32 $0.0e+00;
	v5 =	vimm.f32 $0.0e+00  }
.LBB2_11:
0x248: {  	p1 =	sne.s32 s31, $0x9300;
	v4 =	vadd.f32 v22, v4;
	v22 =	vld [tilespmem:s29+$0xE860];
	s29 =	sor.u32 s0, s1  }
0x249: {  	v24 =	vld [tilespmem:s29+$0xE870];
	v14 =	vadd.f32 v21, v14  }
0x24a: {  	v21 =	vld [tilespmem:s29+$0xE400];
	v7 =	vadd.f32 v19, v7  }
0x24b: {  	v19 =	vld [tilespmem:s29+$0xE410];
	v15 =	vadd.f32 v20, v15  }
0x24c: {  	v20 =	vld [tilespmem:s29+$0xE420];
	v8 =	vadd.f32 v23, v8  }
0x24d: {  	v23 =	vld [tilespmem:s29+$0xE430];
	v5 =	vadd.f32 v22, v5  }
0x24e: {  	v22 =	vld [tilespmem:s29+$0xE440];
	v3 =	vadd.f32 v24, v3  }
0x24f: {  	v18 =	vadd.f32 v21, v18;
	v21 =	vld [tilespmem:s29+$0xE450]  }
0x250: {  	v17 =	vadd.f32 v19, v17;
	v19 =	vld [tilespmem:s29+$0xE460]  }
0x251: {  	v16 =	vadd.f32 v20, v16;
	v20 =	vld [tilespmem:s29+$0xE470]  }
0x252: {  	v12 =	vadd.f32 v23, v12;
	v23 =	vld [tilespmem:s29+$0xE800]  }
.Ltmp8:
0x253: {  	v13 =	vadd.f32 v22, v13;
	v22 =	vld [tilespmem:s29+$0xE810];
	(pc) =	sbr.rel @p1 .LBB2_11-.Ltmp8, $4  }
0x254: {  	v9 =	vadd.f32 v21, v9;
	v21 =	vld [tilespmem:s29+$0xE820]  }
0x255: {  	v10 =	vadd.f32 v19, v10;
	v19 =	vld [tilespmem:s29+$0xE830]  }
0x256: {  	s30 =	sadd.s32 $0x180, s30;
	v6 =	vadd.f32 v20, v6;
	v20 =	vld [tilespmem:s29+$0xE840]  }
0x257: {  	s1 =	sand.u32 $0xF800, s31;
	s31 =	sadd.s32 $0x300, s31;
	s0 =	sand.u32 $0x380, s30;
	v11 =	vadd.f32 v23, v11;
	v23 =	vld [tilespmem:s29+$0xE850]  }
0x258: {  	s0 =	sor.u32 s0, s1;
	v24 =	vld [tilespmem:s29+$0xE860]  }
0x259: {  	v25 =	vld [tilespmem:s0+$0xE870]  }
0x25a: {  	v26 =	vld [tilespmem:s0+$0xE400]  }
0x25b: {  	v27 =	vld [tilespmem:s0+$0xE410]  }
0x25c: {  	v28 =	vld [tilespmem:s0+$0xE420]  }
0x25d: {  	v29 =	vld [tilespmem:s0+$0xE430]  }
0x25e: {  	v30 =	vld [tilespmem:s0+$0xE440]  }
0x25f: {  	v31 =	vld [tilespmem:s0+$0xE450]  }
0x260: {  	v32 =	vld [tilespmem:s0+$0xE460]  }
0x261: {  	v33 =	vld [tilespmem:s0+$0xE470]  }
0x262: {  	v34 =	vld [tilespmem:s0+$0xE800]  }
0x263: {  	v35 =	vld [tilespmem:s0+$0xE810]  }
0x264: {  	v36 =	vld [tilespmem:s0+$0xE820]  }
0x265: {  	v37 =	vld [tilespmem:s0+$0xE830]  }
0x266: {  	v38 =	vld [tilespmem:s0+$0xE840];
	v18 =	vadd.f32 v26, v18  }
0x267: {  	v62 =	vld [tilespmem:s0+$0xE850];
	v17 =	vadd.f32 v27, v17  }
0x268: {  	v63 =	vld [tilespmem:s0+$0xE860];
	v16 =	vadd.f32 v28, v16;
	[tilespmem:$0x17C00] =	vst v18  }
0x269: {  	v12 =	vadd.f32 v29, v12;
	[tilespmem:$0x17C10] =	vst v17  }
0x26a: {  	v13 =	vadd.f32 v30, v13;
	[tilespmem:$0x17C20] =	vst v16  }
0x26b: {  	v9 =	vadd.f32 v31, v9;
	[tilespmem:$0x17C30] =	vst v12  }
0x26c: {  	v10 =	vadd.f32 v32, v10;
	[tilespmem:$0x17C40] =	vst v13  }
0x26d: {  	v4 =	vadd.f32 v22, v4;
	v6 =	vadd.f32 v33, v6;
	[tilespmem:$0x17C50] =	vst v9  }
0x26e: {  	v7 =	vadd.f32 v19, v7;
	v11 =	vadd.f32 v34, v11;
	[tilespmem:$0x17C60] =	vst v10  }
0x26f: {  	v4 =	vadd.f32 v35, v4;
	[tilespmem:$0x17C70] =	vst v6  }
0x270: {  	v7 =	vadd.f32 v37, v7;
	v9 =	vadd.f32 v21, v14;
	[tilespmem:$0x17C80] =	vst v11  }
0x271: {  	v3 =	vadd.f32 v25, v3;
	v6 =	vadd.f32 v20, v15;
	[tilespmem:$0x17C90] =	vst v4  }
0x272: {  	v8 =	vadd.f32 v23, v8;
	[tilespmem:$0x17CB0] =	vst v7;
	v9 =	vadd.f32 v36, v9  }
0x273: {  	v4 =	vadd.f32 v24, v5;
	[tilespmem:$0x17CF0] =	vst v3;
	v5 =	vadd.f32 v38, v6  }
0x274: {  	v6 =	vadd.f32 v62, v8;
	[tilespmem:$0x17CA0] =	vst v9  }
0x275: {  	s1 =	simm.s32 $0x80;
	s0 =	simm.s32 $0x100;
	v4 =	vadd.f32 v63, v4;
	[tilespmem:$0x17CC0] =	vst v5  }
0x276: {  	s1 =	sand.u32 $0x380, s1;
	s0 =	sand.u32 $0x1F800, s0;
	[tilespmem:$0x17CD0] =	vst v6  }
0x277: {  	s29 =	sor.u32 s1, s0;
	[tilespmem:$0x17CE0] =	vst v4  }
0x278: {  	v3 =	vld [tilespmem:s29+$0xE870]  }
0x279: {  	v5 =	vld [tilespmem:s29+$0xE400]  }
0x27a: {  	v6 =	vld [tilespmem:s29+$0xE410]  }
0x27b: {  	v7 =	vld [tilespmem:s29+$0xE420]  }
0x27c: {  	v8 =	vld [tilespmem:s29+$0xE430]  }
0x27d: {  	v9 =	vld [tilespmem:s29+$0xE440]  }
0x27e: {  	v10 =	vld [tilespmem:s29+$0xE450]  }
0x27f: {  	v11 =	vld [tilespmem:s29+$0xE460]  }
0x280: {  	v4 =	vimm.f32 $0.0e+00;
	v14 =	vld [tilespmem:s29+$0xE470]  }
0x281: {  	v15 =	vld [tilespmem:s29+$0xE800];
	v3 =	vadd.f32 v3, v4  }
0x282: {  	v18 =	vadd.f32 v5, v4;
	v17 =	vadd.f32 v6, v4  }
0x283: {  	v22 =	vld [tilespmem:s29+$0xE810];
	v16 =	vadd.f32 v7, v4;
	v12 =	vadd.f32 v8, v4  }
0x284: {  	v21 =	vld [tilespmem:s29+$0xE820];
	v13 =	vadd.f32 v9, v4;
	v9 =	vadd.f32 v10, v4  }
0x285: {  	v19 =	vld [tilespmem:s29+$0xE830];
	v10 =	vadd.f32 v11, v4;
	v6 =	vadd.f32 v14, v4  }
0x286: {  	s30 =	simm.s32 $0x200;
	s1 =	simm.s32 $0x400;
	v20 =	vld [tilespmem:s29+$0xE840];
	v11 =	vadd.f32 v15, v4;
	v14 =	vimm.f32 $0.0e+00;
	v7 =	vimm.f32 $0.0e+00  }
0x287: {  	s31 =	simm.s32 $0x700;
	s0 =	sand.u32 $0x380, s30;
	s1 =	sand.u32 $0x1F800, s1;
	v23 =	vld [tilespmem:s29+$0xE850];
	v15 =	vimm.f32 $0.0e+00;
	v8 =	vimm.f32 $0.0e+00;
	v5 =	vimm.f32 $0.0e+00  }
.LBB2_13:
0x288: {  	p1 =	sne.s32 s31, $0x9400;
	v4 =	vadd.f32 v22, v4;
	v22 =	vld [tilespmem:s29+$0xE860];
	s29 =	sor.u32 s0, s1  }
0x289: {  	v24 =	vld [tilespmem:s29+$0xE870];
	v14 =	vadd.f32 v21, v14  }
0x28a: {  	v21 =	vld [tilespmem:s29+$0xE400];
	v7 =	vadd.f32 v19, v7  }
0x28b: {  	v19 =	vld [tilespmem:s29+$0xE410];
	v15 =	vadd.f32 v20, v15  }
0x28c: {  	v20 =	vld [tilespmem:s29+$0xE420];
	v8 =	vadd.f32 v23, v8  }
0x28d: {  	v23 =	vld [tilespmem:s29+$0xE430];
	v5 =	vadd.f32 v22, v5  }
0x28e: {  	v22 =	vld [tilespmem:s29+$0xE440];
	v3 =	vadd.f32 v24, v3  }
0x28f: {  	v18 =	vadd.f32 v21, v18;
	v21 =	vld [tilespmem:s29+$0xE450]  }
0x290: {  	v17 =	vadd.f32 v19, v17;
	v19 =	vld [tilespmem:s29+$0xE460]  }
0x291: {  	v16 =	vadd.f32 v20, v16;
	v20 =	vld [tilespmem:s29+$0xE470]  }
0x292: {  	v12 =	vadd.f32 v23, v12;
	v23 =	vld [tilespmem:s29+$0xE800]  }
.Ltmp9:
0x293: {  	v13 =	vadd.f32 v22, v13;
	v22 =	vld [tilespmem:s29+$0xE810];
	(pc) =	sbr.rel @p1 .LBB2_13-.Ltmp9, $4  }
0x294: {  	v9 =	vadd.f32 v21, v9;
	v21 =	vld [tilespmem:s29+$0xE820]  }
0x295: {  	v10 =	vadd.f32 v19, v10;
	v19 =	vld [tilespmem:s29+$0xE830]  }
0x296: {  	s30 =	sadd.s32 $0x180, s30;
	v6 =	vadd.f32 v20, v6;
	v20 =	vld [tilespmem:s29+$0xE840]  }
0x297: {  	s1 =	sand.u32 $0x1F800, s31;
	s31 =	sadd.s32 $0x300, s31;
	s0 =	sand.u32 $0x380, s30;
	v11 =	vadd.f32 v23, v11;
	v23 =	vld [tilespmem:s29+$0xE850]  }
0x298: {  	s0 =	sor.u32 s0, s1;
	v24 =	vld [tilespmem:s29+$0xE860]  }
0x299: {  	v25 =	vld [tilespmem:s0+$0xE870]  }
0x29a: {  	v26 =	vld [tilespmem:s0+$0xE400]  }
0x29b: {  	v27 =	vld [tilespmem:s0+$0xE410]  }
0x29c: {  	v28 =	vld [tilespmem:s0+$0xE420]  }
0x29d: {  	v29 =	vld [tilespmem:s0+$0xE430]  }
0x29e: {  	v30 =	vld [tilespmem:s0+$0xE440]  }
0x29f: {  	v31 =	vld [tilespmem:s0+$0xE450]  }
0x2a0: {  	v32 =	vld [tilespmem:s0+$0xE460]  }
0x2a1: {  	v33 =	vld [tilespmem:s0+$0xE470]  }
0x2a2: {  	v34 =	vld [tilespmem:s0+$0xE800]  }
0x2a3: {  	v35 =	vld [tilespmem:s0+$0xE810]  }
0x2a4: {  	v36 =	vld [tilespmem:s0+$0xE820]  }
0x2a5: {  	v37 =	vld [tilespmem:s0+$0xE830]  }
0x2a6: {  	v38 =	vld [tilespmem:s0+$0xE840];
	v18 =	vadd.f32 v26, v18  }
0x2a7: {  	v62 =	vld [tilespmem:s0+$0xE850];
	v17 =	vadd.f32 v27, v17  }
0x2a8: {  	v63 =	vld [tilespmem:s0+$0xE860];
	v16 =	vadd.f32 v28, v16;
	[tilespmem:$0x17D00] =	vst v18  }
0x2a9: {  	v12 =	vadd.f32 v29, v12;
	[tilespmem:$0x17D10] =	vst v17  }
0x2aa: {  	v13 =	vadd.f32 v30, v13;
	[tilespmem:$0x17D20] =	vst v16  }
0x2ab: {  	v9 =	vadd.f32 v31, v9;
	[tilespmem:$0x17D30] =	vst v12  }
0x2ac: {  	v10 =	vadd.f32 v32, v10;
	[tilespmem:$0x17D40] =	vst v13  }
0x2ad: {  	v4 =	vadd.f32 v22, v4;
	v6 =	vadd.f32 v33, v6;
	[tilespmem:$0x17D50] =	vst v9  }
0x2ae: {  	v7 =	vadd.f32 v19, v7;
	v11 =	vadd.f32 v34, v11;
	[tilespmem:$0x17D60] =	vst v10  }
0x2af: {  	v4 =	vadd.f32 v35, v4;
	[tilespmem:$0x17D70] =	vst v6  }
0x2b0: {  	v7 =	vadd.f32 v37, v7;
	v9 =	vadd.f32 v21, v14;
	[tilespmem:$0x17D80] =	vst v11  }
0x2b1: {  	v3 =	vadd.f32 v25, v3;
	v6 =	vadd.f32 v20, v15;
	[tilespmem:$0x17D90] =	vst v4  }
0x2b2: {  	v8 =	vadd.f32 v23, v8;
	[tilespmem:$0x17DB0] =	vst v7;
	v9 =	vadd.f32 v36, v9  }
0x2b3: {  	v4 =	vadd.f32 v24, v5;
	[tilespmem:$0x17DF0] =	vst v3;
	v5 =	vadd.f32 v38, v6  }
0x2b4: {  	v6 =	vadd.f32 v62, v8;
	[tilespmem:$0x17DA0] =	vst v9  }
0x2b5: {  	s1 =	simm.s32 $0x100;
	s0 =	simm.s32 $0x200;
	v4 =	vadd.f32 v63, v4;
	[tilespmem:$0x17DC0] =	vst v5  }
0x2b6: {  	s1 =	sand.u32 $0x380, s1;
	s0 =	sand.u32 $0x1F800, s0;
	[tilespmem:$0x17DD0] =	vst v6  }
0x2b7: {  	s29 =	sor.u32 s1, s0;
	[tilespmem:$0x17DE0] =	vst v4  }
0x2b8: {  	v3 =	vld [tilespmem:s29+$0xE870]  }
0x2b9: {  	v5 =	vld [tilespmem:s29+$0xE400]  }
0x2ba: {  	v6 =	vld [tilespmem:s29+$0xE410]  }
0x2bb: {  	v7 =	vld [tilespmem:s29+$0xE420]  }
0x2bc: {  	v8 =	vld [tilespmem:s29+$0xE430]  }
0x2bd: {  	v9 =	vld [tilespmem:s29+$0xE440]  }
0x2be: {  	v10 =	vld [tilespmem:s29+$0xE450]  }
0x2bf: {  	v11 =	vld [tilespmem:s29+$0xE460]  }
0x2c0: {  	v4 =	vimm.f32 $0.0e+00;
	v14 =	vld [tilespmem:s29+$0xE470]  }
0x2c1: {  	v15 =	vld [tilespmem:s29+$0xE800];
	v3 =	vadd.f32 v3, v4  }
0x2c2: {  	v18 =	vadd.f32 v5, v4;
	v17 =	vadd.f32 v6, v4  }
0x2c3: {  	v22 =	vld [tilespmem:s29+$0xE810];
	v16 =	vadd.f32 v7, v4;
	v12 =	vadd.f32 v8, v4  }
0x2c4: {  	v21 =	vld [tilespmem:s29+$0xE820];
	v13 =	vadd.f32 v9, v4;
	v9 =	vadd.f32 v10, v4  }
0x2c5: {  	v19 =	vld [tilespmem:s29+$0xE830];
	v10 =	vadd.f32 v11, v4;
	v6 =	vadd.f32 v14, v4  }
0x2c6: {  	s30 =	simm.s32 $0x280;
	s1 =	simm.s32 $0x500;
	v20 =	vld [tilespmem:s29+$0xE840];
	v11 =	vadd.f32 v15, v4;
	v14 =	vimm.f32 $0.0e+00;
	v7 =	vimm.f32 $0.0e+00  }
0x2c7: {  	s31 =	simm.s32 $0x800;
	s0 =	sand.u32 $0x380, s30;
	s1 =	sand.u32 $0x1F800, s1;
	v23 =	vld [tilespmem:s29+$0xE850];
	v15 =	vimm.f32 $0.0e+00;
	v8 =	vimm.f32 $0.0e+00;
	v5 =	vimm.f32 $0.0e+00  }
.LBB2_15:
0x2c8: {  	p1 =	sne.s32 s31, $0x9500;
	v4 =	vadd.f32 v22, v4;
	v22 =	vld [tilespmem:s29+$0xE860];
	s29 =	sor.u32 s0, s1  }
0x2c9: {  	v24 =	vld [tilespmem:s29+$0xE870];
	v14 =	vadd.f32 v21, v14  }
0x2ca: {  	v21 =	vld [tilespmem:s29+$0xE400];
	v7 =	vadd.f32 v19, v7  }
0x2cb: {  	v19 =	vld [tilespmem:s29+$0xE410];
	v15 =	vadd.f32 v20, v15  }
0x2cc: {  	v20 =	vld [tilespmem:s29+$0xE420];
	v8 =	vadd.f32 v23, v8  }
0x2cd: {  	v23 =	vld [tilespmem:s29+$0xE430];
	v5 =	vadd.f32 v22, v5  }
0x2ce: {  	v22 =	vld [tilespmem:s29+$0xE440];
	v3 =	vadd.f32 v24, v3  }
0x2cf: {  	v18 =	vadd.f32 v21, v18;
	v21 =	vld [tilespmem:s29+$0xE450]  }
0x2d0: {  	v17 =	vadd.f32 v19, v17;
	v19 =	vld [tilespmem:s29+$0xE460]  }
0x2d1: {  	v16 =	vadd.f32 v20, v16;
	v20 =	vld [tilespmem:s29+$0xE470]  }
0x2d2: {  	v12 =	vadd.f32 v23, v12;
	v23 =	vld [tilespmem:s29+$0xE800]  }
.Ltmp10:
0x2d3: {  	v13 =	vadd.f32 v22, v13;
	v22 =	vld [tilespmem:s29+$0xE810];
	(pc) =	sbr.rel @p1 .LBB2_15-.Ltmp10, $4  }
0x2d4: {  	v9 =	vadd.f32 v21, v9;
	v21 =	vld [tilespmem:s29+$0xE820]  }
0x2d5: {  	v10 =	vadd.f32 v19, v10;
	v19 =	vld [tilespmem:s29+$0xE830]  }
0x2d6: {  	s30 =	sadd.s32 $0x180, s30;
	v6 =	vadd.f32 v20, v6;
	v20 =	vld [tilespmem:s29+$0xE840]  }
0x2d7: {  	s1 =	sand.u32 $0x1F800, s31;
	s31 =	sadd.s32 $0x300, s31;
	s0 =	sand.u32 $0x380, s30;
	v11 =	vadd.f32 v23, v11;
	v23 =	vld [tilespmem:s29+$0xE850]  }
0x2d8: {  	s0 =	sor.u32 s0, s1;
	v24 =	vld [tilespmem:s29+$0xE860]  }
0x2d9: {  	v25 =	vld [tilespmem:s0+$0xE870]  }
0x2da: {  	v26 =	vld [tilespmem:s0+$0xE400]  }
0x2db: {  	v27 =	vld [tilespmem:s0+$0xE410]  }
0x2dc: {  	v28 =	vld [tilespmem:s0+$0xE420]  }
0x2dd: {  	v29 =	vld [tilespmem:s0+$0xE430]  }
0x2de: {  	v30 =	vld [tilespmem:s0+$0xE440]  }
0x2df: {  	v31 =	vld [tilespmem:s0+$0xE450]  }
0x2e0: {  	v32 =	vld [tilespmem:s0+$0xE460]  }
0x2e1: {  	v33 =	vld [tilespmem:s0+$0xE470]  }
0x2e2: {  	v34 =	vld [tilespmem:s0+$0xE800]  }
0x2e3: {  	v35 =	vld [tilespmem:s0+$0xE810]  }
0x2e4: {  	v36 =	vld [tilespmem:s0+$0xE820]  }
0x2e5: {  	v37 =	vld [tilespmem:s0+$0xE830]  }
0x2e6: {  	v38 =	vld [tilespmem:s0+$0xE840];
	v18 =	vadd.f32 v26, v18  }
0x2e7: {  	v57 =	vld [tilespmem:s0+$0xE850];
	v17 =	vadd.f32 v27, v17  }
0x2e8: {  	v58 =	vld [tilespmem:s0+$0xE860];
	v16 =	vadd.f32 v28, v16;
	[tilespmem:$0x17E00] =	vst v18  }
0x2e9: {  	v12 =	vadd.f32 v29, v12;
	[tilespmem:$0x17E10] =	vst v17  }
0x2ea: {  	v13 =	vadd.f32 v30, v13;
	[tilespmem:$0x17E20] =	vst v16  }
0x2eb: {  	v9 =	vadd.f32 v31, v9;
	[tilespmem:$0x17E30] =	vst v12  }
0x2ec: {  	v10 =	vadd.f32 v32, v10;
	[tilespmem:$0x17E40] =	vst v13  }
0x2ed: {  	v4 =	vadd.f32 v22, v4;
	v6 =	vadd.f32 v33, v6;
	[tilespmem:$0x17E50] =	vst v9  }
0x2ee: {  	v7 =	vadd.f32 v19, v7;
	v11 =	vadd.f32 v34, v11;
	[tilespmem:$0x17E60] =	vst v10  }
0x2ef: {  	v60 =	vadd.f32 v20, v15;
	v4 =	vadd.f32 v35, v4;
	[tilespmem:$0x17E70] =	vst v6  }
0x2f0: {  	v8 =	vadd.f32 v23, v8;
	v7 =	vadd.f32 v37, v7;
	[tilespmem:$0x17E80] =	vst v11  }
0x2f1: {  	v62 =	vadd.f32 v38, v60;
	[tilespmem:$0x17E90] =	vst v4  }
0x2f2: {  	v59 =	vadd.f32 v21, v14;
	v63 =	vadd.f32 v57, v8;
	[tilespmem:$0x17EB0] =	vst v7  }
.Ltmp11:
0x2f3: {  	v61 =	vadd.f32 v24, v5;
	v3 =	vadd.f32 v25, v3;
	[tilespmem:$0x17EC0] =	vst v62;
	(pc) =	sbr.rel @p0 .LBB2_18-.Ltmp11, $4  }
0x2f4: {  	v9 =	vadd.f32 v36, v59;
	[tilespmem:$0x17ED0] =	vst v63  }
0x2f5: {  	v4 =	vadd.f32 v58, v61;
	[tilespmem:$0x17EF0] =	vst v3  }
0x2f6: {  	[tilespmem:$0x17EA0] =	vst v9  }
0x2f7: {  	[tilespmem:$0x17EE0] =	vst v4  }
0x2f8: {  	s0 =	smul.u32 $0x4C0, s26;
	_ =	sdelay $0x1  }
0x2f9: {  	s29 =	sshra.s32 s0, $0x2  }
0x2fa: {  	v3 =	vld [tilespmem:s29+$0x1C8];
	_ =	sdelay $0x4  }
0x2fb: {  	v4 =	vshll.u32 v3, $0x1  }
0x2fc: {  	v3 =	vand.u32 $0x7, v3;
	v4 =	vand.u32 $0xFFFFFFF0, v4  }
0x2fd: {  	v3 =	vor.u32 v3, v4  }
0x2fe: {  	v4 =	vperm.xlane v3, v0;
	_ =	sdelay $0x1  }
0x2ff: {  	v3 =	vperm.xlane v3, v2;
	v4 =	vadd.s32 v1, v4;
	_ =	sdelay $0x1  }
0x300: {  	v3 =	vadd.s32 v1, v3;
	_ =	sdelay $0x1  }
0x301: {  	s30 =	simm.s32 $0xE400  }
0x302: {  	[tilespmem:s30], [sflag:$0x2] =	stream.indirect_vreg.gather [hbm4b:s4+s3], $0x80, v4, vm0, $0xb8;
	[tilespmem:$0x17F00] =	vst v63  }
0x303: {  	s31 =	simm.s32 $0xEC00  }
0x304: {  	[tilespmem:s31], [sflag:$0x2] =	stream.indirect_vreg.gather [hbm4b:s4+s3], $0x80, v3, vm0, $0xb8;
	[tilespmem:$0x17F00] =	vst v63  }
0x305: {  	v3 =	vld [tilespmem:s29+$0x1D8];
	_ =	sdelay $0x4  }
0x306: {  	v55 =	vshll.u32 v3, $0x1  }
0x307: {  	v3 =	vand.u32 $0x7, v3;
	v4 =	vand.u32 $0xFFFFFFF0, v55  }
0x308: {  	v3 =	vor.u32 v3, v4  }
0x309: {  	v4 =	vperm.xlane v3, v0;
	_ =	sdelay $0x1  }
0x30a: {  	v3 =	vperm.xlane v3, v2;
	v4 =	vadd.s32 v1, v4;
	_ =	sdelay $0x1  }
0x30b: {  	v3 =	vadd.s32 v1, v3;
	_ =	sdelay $0x1  }
0x30c: {  	s1 =	simm.s32 $0xF400  }
0x30d: {  	[tilespmem:s1], [sflag:$0x2] =	stream.indirect_vreg.gather [hbm4b:s4+s3], $0x80, v4, vm0, $0xb8;
	[tilespmem:$0x17F00] =	vst v63  }
0x30e: {  	s30 =	simm.s32 $0xFC00  }
0x30f: {  	[tilespmem:s30], [sflag:$0x2] =	stream.indirect_vreg.gather [hbm4b:s4+s3], $0x80, v3, vm0, $0xb8;
	[tilespmem:$0x17F00] =	vst v63  }
0x310: {  	v3 =	vld [tilespmem:s29+$0x1E8];
	_ =	sdelay $0x4  }
0x311: {  	v56 =	vshll.u32 v3, $0x1  }
0x312: {  	v3 =	vand.u32 $0x7, v3;
	v4 =	vand.u32 $0xFFFFFFF0, v56  }
0x313: {  	v3 =	vor.u32 v3, v4  }
0x314: {  	v4 =	vperm.xlane v3, v0;
	_ =	sdelay $0x1  }
0x315: {  	v3 =	vperm.xlane v3, v2;
	v4 =	vadd.s32 v1, v4;
	_ =	sdelay $0x1  }
0x316: {  	v3 =	vadd.s32 v1, v3;
	_ =	sdelay $0x1  }
0x317: {  	s31 =	simm.s32 $0x10400  }
0x318: {  	[tilespmem:s31], [sflag:$0x2] =	stream.indirect_vreg.gather [hbm4b:s4+s3], $0x80, v4, vm0, $0xb8;
	[tilespmem:$0x17F00] =	vst v63  }
0x319: {  	_ = 	snop  }
0x31a: {  	[tilespmem:s6], [sflag:$0x2] =	stream.indirect_vreg.gather [hbm4b:s4+s3], $0x80, v3, vm0, $0xb8;
	[tilespmem:$0x17F00] =	vst v63  }
0x31b: {  	v3 =	vld [tilespmem:s29+$0x1F8];
	_ =	sdelay $0x4  }
0x31c: {  	v57 =	vshll.u32 v3, $0x1  }
0x31d: {  	v3 =	vand.u32 $0x7, v3;
	v4 =	vand.u32 $0xFFFFFFF0, v57  }
0x31e: {  	v3 =	vor.u32 v3, v4  }
0x31f: {  	v4 =	vperm.xlane v3, v0;
	_ =	sdelay $0x1  }
0x320: {  	v3 =	vperm.xlane v3, v2;
	v4 =	vadd.s32 v1, v4;
	_ =	sdelay $0x1  }
0x321: {  	v3 =	vadd.s32 v1, v3;
	_ =	sdelay $0x2  }
0x322: {  	[tilespmem:s7], [sflag:$0x2] =	stream.indirect_vreg.gather [hbm4b:s4+s3], $0x80, v4, vm0, $0xb8;
	[tilespmem:$0x17F00] =	vst v63  }
0x323: {  	_ = 	snop  }
0x324: {  	[tilespmem:s9], [sflag:$0x2] =	stream.indirect_vreg.gather [hbm4b:s4+s3], $0x80, v3, vm0, $0xb8;
	[tilespmem:$0x17F00] =	vst v63  }
0x325: {  	v3 =	vld [tilespmem:s29+$0x208];
	_ =	sdelay $0x4  }
0x326: {  	v58 =	vshll.u32 v3, $0x1  }
0x327: {  	v3 =	vand.u32 $0x7, v3;
	v4 =	vand.u32 $0xFFFFFFF0, v58  }
0x328: {  	v3 =	vor.u32 v3, v4  }
0x329: {  	v4 =	vperm.xlane v3, v0;
	_ =	sdelay $0x1  }
0x32a: {  	v3 =	vperm.xlane v3, v2;
	v4 =	vadd.s32 v1, v4;
	_ =	sdelay $0x1  }
0x32b: {  	v3 =	vadd.s32 v1, v3;
	_ =	sdelay $0x2  }
0x32c: {  	[tilespmem:s10], [sflag:$0x2] =	stream.indirect_vreg.gather [hbm4b:s4+s3], $0x80, v4, vm0, $0xb8;
	[tilespmem:$0x17F00] =	vst v63  }
0x32d: {  	_ = 	snop  }
0x32e: {  	[tilespmem:s11], [sflag:$0x2] =	stream.indirect_vreg.gather [hbm4b:s4+s3], $0x80, v3, vm0, $0xb8;
	[tilespmem:$0x17F00] =	vst v63  }
0x32f: {  	v3 =	vld [tilespmem:s29+$0x218];
	_ =	sdelay $0x4  }
0x330: {  	v59 =	vshll.u32 v3, $0x1  }
0x331: {  	v3 =	vand.u32 $0x7, v3;
	v4 =	vand.u32 $0xFFFFFFF0, v59  }
0x332: {  	v3 =	vor.u32 v3, v4  }
0x333: {  	v4 =	vperm.xlane v3, v0;
	_ =	sdelay $0x1  }
0x334: {  	v3 =	vperm.xlane v3, v2;
	v4 =	vadd.s32 v1, v4;
	_ =	sdelay $0x1  }
0x335: {  	v3 =	vadd.s32 v1, v3;
	_ =	sdelay $0x2  }
0x336: {  	[tilespmem:s12], [sflag:$0x2] =	stream.indirect_vreg.gather [hbm4b:s4+s3], $0x80, v4, vm0, $0xb8;
	[tilespmem:$0x17F00] =	vst v63  }
0x337: {  	_ = 	snop  }
0x338: {  	[tilespmem:s13], [sflag:$0x2] =	stream.indirect_vreg.gather [hbm4b:s4+s3], $0x80, v3, vm0, $0xb8;
	[tilespmem:$0x17F00] =	vst v63  }
0x339: {  	v3 =	vld.msk [tilespmem:s29+$0x228], $0xff;
	_ =	sdelay $0x4  }
0x33a: {  	v60 =	vshll.u32 v3, $0x1  }
0x33b: {  	v3 =	vand.u32 $0x7, v3;
	v4 =	vand.u32 $0xFFFFFFF0, v60  }
0x33c: {  	v3 =	vor.u32 v3, v4  }
0x33d: {  	v3 =	vperm.xlane v3, v0;
	_ =	sdelay $0x1  }
0x33e: {  	v3 =	vadd.s32 v1, v3;
	_ =	sdelay $0x4  }
0x33f: {  	[tilespmem:s14], [sflag:$0x2] =	stream.indirect_vreg.gather [hbm4b:s4+s3], $0x80, v3, vm0, $0xb8;
	[tilespmem:$0x17F00] =	vst v63  }
0x340: {  	v3 =	vld [tilespmem:s29+$0x230];
	_ =	sdelay $0x4  }
0x341: {  	v61 =	vshll.u32 v3, $0x1  }
0x342: {  	v3 =	vand.u32 $0x7, v3;
	v4 =	vand.u32 $0xFFFFFFF0, v61  }
0x343: {  	v3 =	vor.u32 v3, v4  }
0x344: {  	v4 =	vperm.xlane v3, v0;
	_ =	sdelay $0x1  }
0x345: {  	v3 =	vperm.xlane v3, v2;
	v4 =	vadd.s32 v1, v4;
	_ =	sdelay $0x1  }
0x346: {  	v3 =	vadd.s32 v1, v3;
	_ =	sdelay $0x2  }
0x347: {  	[tilespmem:s15], [sflag:$0x2] =	stream.indirect_vreg.gather [hbm4b:s4+s3], $0x80, v4, vm0, $0xb8;
	[tilespmem:$0x17F00] =	vst v63  }
0x348: {  	_ = 	snop  }
0x349: {  	[tilespmem:s16], [sflag:$0x2] =	stream.indirect_vreg.gather [hbm4b:s4+s3], $0x80, v3, vm0, $0xb8;
	[tilespmem:$0x17F00] =	vst v63  }
0x34a: {  	v3 =	vld [tilespmem:s29+$0x240];
	_ =	sdelay $0x4  }
0x34b: {  	v62 =	vshll.u32 v3, $0x1  }
0x34c: {  	v3 =	vand.u32 $0x7, v3;
	v4 =	vand.u32 $0xFFFFFFF0, v62  }
0x34d: {  	v3 =	vor.u32 v3, v4  }
0x34e: {  	v4 =	vperm.xlane v3, v0;
	_ =	sdelay $0x1  }
0x34f: {  	v3 =	vperm.xlane v3, v2;
	v4 =	vadd.s32 v1, v4;
	_ =	sdelay $0x1  }
0x350: {  	v3 =	vadd.s32 v1, v3;
	_ =	sdelay $0x2  }
0x351: {  	[tilespmem:s17], [sflag:$0x2] =	stream.indirect_vreg.gather [hbm4b:s4+s3], $0x80, v4, vm0, $0xb8;
	[tilespmem:$0x17F00] =	vst v63  }
0x352: {  	_ = 	snop  }
0x353: {  	[tilespmem:s18], [sflag:$0x2] =	stream.indirect_vreg.gather [hbm4b:s4+s3], $0x80, v3, vm0, $0xb8;
	[tilespmem:$0x17F00] =	vst v63  }
0x354: {  	v3 =	vld [tilespmem:s29+$0x250];
	_ =	sdelay $0x4  }
0x355: {  	v63 =	vshll.u32 v3, $0x1  }
0x356: {  	v3 =	vand.u32 $0x7, v3;
	v4 =	vand.u32 $0xFFFFFFF0, v63  }
0x357: {  	v3 =	vor.u32 v3, v4  }
0x358: {  	v4 =	vperm.xlane v3, v0;
	_ =	sdelay $0x1  }
0x359: {  	v3 =	vperm.xlane v3, v2;
	v4 =	vadd.s32 v1, v4;
	_ =	sdelay $0x1  }
0x35a: {  	v3 =	vadd.s32 v1, v3  }
.Ltmp12:
0x35b: {  	_ = 	snop;
	(pc) =	sbr.rel .LBB2_18-.Ltmp12, $4  }
0x35c: {  	_ = 	snop  }
0x35d: {  	[tilespmem:s19], [sflag:$0x2] =	stream.indirect_vreg.gather [hbm4b:s4+s3], $0x80, v4, vm0, $0xb8;
	[tilespmem:$0x17F00] =	vst v63  }
0x35e: {  	_ = 	snop  }
0x35f: {  	[tilespmem:s20], [sflag:$0x2] =	stream.indirect_vreg.gather [hbm4b:s4+s3], $0x80, v3, vm0, $0xb8;
	[tilespmem:$0x17F00] =	vst v63  }
.LBB2_20:
0x360: {  	_ =	sfence.sel $0x180000  }
0x361: {  	[bflag:$0x0] =	sbarrier.arrive $0xFFFF  }
0x362: {  	_ =	strace $0x90000047  }
0x363: {  	s0 =	stileid.u32;
	[bflag:$0x2] =	sbarrier.arrive $0xFFFF  }
0x364: {  	p0 =	sne.s32 s0, $0x0;
	s0 =	rddreg [dreg:$0x2]  }
0x365: {  	s0 =	sadd.s32 @!p0 $0x100000, s0  }
0x366: {  	[sflag:s0] =	ssyncadd.tile.s32 @!p0 $0x1;
	_ =	shalt  }
.Lfunc_end2:
_tile_overlayer_lowered:
.L_overlay_start_2:
0x367: {  	(tag) =	ssettag $0x2  }
0x368: {  	s0 =	rddreg [dreg:$0x0];
	s2 =	stileid.u32  }
0x369: {  	s1 =	rddreg [dreg:$0x1];
	p0 =	sne.s32 s2, $0x0  }
0x36a: {  	s3 =	rddreg [dreg:$0x2];
	[bflag:$0x3] =	sbarrier.arrive $0xFFFF;
	s2 =	simm.s32 @!p0 $0x1C03  }
0x36b: {  	[timem:s3], [sflag:s2] =	dma.local @!p0 [hbm:s0], s1  }
0x36c: {  	s0 =	simm.s32 @!p0 $0x3  }
0x36d: {  	_ =	swait.ge @!p0 [sflag:s0], s1  }
0x36e: {  	s1 =	ssub.s32 @!p0 $0x0, s1;
	[sflag:s0] =	ssyncset.done @!p0 $0x0  }
0x36f: {  	[sflag:s0] =	ssyncadd.s32 @!p0 s1  }
0x370: {  	[bflag:$0x3] =	sbarrier.arrive $0xFFFF  }
0x371: {  	_ =	shalt  }

</sc_bundles>
